<compile_context>
chip_gen: v7x
topology: tpu7x:2x2x1
jax: 0.10.2.dev20260603
libtpu: 0.0.44.dev20260713+nightly
codegen_flags: <defaults>
</compile_context>

<pallas_src>
import numpy as np

import jax
import jax.numpy as jnp
from jax import lax
from jax.experimental import pallas as pl
from jax.experimental.pallas import tpu as pltpu
from jax.experimental.pallas import tpu_sc as plsc

_N_DATA = 1000000
_D = 64
_K = 4096
_K1 = _K + 1
_T = 0.07
_M = 0.5
_B = 256
_SHIFT0 = 44.0
_CH = 64
_NG = _CH // 16
_NPOS = _B * _K
_NC, _NS, _L = 2, 16, 16
_NW = _NC * _NS
_BPW = _B // _NW
_PT = _NPOS // _NW // _CH
_NBUF = 4


def _neg_sorted():
    with jax.default_device(jax.local_devices(backend="cpu")[0]):
        key = jax.random.fold_in(jax.random.key(0), 123)
        idx = np.asarray(jax.random.randint(key, (_B, _K1), 0, _N_DATA))
    flat = idx[:, 1:].reshape(-1).astype(np.int32)
    order = np.argsort(flat, kind="stable")
    sidx = flat[order].reshape(-1, _CH)
    boff = (order // _K).astype(np.int32).reshape(-1, _CH) * _D
    return sidx, boff


_SIDX, _BOFF = _neg_sorted()


def _sc_body(mem, sidx2d, boff2d, xf, xjf, shift, y, lxp, ljp, my,
             idx_v, boff_v, x_v, xj_v, sh_v, y_v, ym_v, binx_v, binj_v,
             rows0, rows1, rows2, rows3,
             gsem0, gsem1, gsem2, gsem3, ysem):
    cid = lax.axis_index("c")
    sid = lax.axis_index("s")
    wid = sid * _NC + cid

    pltpu.sync_copy(sidx2d.at[pl.ds(wid * _PT, _PT)], idx_v)
    pltpu.sync_copy(boff2d.at[pl.ds(wid * _PT, _PT)], boff_v)
    pltpu.sync_copy(xf, x_v)
    pltpu.sync_copy(xjf, xj_v)
    pltpu.sync_copy(shift, sh_v)
    pltpu.sync_copy(y.at[pl.ds(wid * _BPW, _BPW)], y_v)

    pltpu.make_async_copy(mem.at[y_v], ym_v, ysem).start()
    pltpu.make_async_copy(mem.at[y_v], ym_v, ysem).wait()
    pltpu.sync_copy(ym_v, my.at[pl.ds(wid * _BPW, _BPW)])

    zero16 = jnp.zeros((_L,), jnp.float32)
    for q in range(_B // _L):
        binx_v[pl.ds(q * _L, _L)] = zero16
        binj_v[pl.ds(q * _L, _L)] = zero16

    rows = (rows0, rows1, rows2, rows3)
    gsems = (gsem0, gsem1, gsem2, gsem3)

    def start_gather(c, i):
        pltpu.make_async_copy(mem.at[idx_v.at[c]], rows[i], gsems[i]).start()

    def wait_gather(c, i):
        pltpu.make_async_copy(mem.at[idx_v.at[c]], rows[i], gsems[i]).wait()

    iota16 = lax.iota(jnp.int32, _L)
    rowids = [iota16 + g * _L for g in range(_NG)]
    inv_t = jnp.float32(1.0 / _T)

    def stag_cols(d):
        t = d + iota16
        return jnp.where(t >= _D, t - _D, t)

    for i in range(_NBUF - 1):
        start_gather(i, i)

    def outer(t, carry):
        for i in range(_NBUF):
            c = t * _NBUF + i

            @pl.when(c + _NBUF - 1 < _PT)
            def _():
                start_gather(c + _NBUF - 1, (i + _NBUF - 1) % _NBUF)

            wait_gather(c, i)

            xoffs = [boff_v[c, pl.ds(g * _L, _L)] for g in range(_NG)]
            accs0 = tuple(zero16 for _ in range(2 * _NG))

            @plsc.parallel_loop(0, _D, unroll=4, carry=accs0)
            def accs(d, acc):
                ci = stag_cols(d)
                out = []
                for g in range(_NG):
                    v = plsc.load_gather(rows[i], [rowids[g], ci])
                    xd = plsc.load_gather(x_v, [xoffs[g] + ci])
                    jd = plsc.load_gather(xj_v, [xoffs[g] + ci])
                    out.append(acc[2 * g] + v * xd)
                    out.append(acc[2 * g + 1] + v * jd)
                return tuple(out)

            for g in range(_NG):
                bvec = lax.shift_right_logical(xoffs[g], 6)
                sh = plsc.load_gather(sh_v, [bvec])
                ex = jnp.exp(accs[2 * g] * inv_t - sh)
                ej = jnp.exp(accs[2 * g + 1] * inv_t - sh)
                plsc.addupdate_scatter(binx_v, [bvec], ex)
                plsc.addupdate_scatter(binj_v, [bvec], ej)
        return carry

    lax.fori_loop(0, _PT // _NBUF, outer, 0)

    pltpu.sync_copy(binx_v, lxp.at[wid])
    pltpu.sync_copy(binj_v, ljp.at[wid])


def _sc_call(memory, sidx2d, boff2d, xf, xjf, shift, y):
    mesh = plsc.VectorSubcoreMesh(
        core_axis_name="c", subcore_axis_name="s", num_cores=_NC,
        num_subcores=_NS)
    f32 = jnp.float32
    kern = pl.kernel(
        _sc_body,
        out_type=(
            jax.ShapeDtypeStruct((_NW, _B), f32),
            jax.ShapeDtypeStruct((_NW, _B), f32),
            jax.ShapeDtypeStruct((_B, _D), f32),
        ),
        mesh=mesh,
        compiler_params=pltpu.CompilerParams(
            needs_layout_passes=False, use_tc_tiling_on_sc=False),
        scratch_types=[
            pltpu.VMEM((_PT, _CH), jnp.int32),
            pltpu.VMEM((_PT, _CH), jnp.int32),
            pltpu.VMEM((_B * _D,), f32),
            pltpu.VMEM((_B * _D,), f32),
            pltpu.VMEM((_B,), f32),
            pltpu.VMEM((_BPW,), jnp.int32),
            pltpu.VMEM((_BPW, _D), f32),
            pltpu.VMEM((_B,), f32),
            pltpu.VMEM((_B,), f32),
            pltpu.VMEM((_CH, _D), f32),
            pltpu.VMEM((_CH, _D), f32),
            pltpu.VMEM((_CH, _D), f32),
            pltpu.VMEM((_CH, _D), f32),
            pltpu.SemaphoreType.DMA,
            pltpu.SemaphoreType.DMA,
            pltpu.SemaphoreType.DMA,
            pltpu.SemaphoreType.DMA,
            pltpu.SemaphoreType.DMA,
        ],
    )
    return kern(memory, sidx2d, boff2d, xf, xjf, shift, y)


def _shift_body(xt_ref, s_ref):
    xt = xt_ref[...]
    s_ref[...] = (jnp.sqrt(jnp.sum(xt * xt, axis=0, keepdims=True))
                  * jnp.float32(1.0 / _T) - _SHIFT0)


def _shift_call(xt):
    return pl.pallas_call(
        _shift_body,
        out_shape=jax.ShapeDtypeStruct((1, _B), jnp.float32),
    )(xt)


def _loss_body(lxp_ref, ljp_ref, xt_ref, xjt_ref, myt_ref, s_ref,
               loss_ref, wpt_ref):
    s = s_ref[...]
    inv_t = jnp.float32(1.0 / _T)
    xt = xt_ref[...]
    xjt = xjt_ref[...]
    myt = myt_ref[...]

    l0x = jnp.sum(myt * xt, axis=0, keepdims=True) * inv_t
    l0j = jnp.sum(myt * xjt, axis=0, keepdims=True) * inv_t
    sx = jnp.sum(lxp_ref[...], axis=0, keepdims=True) + jnp.exp(l0x - s)
    sj = jnp.sum(ljp_ref[...], axis=0, keepdims=True) + jnp.exp(l0j - s)
    zx = jnp.log(sx) + s
    zj = jnp.log(sj) + s
    loss = 0.5 * (jnp.sum(zx - l0x) + jnp.sum(zj - l0j)) / _B
    loss_ref[...] = loss.reshape(1, 1)

    wpt = myt * _M + xt * (1.0 - _M)
    wpt_ref[...] = wpt * lax.rsqrt(jnp.sum(wpt * wpt, axis=0, keepdims=True))


def _loss_call(lxp, ljp, xt, xjt, myt, s):
    return pl.pallas_call(
        _loss_body,
        out_shape=(
            jax.ShapeDtypeStruct((1, 1), jnp.float32),
            jax.ShapeDtypeStruct((_D, _B), jnp.float32),
        ),
    )(lxp, ljp, xt, xjt, myt, s)


def _scatter_body(y_pref, yv_ref, wpt_ref, mem_blk, out_blk):
    i = pl.program_id(0)
    blk = y_pref[i] // 128
    yv = yv_ref[0, :]
    colof = jnp.where(yv // 128 == blk, yv % 128, -1)
    jgrid = lax.broadcasted_iota(jnp.int32, (_B, 128), 0)
    cgrid = lax.broadcasted_iota(jnp.int32, (_B, 128), 1)
    hitjc = colof[:, None] == cgrid
    jmax = jnp.max(jnp.where(hitjc, jgrid, -1), axis=0)
    selected = hitjc & (jgrid == jmax[None, :])
    upd = jnp.dot(wpt_ref[...], selected.astype(jnp.float32),
                  preferred_element_type=jnp.float32)
    mask = (jmax >= 0)[None, :]
    out_blk[...] = jnp.where(mask, upd, mem_blk[...])


def _scatter_call(y_sorted, wpt, memory_t):
    grid_spec = pltpu.PrefetchScalarGridSpec(
        num_scalar_prefetch=1,
        grid=(_B,),
        in_specs=[
            pl.BlockSpec((1, _B), lambda i, yref: (0, 0)),
            pl.BlockSpec((_D, _B), lambda i, yref: (0, 0)),
            pl.BlockSpec((_D, 128), lambda i, yref: (0, yref[i] // 128)),
        ],
        out_specs=pl.BlockSpec((_D, 128), lambda i, yref: (0, yref[i] // 128)),
    )
    out = pl.pallas_call(
        _scatter_body,
        grid_spec=grid_spec,
        out_shape=jax.ShapeDtypeStruct((_D, _N_DATA), jnp.float32),
        input_output_aliases={3: 0},
    )(y_sorted, y_sorted.reshape(1, _B), wpt, memory_t)
    return out.T


def kernel(x, y, x_jig, memory):
    sidx2d = jnp.asarray(_SIDX)
    boff2d = jnp.asarray(_BOFF)
    y32 = y.astype(jnp.int32)
    xt = x.T
    xjt = x_jig.T

    s = _shift_call(xt)
    lxp, ljp, my = _sc_call(
        memory, sidx2d, boff2d, x.reshape(-1), x_jig.reshape(-1),
        s.reshape(_B), y32)

    loss11, wpt = _loss_call(lxp, ljp, xt, xjt, my.T, s)

    perm = jnp.argsort(y32)
    new_memory = _scatter_call(y32[perm], wpt[:, perm], memory.T)
    return loss11.reshape(()), new_memory

# --- scband reference (transcript-rebuilt; emitter-appended) ---
"""Pipeline reference for scband-contrast-pirl-35218731827210 (READ-ONLY COPY).

The authoritative reference and input builder live on the scoring server;
editing this copy changes nothing except your own understanding.
"""

import jax, jax.numpy as jnp
import numpy as np

N_DATA = 1000000
N_DIM = 64
K = 4096
T = 0.07
M = 0.5
BSZ = 256


def setup_inputs(seed: int = 0) -> dict:
    key = jax.random.key(seed)
    k1, k2, k3, k4 = jax.random.split(key, 4)
    x = jax.random.normal(k1, (BSZ, N_DIM), dtype=jnp.float32)
    x_jig = jax.random.normal(k2, (BSZ, N_DIM), dtype=jnp.float32)
    y = jax.random.randint(k3, (BSZ,), 0, N_DATA)
    memory = jax.random.normal(k4, (N_DATA, N_DIM), dtype=jnp.float32)
    memory = memory / jnp.linalg.norm(memory, axis=1, keepdims=True)
    return {"x": x, "y": y, "x_jig": x_jig, "memory": memory}


def _cross_entropy_label0(logits):
    # nn.CrossEntropyLoss with labels == 0 (mean reduction)
    logZ = jax.nn.logsumexp(logits, axis=1)
    return jnp.mean(logZ - logits[:, 0])


def reference(x, y, x_jig, memory):
    bsz, n_dim = x.shape
    # AliasMethod over uniform weights == uniform integer sampling in [0, n_data)
    idx_key = jax.random.fold_in(jax.random.key(0), 123)
    idx = jax.random.randint(idx_key, (bsz, K + 1), 0, N_DATA)
    idx = idx.at[:, 0].set(y.astype(idx.dtype))
    # gather negatives + positive rows from memory bank
    w = jnp.take(memory, idx.reshape(-1), axis=0).reshape(bsz, K + 1, n_dim)
    # bmm(w, x.unsqueeze(2)) / T
    logits = jnp.einsum('bkd,bd->bk', w, x) / T
    logits_jig = jnp.einsum('bkd,bd->bk', w, x_jig) / T
    loss_1 = _cross_entropy_label0(logits)
    loss_2 = _cross_entropy_label0(logits_jig)
    loss = (1 - 0.5) * loss_1 + 0.5 * loss_2
    # memory update (no_grad in torch): EMA + renormalize + scatter overwrite
    w_pos = jnp.take(memory, y, axis=0)
    w_pos = w_pos * M + x * (1 - M)
    w_pos = w_pos / jnp.linalg.norm(w_pos, axis=1, keepdims=True)
    new_memory = memory.at[y].set(w_pos)
    return loss, new_memory

if __name__ == "__main__":
    import jax
    _d = setup_inputs()
    print(jax.jit(kernel)(*tuple(_d.values())))

</pallas_src>

<mosaic_0001>
#map = affine_map<(d0, d1) -> (0, 0)>
#map1 = affine_map<(d0, d1) -> (0)>
module attributes {stable_mosaic.version = 14 : i64} {
  func.func @_sc_body(%arg0: i32, %arg1: i32, %arg2: memref<1000000x64xf32, #tpu.memory_space<hbm>>, %arg3: memref<16384x64xi32, #tpu.memory_space<hbm>>, %arg4: memref<16384x64xi32, #tpu.memory_space<hbm>>, %arg5: memref<16384xf32, #tpu.memory_space<hbm>>, %arg6: memref<16384xf32, #tpu.memory_space<hbm>>, %arg7: memref<256xf32, #tpu.memory_space<hbm>>, %arg8: memref<256xi32, #tpu.memory_space<hbm>>, %arg9: memref<32x256xf32, #tpu.memory_space<hbm>>, %arg10: memref<32x256xf32, #tpu.memory_space<hbm>>, %arg11: memref<256x64xf32, #tpu.memory_space<hbm>>, %arg12: memref<512x64xi32, #tpu.memory_space<vmem>>, %arg13: memref<512x64xi32, #tpu.memory_space<vmem>>, %arg14: memref<16384xf32, #tpu.memory_space<vmem>>, %arg15: memref<16384xf32, #tpu.memory_space<vmem>>, %arg16: memref<256xf32, #tpu.memory_space<vmem>>, %arg17: memref<8xi32, #tpu.memory_space<vmem>>, %arg18: memref<8x64xf32, #tpu.memory_space<vmem>>, %arg19: memref<256xf32, #tpu.memory_space<vmem>>, %arg20: memref<256xf32, #tpu.memory_space<vmem>>, %arg21: memref<64x64xf32, #tpu.memory_space<vmem>>, %arg22: memref<64x64xf32, #tpu.memory_space<vmem>>, %arg23: memref<64x64xf32, #tpu.memory_space<vmem>>, %arg24: memref<64x64xf32, #tpu.memory_space<vmem>>, %arg25: memref<!tpu.dma_semaphore, #tpu.memory_space<semaphore_mem>>, %arg26: memref<!tpu.dma_semaphore, #tpu.memory_space<semaphore_mem>>, %arg27: memref<!tpu.dma_semaphore, #tpu.memory_space<semaphore_mem>>, %arg28: memref<!tpu.dma_semaphore, #tpu.memory_space<semaphore_mem>>, %arg29: memref<!tpu.dma_semaphore, #tpu.memory_space<semaphore_mem>>) attributes {dimension_semantics = [#tpu.dimension_semantics<core_parallel>, #tpu.dimension_semantics<subcore_parallel>], iteration_bounds = array<i64: 2, 16>, scalar_prefetch = 0 : i64, scratch_operands = 18 : i64, tpu.core_type = #tpu.core_type<sc_vector_subcore>, window_params = [{transform_indices = #map}, {transform_indices = #map}, {transform_indices = #map}, {transform_indices = #map1}, {transform_indices = #map1}, {transform_indices = #map1}, {transform_indices = #map1}, {transform_indices = #map}, {transform_indices = #map}, {transform_indices = #map}]} {
    %mul3A = arith.constant 2 : i32
    %mul3A_0 = arith.muli %arg1, %mul3A : i32
    %add3A = arith.addi %mul3A_0, %arg0 : i32
    %mul3A_1 = arith.constant 512 : i32
    %mul3A_2 = arith.muli %add3A, %mul3A_1 : i32
    "tpu.region"() ({
      %run_scoped3A = tpu.sem_alloc : memref<!tpu.dma_semaphore, #tpu.memory_space<semaphore_mem>>
      %dma_start3A_116 = arith.constant 0 : i32
      %dma_start3A_117 = tpu.memref_slice %arg3[%mul3A_2, %dma_start3A_116] : memref<16384x64xi32, #tpu.memory_space<hbm>> -> memref<512x64xi32, #tpu.memory_space<hbm>>
      %dma_start3A_118 = arith.constant 0 : i32
      %dma_start3A_119 = tpu.memref_slice %arg3[%mul3A_2, %dma_start3A_118] : memref<16384x64xi32, #tpu.memory_space<hbm>> -> memref<512x64xi32, #tpu.memory_space<hbm>>
      tpu.enqueue_dma source(%dma_start3A_119 : memref<512x64xi32, #tpu.memory_space<hbm>>) target(%arg12 : memref<512x64xi32, #tpu.memory_space<vmem>>) target_semaphore(%run_scoped3A : memref<!tpu.dma_semaphore, #tpu.memory_space<semaphore_mem>>)
      %dma_wait3A_120 = arith.constant 0 : i32
      %dma_wait3A_121 = tpu.memref_slice %arg3[%mul3A_2, %dma_wait3A_120] : memref<16384x64xi32, #tpu.memory_space<hbm>> -> memref<512x64xi32, #tpu.memory_space<hbm>>
      %dma_wait3A_122 = arith.constant 0 : i32
      %dma_wait3A_123 = tpu.memref_slice %arg3[%mul3A_2, %dma_wait3A_122] : memref<16384x64xi32, #tpu.memory_space<hbm>> -> memref<512x64xi32, #tpu.memory_space<hbm>>
      tpu.wait_dma2 semaphore(%run_scoped3A : memref<!tpu.dma_semaphore, #tpu.memory_space<semaphore_mem>>) src(%dma_wait3A_123 : memref<512x64xi32, #tpu.memory_space<hbm>>) dst(%arg12 : memref<512x64xi32, #tpu.memory_space<vmem>>)
      tpu.yield
    }) : () -> ()
    %mul3A_3 = arith.constant 512 : i32
    %mul3A_4 = arith.muli %add3A, %mul3A_3 : i32
    "tpu.region"() ({
      %run_scoped3A = tpu.sem_alloc : memref<!tpu.dma_semaphore, #tpu.memory_space<semaphore_mem>>
      %dma_start3A_116 = arith.constant 0 : i32
      %dma_start3A_117 = tpu.memref_slice %arg4[%mul3A_4, %dma_start3A_116] : memref<16384x64xi32, #tpu.memory_space<hbm>> -> memref<512x64xi32, #tpu.memory_space<hbm>>
      %dma_start3A_118 = arith.constant 0 : i32
      %dma_start3A_119 = tpu.memref_slice %arg4[%mul3A_4, %dma_start3A_118] : memref<16384x64xi32, #tpu.memory_space<hbm>> -> memref<512x64xi32, #tpu.memory_space<hbm>>
      tpu.enqueue_dma source(%dma_start3A_119 : memref<512x64xi32, #tpu.memory_space<hbm>>) target(%arg13 : memref<512x64xi32, #tpu.memory_space<vmem>>) target_semaphore(%run_scoped3A : memref<!tpu.dma_semaphore, #tpu.memory_space<semaphore_mem>>)
      %dma_wait3A_120 = arith.constant 0 : i32
      %dma_wait3A_121 = tpu.memref_slice %arg4[%mul3A_4, %dma_wait3A_120] : memref<16384x64xi32, #tpu.memory_space<hbm>> -> memref<512x64xi32, #tpu.memory_space<hbm>>
      %dma_wait3A_122 = arith.constant 0 : i32
      %dma_wait3A_123 = tpu.memref_slice %arg4[%mul3A_4, %dma_wait3A_122] : memref<16384x64xi32, #tpu.memory_space<hbm>> -> memref<512x64xi32, #tpu.memory_space<hbm>>
      tpu.wait_dma2 semaphore(%run_scoped3A : memref<!tpu.dma_semaphore, #tpu.memory_space<semaphore_mem>>) src(%dma_wait3A_123 : memref<512x64xi32, #tpu.memory_space<hbm>>) dst(%arg13 : memref<512x64xi32, #tpu.memory_space<vmem>>)
      tpu.yield
    }) : () -> ()
    "tpu.region"() ({
      %run_scoped3A = tpu.sem_alloc : memref<!tpu.dma_semaphore, #tpu.memory_space<semaphore_mem>>
      tpu.enqueue_dma source(%arg5 : memref<16384xf32, #tpu.memory_space<hbm>>) target(%arg14 : memref<16384xf32, #tpu.memory_space<vmem>>) target_semaphore(%run_scoped3A : memref<!tpu.dma_semaphore, #tpu.memory_space<semaphore_mem>>)
      tpu.wait_dma2 semaphore(%run_scoped3A : memref<!tpu.dma_semaphore, #tpu.memory_space<semaphore_mem>>) src(%arg5 : memref<16384xf32, #tpu.memory_space<hbm>>) dst(%arg14 : memref<16384xf32, #tpu.memory_space<vmem>>)
      tpu.yield
    }) : () -> ()
    "tpu.region"() ({
      %run_scoped3A = tpu.sem_alloc : memref<!tpu.dma_semaphore, #tpu.memory_space<semaphore_mem>>
      tpu.enqueue_dma source(%arg6 : memref<16384xf32, #tpu.memory_space<hbm>>) target(%arg15 : memref<16384xf32, #tpu.memory_space<vmem>>) target_semaphore(%run_scoped3A : memref<!tpu.dma_semaphore, #tpu.memory_space<semaphore_mem>>)
      tpu.wait_dma2 semaphore(%run_scoped3A : memref<!tpu.dma_semaphore, #tpu.memory_space<semaphore_mem>>) src(%arg6 : memref<16384xf32, #tpu.memory_space<hbm>>) dst(%arg15 : memref<16384xf32, #tpu.memory_space<vmem>>)
      tpu.yield
    }) : () -> ()
    "tpu.region"() ({
      %run_scoped3A = tpu.sem_alloc : memref<!tpu.dma_semaphore, #tpu.memory_space<semaphore_mem>>
      tpu.enqueue_dma source(%arg7 : memref<256xf32, #tpu.memory_space<hbm>>) target(%arg16 : memref<256xf32, #tpu.memory_space<vmem>>) target_semaphore(%run_scoped3A : memref<!tpu.dma_semaphore, #tpu.memory_space<semaphore_mem>>)
      tpu.wait_dma2 semaphore(%run_scoped3A : memref<!tpu.dma_semaphore, #tpu.memory_space<semaphore_mem>>) src(%arg7 : memref<256xf32, #tpu.memory_space<hbm>>) dst(%arg16 : memref<256xf32, #tpu.memory_space<vmem>>)
      tpu.yield
    }) : () -> ()
    %mul3A_5 = arith.constant 8 : i32
    %mul3A_6 = arith.muli %add3A, %mul3A_5 : i32
    "tpu.region"() ({
      %run_scoped3A = tpu.sem_alloc : memref<!tpu.dma_semaphore, #tpu.memory_space<semaphore_mem>>
      %dma_start3A_116 = tpu.memref_slice %arg8[%mul3A_6] : memref<256xi32, #tpu.memory_space<hbm>> -> memref<8xi32, #tpu.memory_space<hbm>>
      %dma_start3A_117 = tpu.memref_slice %arg8[%mul3A_6] : memref<256xi32, #tpu.memory_space<hbm>> -> memref<8xi32, #tpu.memory_space<hbm>>
      tpu.enqueue_dma source(%dma_start3A_117 : memref<8xi32, #tpu.memory_space<hbm>>) target(%arg17 : memref<8xi32, #tpu.memory_space<vmem>>) target_semaphore(%run_scoped3A : memref<!tpu.dma_semaphore, #tpu.memory_space<semaphore_mem>>)
      %dma_wait3A_118 = tpu.memref_slice %arg8[%mul3A_6] : memref<256xi32, #tpu.memory_space<hbm>> -> memref<8xi32, #tpu.memory_space<hbm>>
      %dma_wait3A_119 = tpu.memref_slice %arg8[%mul3A_6] : memref<256xi32, #tpu.memory_space<hbm>> -> memref<8xi32, #tpu.memory_space<hbm>>
      tpu.wait_dma2 semaphore(%run_scoped3A : memref<!tpu.dma_semaphore, #tpu.memory_space<semaphore_mem>>) src(%dma_wait3A_119 : memref<8xi32, #tpu.memory_space<hbm>>) dst(%arg17 : memref<8xi32, #tpu.memory_space<vmem>>)
      tpu.yield
    }) : () -> ()
    %dma_start3A = arith.constant 0 : i32
    %dma_start3A_7 = arith.constant 0 : i32
    %dma_start3A_8 = tpu.memref_slice %arg2[%dma_start3A, %dma_start3A_7] : memref<1000000x64xf32, #tpu.memory_space<hbm>> -> memref<1000000x64xf32, #tpu.memory_space<hbm>>
    tpu.enqueue_indirect_dma source(%dma_start3A_8 : memref<1000000x64xf32, #tpu.memory_space<hbm>>) target(%arg18 : memref<8x64xf32, #tpu.memory_space<vmem>>) offsets(%arg17 : memref<8xi32, #tpu.memory_space<vmem>>) semaphore(%arg29 : memref<!tpu.dma_semaphore, #tpu.memory_space<semaphore_mem>>)
    %dma_wait3A = arith.constant 0 : i32
    %dma_wait3A_9 = arith.constant 0 : i32
    %dma_wait3A_10 = tpu.memref_slice %arg2[%dma_wait3A, %dma_wait3A_9] : memref<1000000x64xf32, #tpu.memory_space<hbm>> -> memref<1000000x64xf32, #tpu.memory_space<hbm>>
    tpu.wait_indirect_dma semaphore(%arg29 : memref<!tpu.dma_semaphore, #tpu.memory_space<semaphore_mem>>) src(%dma_wait3A_10 : memref<1000000x64xf32, #tpu.memory_space<hbm>>) dst(%arg18 : memref<8x64xf32, #tpu.memory_space<vmem>>)
    %mul3A_11 = arith.constant 8 : i32
    %mul3A_12 = arith.muli %add3A, %mul3A_11 : i32
    "tpu.region"() ({
      %run_scoped3A = tpu.sem_alloc : memref<!tpu.dma_semaphore, #tpu.memory_space<semaphore_mem>>
      %dma_start3A_116 = arith.constant 0 : i32
      %dma_start3A_117 = tpu.memref_slice %arg11[%mul3A_12, %dma_start3A_116] : memref<256x64xf32, #tpu.memory_space<hbm>> -> memref<8x64xf32, #tpu.memory_space<hbm>>
      %dma_start3A_118 = arith.constant 0 : i32
      %dma_start3A_119 = tpu.memref_slice %arg11[%mul3A_12, %dma_start3A_118] : memref<256x64xf32, #tpu.memory_space<hbm>> -> memref<8x64xf32, #tpu.memory_space<hbm>>
      tpu.enqueue_dma source(%arg18 : memref<8x64xf32, #tpu.memory_space<vmem>>) target(%dma_start3A_119 : memref<8x64xf32, #tpu.memory_space<hbm>>) target_semaphore(%run_scoped3A : memref<!tpu.dma_semaphore, #tpu.memory_space<semaphore_mem>>)
      %dma_wait3A_120 = arith.constant 0 : i32
      %dma_wait3A_121 = tpu.memref_slice %arg11[%mul3A_12, %dma_wait3A_120] : memref<256x64xf32, #tpu.memory_space<hbm>> -> memref<8x64xf32, #tpu.memory_space<hbm>>
      %dma_wait3A_122 = arith.constant 0 : i32
      %dma_wait3A_123 = tpu.memref_slice %arg11[%mul3A_12, %dma_wait3A_122] : memref<256x64xf32, #tpu.memory_space<hbm>> -> memref<8x64xf32, #tpu.memory_space<hbm>>
      tpu.wait_dma2 semaphore(%run_scoped3A : memref<!tpu.dma_semaphore, #tpu.memory_space<semaphore_mem>>) src(%arg18 : memref<8x64xf32, #tpu.memory_space<vmem>>) dst(%dma_wait3A_123 : memref<8x64xf32, #tpu.memory_space<hbm>>)
      tpu.yield
    }) : () -> ()
    %broadcast_in_dim3A = arith.constant 0.000000e+00 : f32
    %broadcast_in_dim3A_13 = vector.broadcast %broadcast_in_dim3A : f32 to vector<16xf32>
    %swap3A = arith.constant 0 : index
    %swap3A_14 = tpu.vector_load %arg19[%swap3A] {strides = array<i32>} : memref<256xf32, #tpu.memory_space<vmem>>, vector<16xf32>,
    tpu.vector_store %arg19[%swap3A], %broadcast_in_dim3A_13 {strides = array<i32>} : memref<256xf32, #tpu.memory_space<vmem>>, vector<16xf32>,
    %swap3A_15 = arith.constant 0 : index
    %swap3A_16 = tpu.vector_load %arg20[%swap3A_15] {strides = array<i32>} : memref<256xf32, #tpu.memory_space<vmem>>, vector<16xf32>,
    tpu.vector_store %arg20[%swap3A_15], %broadcast_in_dim3A_13 {strides = array<i32>} : memref<256xf32, #tpu.memory_space<vmem>>, vector<16xf32>,
    %swap3A_17 = arith.constant 16 : index
    %swap3A_18 = tpu.vector_load %arg19[%swap3A_17] {strides = array<i32>} : memref<256xf32, #tpu.memory_space<vmem>>, vector<16xf32>,
    tpu.vector_store %arg19[%swap3A_17], %broadcast_in_dim3A_13 {strides = array<i32>} : memref<256xf32, #tpu.memory_space<vmem>>, vector<16xf32>,
    %swap3A_19 = arith.constant 16 : index
    %swap3A_20 = tpu.vector_load %arg20[%swap3A_19] {strides = array<i32>} : memref<256xf32, #tpu.memory_space<vmem>>, vector<16xf32>,
    tpu.vector_store %arg20[%swap3A_19], %broadcast_in_dim3A_13 {strides = array<i32>} : memref<256xf32, #tpu.memory_space<vmem>>, vector<16xf32>,
    %swap3A_21 = arith.constant 32 : index
    %swap3A_22 = tpu.vector_load %arg19[%swap3A_21] {strides = array<i32>} : memref<256xf32, #tpu.memory_space<vmem>>, vector<16xf32>,
    tpu.vector_store %arg19[%swap3A_21], %broadcast_in_dim3A_13 {strides = array<i32>} : memref<256xf32, #tpu.memory_space<vmem>>, vector<16xf32>,
    %swap3A_23 = arith.constant 32 : index
    %swap3A_24 = tpu.vector_load %arg20[%swap3A_23] {strides = array<i32>} : memref<256xf32, #tpu.memory_space<vmem>>, vector<16xf32>,
    tpu.vector_store %arg20[%swap3A_23], %broadcast_in_dim3A_13 {strides = array<i32>} : memref<256xf32, #tpu.memory_space<vmem>>, vector<16xf32>,
    %swap3A_25 = arith.constant 48 : index
    %swap3A_26 = tpu.vector_load %arg19[%swap3A_25] {strides = array<i32>} : memref<256xf32, #tpu.memory_space<vmem>>, vector<16xf32>,
    tpu.vector_store %arg19[%swap3A_25], %broadcast_in_dim3A_13 {strides = array<i32>} : memref<256xf32, #tpu.memory_space<vmem>>, vector<16xf32>,
    %swap3A_27 = arith.constant 48 : index
    %swap3A_28 = tpu.vector_load %arg20[%swap3A_27] {strides = array<i32>} : memref<256xf32, #tpu.memory_space<vmem>>, vector<16xf32>,
    tpu.vector_store %arg20[%swap3A_27], %broadcast_in_dim3A_13 {strides = array<i32>} : memref<256xf32, #tpu.memory_space<vmem>>, vector<16xf32>,
    %swap3A_29 = arith.constant 64 : index
    %swap3A_30 = tpu.vector_load %arg19[%swap3A_29] {strides = array<i32>} : memref<256xf32, #tpu.memory_space<vmem>>, vector<16xf32>,
    tpu.vector_store %arg19[%swap3A_29], %broadcast_in_dim3A_13 {strides = array<i32>} : memref<256xf32, #tpu.memory_space<vmem>>, vector<16xf32>,
    %swap3A_31 = arith.constant 64 : index
    %swap3A_32 = tpu.vector_load %arg20[%swap3A_31] {strides = array<i32>} : memref<256xf32, #tpu.memory_space<vmem>>, vector<16xf32>,
    tpu.vector_store %arg20[%swap3A_31], %broadcast_in_dim3A_13 {strides = array<i32>} : memref<256xf32, #tpu.memory_space<vmem>>, vector<16xf32>,
    %swap3A_33 = arith.constant 80 : index
    %swap3A_34 = tpu.vector_load %arg19[%swap3A_33] {strides = array<i32>} : memref<256xf32, #tpu.memory_space<vmem>>, vector<16xf32>,
    tpu.vector_store %arg19[%swap3A_33], %broadcast_in_dim3A_13 {strides = array<i32>} : memref<256xf32, #tpu.memory_space<vmem>>, vector<16xf32>,
    %swap3A_35 = arith.constant 80 : index
    %swap3A_36 = tpu.vector_load %arg20[%swap3A_35] {strides = array<i32>} : memref<256xf32, #tpu.memory_space<vmem>>, vector<16xf32>,
    tpu.vector_store %arg20[%swap3A_35], %broadcast_in_dim3A_13 {strides = array<i32>} : memref<256xf32, #tpu.memory_space<vmem>>, vector<16xf32>,
    %swap3A_37 = arith.constant 96 : index
    %swap3A_38 = tpu.vector_load %arg19[%swap3A_37] {strides = array<i32>} : memref<256xf32, #tpu.memory_space<vmem>>, vector<16xf32>,
    tpu.vector_store %arg19[%swap3A_37], %broadcast_in_dim3A_13 {strides = array<i32>} : memref<256xf32, #tpu.memory_space<vmem>>, vector<16xf32>,
    %swap3A_39 = arith.constant 96 : index
    %swap3A_40 = tpu.vector_load %arg20[%swap3A_39] {strides = array<i32>} : memref<256xf32, #tpu.memory_space<vmem>>, vector<16xf32>,
    tpu.vector_store %arg20[%swap3A_39], %broadcast_in_dim3A_13 {strides = array<i32>} : memref<256xf32, #tpu.memory_space<vmem>>, vector<16xf32>,
    %swap3A_41 = arith.constant 112 : index
    %swap3A_42 = tpu.vector_load %arg19[%swap3A_41] {strides = array<i32>} : memref<256xf32, #tpu.memory_space<vmem>>, vector<16xf32>,
    tpu.vector_store %arg19[%swap3A_41], %broadcast_in_dim3A_13 {strides = array<i32>} : memref<256xf32, #tpu.memory_space<vmem>>, vector<16xf32>,
    %swap3A_43 = arith.constant 112 : index
    %swap3A_44 = tpu.vector_load %arg20[%swap3A_43] {strides = array<i32>} : memref<256xf32, #tpu.memory_space<vmem>>, vector<16xf32>,
    tpu.vector_store %arg20[%swap3A_43], %broadcast_in_dim3A_13 {strides = array<i32>} : memref<256xf32, #tpu.memory_space<vmem>>, vector<16xf32>,
    %swap3A_45 = arith.constant 128 : index
    %swap3A_46 = tpu.vector_load %arg19[%swap3A_45] {strides = array<i32>} : memref<256xf32, #tpu.memory_space<vmem>>, vector<16xf32>,
    tpu.vector_store %arg19[%swap3A_45], %broadcast_in_dim3A_13 {strides = array<i32>} : memref<256xf32, #tpu.memory_space<vmem>>, vector<16xf32>,
    %swap3A_47 = arith.constant 128 : index
    %swap3A_48 = tpu.vector_load %arg20[%swap3A_47] {strides = array<i32>} : memref<256xf32, #tpu.memory_space<vmem>>, vector<16xf32>,
    tpu.vector_store %arg20[%swap3A_47], %broadcast_in_dim3A_13 {strides = array<i32>} : memref<256xf32, #tpu.memory_space<vmem>>, vector<16xf32>,
    %swap3A_49 = arith.constant 144 : index
    %swap3A_50 = tpu.vector_load %arg19[%swap3A_49] {strides = array<i32>} : memref<256xf32, #tpu.memory_space<vmem>>, vector<16xf32>,
    tpu.vector_store %arg19[%swap3A_49], %broadcast_in_dim3A_13 {strides = array<i32>} : memref<256xf32, #tpu.memory_space<vmem>>, vector<16xf32>,
    %swap3A_51 = arith.constant 144 : index
    %swap3A_52 = tpu.vector_load %arg20[%swap3A_51] {strides = array<i32>} : memref<256xf32, #tpu.memory_space<vmem>>, vector<16xf32>,
    tpu.vector_store %arg20[%swap3A_51], %broadcast_in_dim3A_13 {strides = array<i32>} : memref<256xf32, #tpu.memory_space<vmem>>, vector<16xf32>,
    %swap3A_53 = arith.constant 160 : index
    %swap3A_54 = tpu.vector_load %arg19[%swap3A_53] {strides = array<i32>} : memref<256xf32, #tpu.memory_space<vmem>>, vector<16xf32>,
    tpu.vector_store %arg19[%swap3A_53], %broadcast_in_dim3A_13 {strides = array<i32>} : memref<256xf32, #tpu.memory_space<vmem>>, vector<16xf32>,
    %swap3A_55 = arith.constant 160 : index
    %swap3A_56 = tpu.vector_load %arg20[%swap3A_55] {strides = array<i32>} : memref<256xf32, #tpu.memory_space<vmem>>, vector<16xf32>,
    tpu.vector_store %arg20[%swap3A_55], %broadcast_in_dim3A_13 {strides = array<i32>} : memref<256xf32, #tpu.memory_space<vmem>>, vector<16xf32>,
    %swap3A_57 = arith.constant 176 : index
    %swap3A_58 = tpu.vector_load %arg19[%swap3A_57] {strides = array<i32>} : memref<256xf32, #tpu.memory_space<vmem>>, vector<16xf32>,
    tpu.vector_store %arg19[%swap3A_57], %broadcast_in_dim3A_13 {strides = array<i32>} : memref<256xf32, #tpu.memory_space<vmem>>, vector<16xf32>,
    %swap3A_59 = arith.constant 176 : index
    %swap3A_60 = tpu.vector_load %arg20[%swap3A_59] {strides = array<i32>} : memref<256xf32, #tpu.memory_space<vmem>>, vector<16xf32>,
    tpu.vector_store %arg20[%swap3A_59], %broadcast_in_dim3A_13 {strides = array<i32>} : memref<256xf32, #tpu.memory_space<vmem>>, vector<16xf32>,
    %swap3A_61 = arith.constant 192 : index
    %swap3A_62 = tpu.vector_load %arg19[%swap3A_61] {strides = array<i32>} : memref<256xf32, #tpu.memory_space<vmem>>, vector<16xf32>,
    tpu.vector_store %arg19[%swap3A_61], %broadcast_in_dim3A_13 {strides = array<i32>} : memref<256xf32, #tpu.memory_space<vmem>>, vector<16xf32>,
    %swap3A_63 = arith.constant 192 : index
    %swap3A_64 = tpu.vector_load %arg20[%swap3A_63] {strides = array<i32>} : memref<256xf32, #tpu.memory_space<vmem>>, vector<16xf32>,
    tpu.vector_store %arg20[%swap3A_63], %broadcast_in_dim3A_13 {strides = array<i32>} : memref<256xf32, #tpu.memory_space<vmem>>, vector<16xf32>,
    %swap3A_65 = arith.constant 208 : index
    %swap3A_66 = tpu.vector_load %arg19[%swap3A_65] {strides = array<i32>} : memref<256xf32, #tpu.memory_space<vmem>>, vector<16xf32>,
    tpu.vector_store %arg19[%swap3A_65], %broadcast_in_dim3A_13 {strides = array<i32>} : memref<256xf32, #tpu.memory_space<vmem>>, vector<16xf32>,
    %swap3A_67 = arith.constant 208 : index
    %swap3A_68 = tpu.vector_load %arg20[%swap3A_67] {strides = array<i32>} : memref<256xf32, #tpu.memory_space<vmem>>, vector<16xf32>,
    tpu.vector_store %arg20[%swap3A_67], %broadcast_in_dim3A_13 {strides = array<i32>} : memref<256xf32, #tpu.memory_space<vmem>>, vector<16xf32>,
    %swap3A_69 = arith.constant 224 : index
    %swap3A_70 = tpu.vector_load %arg19[%swap3A_69] {strides = array<i32>} : memref<256xf32, #tpu.memory_space<vmem>>, vector<16xf32>,
    tpu.vector_store %arg19[%swap3A_69], %broadcast_in_dim3A_13 {strides = array<i32>} : memref<256xf32, #tpu.memory_space<vmem>>, vector<16xf32>,
    %swap3A_71 = arith.constant 224 : index
    %swap3A_72 = tpu.vector_load %arg20[%swap3A_71] {strides = array<i32>} : memref<256xf32, #tpu.memory_space<vmem>>, vector<16xf32>,
    tpu.vector_store %arg20[%swap3A_71], %broadcast_in_dim3A_13 {strides = array<i32>} : memref<256xf32, #tpu.memory_space<vmem>>, vector<16xf32>,
    %swap3A_73 = arith.constant 240 : index
    %swap3A_74 = tpu.vector_load %arg19[%swap3A_73] {strides = array<i32>} : memref<256xf32, #tpu.memory_space<vmem>>, vector<16xf32>,
    tpu.vector_store %arg19[%swap3A_73], %broadcast_in_dim3A_13 {strides = array<i32>} : memref<256xf32, #tpu.memory_space<vmem>>, vector<16xf32>,
    %swap3A_75 = arith.constant 240 : index
    %swap3A_76 = tpu.vector_load %arg20[%swap3A_75] {strides = array<i32>} : memref<256xf32, #tpu.memory_space<vmem>>, vector<16xf32>,
    tpu.vector_store %arg20[%swap3A_75], %broadcast_in_dim3A_13 {strides = array<i32>} : memref<256xf32, #tpu.memory_space<vmem>>, vector<16xf32>,
    %iota3A = tpu.iota {dimensions = array<i32: 0>} : vector<16xi32>
    %add3A_77 = arith.constant 0 : i32
    %add3A_78 = vector.broadcast %add3A_77 : i32 to vector<16xi32>
    %add3A_79 = arith.addi %iota3A, %add3A_78 : vector<16xi32>
    %add3A_80 = arith.constant 16 : i32
    %add3A_81 = vector.broadcast %add3A_80 : i32 to vector<16xi32>
    %add3A_82 = arith.addi %iota3A, %add3A_81 : vector<16xi32>
    %add3A_83 = arith.constant 32 : i32
    %add3A_84 = vector.broadcast %add3A_83 : i32 to vector<16xi32>
    %add3A_85 = arith.addi %iota3A, %add3A_84 : vector<16xi32>
    %add3A_86 = arith.constant 48 : i32
    %add3A_87 = vector.broadcast %add3A_86 : i32 to vector<16xi32>
    %add3A_88 = arith.addi %iota3A, %add3A_87 : vector<16xi32>
    %dma_start3A_89 = arith.constant 0 : i32
    %dma_start3A_90 = arith.constant 0 : i32
    %dma_start3A_91 = tpu.memref_slice %arg12[%dma_start3A_89, %dma_start3A_90] : memref<512x64xi32, #tpu.memory_space<vmem>> -> memref<1x64xi32, #tpu.memory_space<vmem>>
    %dma_start3A_92 = tpu.memref_squeeze %dma_start3A_91 : memref<1x64xi32, #tpu.memory_space<vmem>> -> memref<64xi32, #tpu.memory_space<vmem>>
    %dma_start3A_93 = arith.constant 0 : i32
    %dma_start3A_94 = arith.constant 0 : i32
    %dma_start3A_95 = tpu.memref_slice %arg2[%dma_start3A_93, %dma_start3A_94] : memref<1000000x64xf32, #tpu.memory_space<hbm>> -> memref<1000000x64xf32, #tpu.memory_space<hbm>>
    tpu.enqueue_indirect_dma source(%dma_start3A_95 : memref<1000000x64xf32, #tpu.memory_space<hbm>>) target(%arg21 : memref<64x64xf32, #tpu.memory_space<vmem>>) offsets(%dma_start3A_92 : memref<64xi32, #tpu.memory_space<vmem>>) semaphore(%arg25 : memref<!tpu.dma_semaphore, #tpu.memory_space<semaphore_mem>>)
    %dma_start3A_96 = arith.constant 1 : i32
    %dma_start3A_97 = arith.constant 0 : i32
    %dma_start3A_98 = tpu.memref_slice %arg12[%dma_start3A_96, %dma_start3A_97] : memref<512x64xi32, #tpu.memory_space<vmem>> -> memref<1x64xi32, #tpu.memory_space<vmem>>
    %dma_start3A_99 = tpu.memref_squeeze %dma_start3A_98 : memref<1x64xi32, #tpu.memory_space<vmem>> -> memref<64xi32, #tpu.memory_space<vmem>>
    %dma_start3A_100 = arith.constant 0 : i32
    %dma_start3A_101 = arith.constant 0 : i32
    %dma_start3A_102 = tpu.memref_slice %arg2[%dma_start3A_100, %dma_start3A_101] : memref<1000000x64xf32, #tpu.memory_space<hbm>> -> memref<1000000x64xf32, #tpu.memory_space<hbm>>
    tpu.enqueue_indirect_dma source(%dma_start3A_102 : memref<1000000x64xf32, #tpu.memory_space<hbm>>) target(%arg22 : memref<64x64xf32, #tpu.memory_space<vmem>>) offsets(%dma_start3A_99 : memref<64xi32, #tpu.memory_space<vmem>>) semaphore(%arg26 : memref<!tpu.dma_semaphore, #tpu.memory_space<semaphore_mem>>)
    %dma_start3A_103 = arith.constant 2 : i32
    %dma_start3A_104 = arith.constant 0 : i32
    %dma_start3A_105 = tpu.memref_slice %arg12[%dma_start3A_103, %dma_start3A_104] : memref<512x64xi32, #tpu.memory_space<vmem>> -> memref<1x64xi32, #tpu.memory_space<vmem>>
    %dma_start3A_106 = tpu.memref_squeeze %dma_start3A_105 : memref<1x64xi32, #tpu.memory_space<vmem>> -> memref<64xi32, #tpu.memory_space<vmem>>
    %dma_start3A_107 = arith.constant 0 : i32
    %dma_start3A_108 = arith.constant 0 : i32
    %dma_start3A_109 = tpu.memref_slice %arg2[%dma_start3A_107, %dma_start3A_108] : memref<1000000x64xf32, #tpu.memory_space<hbm>> -> memref<1000000x64xf32, #tpu.memory_space<hbm>>
    tpu.enqueue_indirect_dma source(%dma_start3A_109 : memref<1000000x64xf32, #tpu.memory_space<hbm>>) target(%arg23 : memref<64x64xf32, #tpu.memory_space<vmem>>) offsets(%dma_start3A_106 : memref<64xi32, #tpu.memory_space<vmem>>) semaphore(%arg27 : memref<!tpu.dma_semaphore, #tpu.memory_space<semaphore_mem>>)
    %scan3A = arith.constant 0 : i32
    %scan3A_110 = arith.constant 14.2857141 : f32
    %scan3A_111 = arith.constant 0 : i32
    %scan3A_112 = arith.constant 128 : i32
    %scan3A_113 = arith.addi %scan3A_111, %scan3A_112 : i32
    %scan3A_114 = arith.constant 1 : i32
    scf.for %scan3A_116 = %scan3A_111 to %scan3A_113 step %scan3A_114  : i32 {
      %mul3A_117 = arith.constant 4 : i32
      %mul3A_118 = arith.muli %scan3A_116, %mul3A_117 : i32
      %add3A_119 = arith.constant 0 : i32
      %add3A_120 = arith.addi %mul3A_118, %add3A_119 : i32
      %add3A_121 = arith.constant 4 : i32
      %add3A_122 = arith.addi %add3A_120, %add3A_121 : i32
      %sub3A = arith.constant 1 : i32
      %sub3A_123 = arith.subi %add3A_122, %sub3A : i32
      %lt3A = arith.constant 512 : i32
      %lt3A_124 = arith.cmpi slt, %sub3A_123, %lt3A : i32
      %convert_element_type3A = arith.extui %lt3A_124 : i1 to i32
      %cond3A = arith.constant 0 : i32
      %cond3A_125 = arith.cmpi ne, %convert_element_type3A, %cond3A : i32
      scf.if %cond3A_125 {
        %add3A_440 = arith.constant 4 : i32
        %add3A_441 = arith.addi %add3A_120, %add3A_440 : i32
        %sub3A_442 = arith.constant 1 : i32
        %sub3A_443 = arith.subi %add3A_441, %sub3A_442 : i32
        %dma_start3A_444 = arith.constant 0 : i32
        %dma_start3A_445 = tpu.memref_slice %arg12[%sub3A_443, %dma_start3A_444] : memref<512x64xi32, #tpu.memory_space<vmem>> -> memref<1x64xi32, #tpu.memory_space<vmem>>
        %dma_start3A_446 = tpu.memref_squeeze %dma_start3A_445 : memref<1x64xi32, #tpu.memory_space<vmem>> -> memref<64xi32, #tpu.memory_space<vmem>>
        %dma_start3A_447 = arith.constant 0 : i32
        %dma_start3A_448 = arith.constant 0 : i32
        %dma_start3A_449 = tpu.memref_slice %arg2[%dma_start3A_447, %dma_start3A_448] : memref<1000000x64xf32, #tpu.memory_space<hbm>> -> memref<1000000x64xf32, #tpu.memory_space<hbm>>
        tpu.enqueue_indirect_dma source(%dma_start3A_449 : memref<1000000x64xf32, #tpu.memory_space<hbm>>) target(%arg24 : memref<64x64xf32, #tpu.memory_space<vmem>>) offsets(%dma_start3A_446 : memref<64xi32, #tpu.memory_space<vmem>>) semaphore(%arg28 : memref<!tpu.dma_semaphore, #tpu.memory_space<semaphore_mem>>)
      } else {
      }
      %dma_wait3A_126 = arith.constant 0 : i32
      %dma_wait3A_127 = tpu.memref_slice %arg12[%add3A_120, %dma_wait3A_126] : memref<512x64xi32, #tpu.memory_space<vmem>> -> memref<1x64xi32, #tpu.memory_space<vmem>>
      %dma_wait3A_128 = tpu.memref_squeeze %dma_wait3A_127 : memref<1x64xi32, #tpu.memory_space<vmem>> -> memref<64xi32, #tpu.memory_space<vmem>>
      %dma_wait3A_129 = arith.constant 0 : i32
      %dma_wait3A_130 = arith.constant 0 : i32
      %dma_wait3A_131 = tpu.memref_slice %arg2[%dma_wait3A_129, %dma_wait3A_130] : memref<1000000x64xf32, #tpu.memory_space<hbm>> -> memref<1000000x64xf32, #tpu.memory_space<hbm>>
      tpu.wait_indirect_dma semaphore(%arg25 : memref<!tpu.dma_semaphore, #tpu.memory_space<semaphore_mem>>) src(%dma_wait3A_131 : memref<1000000x64xf32, #tpu.memory_space<hbm>>) dst(%arg21 : memref<64x64xf32, #tpu.memory_space<vmem>>)
      %get3A = arith.index_cast %add3A_120 : i32 to index
      %get3A_132 = arith.constant 0 : index
      %get3A_133 = tpu.vector_load %arg13[%get3A, %get3A_132] {strides = array<i32>} : memref<512x64xi32, #tpu.memory_space<vmem>>, vector<16xi32>,
      %get3A_134 = arith.index_cast %add3A_120 : i32 to index
      %get3A_135 = arith.constant 16 : index
      %get3A_136 = tpu.vector_load %arg13[%get3A_134, %get3A_135] {strides = array<i32>} : memref<512x64xi32, #tpu.memory_space<vmem>>, vector<16xi32>,
      %get3A_137 = arith.index_cast %add3A_120 : i32 to index
      %get3A_138 = arith.constant 32 : index
      %get3A_139 = tpu.vector_load %arg13[%get3A_137, %get3A_138] {strides = array<i32>} : memref<512x64xi32, #tpu.memory_space<vmem>>, vector<16xi32>,
      %get3A_140 = arith.index_cast %add3A_120 : i32 to index
      %get3A_141 = arith.constant 48 : index
      %get3A_142 = tpu.vector_load %arg13[%get3A_140, %get3A_141] {strides = array<i32>} : memref<512x64xi32, #tpu.memory_space<vmem>>, vector<16xi32>,
      %parallel_loop3A = arith.constant 0 : i32
      %parallel_loop3A_143 = arith.constant 64 : i32
      %parallel_loop3A_144 = arith.constant 1 : i32
      %parallel_loop3A_145:8 = scf.for %parallel_loop3A_440 = %parallel_loop3A to %parallel_loop3A_143 step %parallel_loop3A_144 iter_args(%parallel_loop3A_441 = %broadcast_in_dim3A_13, %parallel_loop3A_442 = %broadcast_in_dim3A_13, %parallel_loop3A_443 = %broadcast_in_dim3A_13, %parallel_loop3A_444 = %broadcast_in_dim3A_13, %parallel_loop3A_445 = %broadcast_in_dim3A_13, %parallel_loop3A_446 = %broadcast_in_dim3A_13, %parallel_loop3A_447 = %broadcast_in_dim3A_13, %parallel_loop3A_448 = %broadcast_in_dim3A_13) -> (vector<16xf32>, vector<16xf32>, vector<16xf32>, vector<16xf32>, vector<16xf32>, vector<16xf32>, vector<16xf32>, vector<16xf32>)  : i32 {
        %parallel_loop3A_449 = vector.broadcast %parallel_loop3A_440 : i32 to vector<16xi32>
        %parallel_loop3A_450 = arith.addi %parallel_loop3A_449, %iota3A : vector<16xi32>
        %parallel_loop3A_451 = arith.constant 64 : i32
        %parallel_loop3A_452 = vector.broadcast %parallel_loop3A_451 : i32 to vector<16xi32>
        %parallel_loop3A_453 = arith.cmpi sge, %parallel_loop3A_450, %parallel_loop3A_452 : vector<16xi32>
        %parallel_loop3A_454 = arith.constant 64 : i32
        %parallel_loop3A_455 = vector.broadcast %parallel_loop3A_454 : i32 to vector<16xi32>
        %parallel_loop3A_456 = arith.subi %parallel_loop3A_450, %parallel_loop3A_455 : vector<16xi32>
        %parallel_loop3A_457 = arith.select %parallel_loop3A_453, %parallel_loop3A_456, %parallel_loop3A_450 : vector<16xi1>, vector<16xi32>
        %parallel_loop3A_458 = tpu.vector_load_idx %arg21[%add3A_79, %parallel_loop3A_457] : memref<64x64xf32, #tpu.memory_space<vmem>>[vector<16xi32>, vector<16xi32>], vector<16xf32>,
        %parallel_loop3A_459 = arith.addi %get3A_133, %parallel_loop3A_457 : vector<16xi32>
        %parallel_loop3A_460 = tpu.vector_load_idx %arg14[%parallel_loop3A_459] : memref<16384xf32, #tpu.memory_space<vmem>>[vector<16xi32>], vector<16xf32>,
        %parallel_loop3A_461 = arith.addi %get3A_133, %parallel_loop3A_457 : vector<16xi32>
        %parallel_loop3A_462 = tpu.vector_load_idx %arg15[%parallel_loop3A_461] : memref<16384xf32, #tpu.memory_space<vmem>>[vector<16xi32>], vector<16xf32>,
        %parallel_loop3A_463 = arith.mulf %parallel_loop3A_458, %parallel_loop3A_460 : vector<16xf32>
        %parallel_loop3A_464 = arith.addf %parallel_loop3A_441, %parallel_loop3A_463 : vector<16xf32>
        %parallel_loop3A_465 = arith.mulf %parallel_loop3A_458, %parallel_loop3A_462 : vector<16xf32>
        %parallel_loop3A_466 = arith.addf %parallel_loop3A_442, %parallel_loop3A_465 : vector<16xf32>
        %parallel_loop3A_467 = tpu.vector_load_idx %arg21[%add3A_82, %parallel_loop3A_457] : memref<64x64xf32, #tpu.memory_space<vmem>>[vector<16xi32>, vector<16xi32>], vector<16xf32>,
        %parallel_loop3A_468 = arith.addi %get3A_136, %parallel_loop3A_457 : vector<16xi32>
        %parallel_loop3A_469 = tpu.vector_load_idx %arg14[%parallel_loop3A_468] : memref<16384xf32, #tpu.memory_space<vmem>>[vector<16xi32>], vector<16xf32>,
        %parallel_loop3A_470 = arith.addi %get3A_136, %parallel_loop3A_457 : vector<16xi32>
        %parallel_loop3A_471 = tpu.vector_load_idx %arg15[%parallel_loop3A_470] : memref<16384xf32, #tpu.memory_space<vmem>>[vector<16xi32>], vector<16xf32>,
        %parallel_loop3A_472 = arith.mulf %parallel_loop3A_467, %parallel_loop3A_469 : vector<16xf32>
        %parallel_loop3A_473 = arith.addf %parallel_loop3A_443, %parallel_loop3A_472 : vector<16xf32>
        %parallel_loop3A_474 = arith.mulf %parallel_loop3A_467, %parallel_loop3A_471 : vector<16xf32>
        %parallel_loop3A_475 = arith.addf %parallel_loop3A_444, %parallel_loop3A_474 : vector<16xf32>
        %parallel_loop3A_476 = tpu.vector_load_idx %arg21[%add3A_85, %parallel_loop3A_457] : memref<64x64xf32, #tpu.memory_space<vmem>>[vector<16xi32>, vector<16xi32>], vector<16xf32>,
        %parallel_loop3A_477 = arith.addi %get3A_139, %parallel_loop3A_457 : vector<16xi32>
        %parallel_loop3A_478 = tpu.vector_load_idx %arg14[%parallel_loop3A_477] : memref<16384xf32, #tpu.memory_space<vmem>>[vector<16xi32>], vector<16xf32>,
        %parallel_loop3A_479 = arith.addi %get3A_139, %parallel_loop3A_457 : vector<16xi32>
        %parallel_loop3A_480 = tpu.vector_load_idx %arg15[%parallel_loop3A_479] : memref<16384xf32, #tpu.memory_space<vmem>>[vector<16xi32>], vector<16xf32>,
        %parallel_loop3A_481 = arith.mulf %parallel_loop3A_476, %parallel_loop3A_478 : vector<16xf32>
        %parallel_loop3A_482 = arith.addf %parallel_loop3A_445, %parallel_loop3A_481 : vector<16xf32>
        %parallel_loop3A_483 = arith.mulf %parallel_loop3A_476, %parallel_loop3A_480 : vector<16xf32>
        %parallel_loop3A_484 = arith.addf %parallel_loop3A_446, %parallel_loop3A_483 : vector<16xf32>
        %parallel_loop3A_485 = tpu.vector_load_idx %arg21[%add3A_88, %parallel_loop3A_457] : memref<64x64xf32, #tpu.memory_space<vmem>>[vector<16xi32>, vector<16xi32>], vector<16xf32>,
        %parallel_loop3A_486 = arith.addi %get3A_142, %parallel_loop3A_457 : vector<16xi32>
        %parallel_loop3A_487 = tpu.vector_load_idx %arg14[%parallel_loop3A_486] : memref<16384xf32, #tpu.memory_space<vmem>>[vector<16xi32>], vector<16xf32>,
        %parallel_loop3A_488 = arith.addi %get3A_142, %parallel_loop3A_457 : vector<16xi32>
        %parallel_loop3A_489 = tpu.vector_load_idx %arg15[%parallel_loop3A_488] : memref<16384xf32, #tpu.memory_space<vmem>>[vector<16xi32>], vector<16xf32>,
        %parallel_loop3A_490 = arith.mulf %parallel_loop3A_485, %parallel_loop3A_487 : vector<16xf32>
        %parallel_loop3A_491 = arith.addf %parallel_loop3A_447, %parallel_loop3A_490 : vector<16xf32>
        %parallel_loop3A_492 = arith.mulf %parallel_loop3A_485, %parallel_loop3A_489 : vector<16xf32>
        %parallel_loop3A_493 = arith.addf %parallel_loop3A_448, %parallel_loop3A_492 : vector<16xf32>
        scf.yield %parallel_loop3A_464, %parallel_loop3A_466, %parallel_loop3A_473, %parallel_loop3A_475, %parallel_loop3A_482, %parallel_loop3A_484, %parallel_loop3A_491, %parallel_loop3A_493 : vector<16xf32>, vector<16xf32>, vector<16xf32>, vector<16xf32>, vector<16xf32>, vector<16xf32>, vector<16xf32>, vector<16xf32>
      } {sc.loop_unroll_factor = 4 : i64, sc.parallel_access}
      %shift_right_logical3A = arith.constant 6 : i32
      %shift_right_logical3A_146 = vector.broadcast %shift_right_logical3A : i32 to vector<16xi32>
      %shift_right_logical3A_147 = arith.shrui %get3A_133, %shift_right_logical3A_146 : vector<16xi32>
      %gather3A = tpu.vector_load_idx %arg16[%shift_right_logical3A_147] : memref<256xf32, #tpu.memory_space<vmem>>[vector<16xi32>], vector<16xf32>,
      %mul3A_148 = vector.broadcast %scan3A_110 : f32 to vector<16xf32>
      %mul3A_149 = arith.mulf %parallel_loop3A_145#0, %mul3A_148 : vector<16xf32>
      %sub3A_150 = arith.subf %mul3A_149, %gather3A : vector<16xf32>
      %exp3A = math.exp %sub3A_150 : vector<16xf32>
      %mul3A_151 = vector.broadcast %scan3A_110 : f32 to vector<16xf32>
      %mul3A_152 = arith.mulf %parallel_loop3A_145#1, %mul3A_151 : vector<16xf32>
      %sub3A_153 = arith.subf %mul3A_152, %gather3A : vector<16xf32>
      %exp3A_154 = math.exp %sub3A_153 : vector<16xf32>
      tpu.vector_store_idx %arg19[%shift_right_logical3A_147], %exp3A {add = true} : memref<256xf32, #tpu.memory_space<vmem>>[vector<16xi32>], vector<16xf32>,
      tpu.vector_store_idx %arg20[%shift_right_logical3A_147], %exp3A_154 {add = true} : memref<256xf32, #tpu.memory_space<vmem>>[vector<16xi32>], vector<16xf32>,
      %shift_right_logical3A_155 = arith.constant 6 : i32
      %shift_right_logical3A_156 = vector.broadcast %shift_right_logical3A_155 : i32 to vector<16xi32>
      %shift_right_logical3A_157 = arith.shrui %get3A_136, %shift_right_logical3A_156 : vector<16xi32>
      %gather3A_158 = tpu.vector_load_idx %arg16[%shift_right_logical3A_157] : memref<256xf32, #tpu.memory_space<vmem>>[vector<16xi32>], vector<16xf32>,
      %mul3A_159 = vector.broadcast %scan3A_110 : f32 to vector<16xf32>
      %mul3A_160 = arith.mulf %parallel_loop3A_145#2, %mul3A_159 : vector<16xf32>
      %sub3A_161 = arith.subf %mul3A_160, %gather3A_158 : vector<16xf32>
      %exp3A_162 = math.exp %sub3A_161 : vector<16xf32>
      %mul3A_163 = vector.broadcast %scan3A_110 : f32 to vector<16xf32>
      %mul3A_164 = arith.mulf %parallel_loop3A_145#3, %mul3A_163 : vector<16xf32>
      %sub3A_165 = arith.subf %mul3A_164, %gather3A_158 : vector<16xf32>
      %exp3A_166 = math.exp %sub3A_165 : vector<16xf32>
      tpu.vector_store_idx %arg19[%shift_right_logical3A_157], %exp3A_162 {add = true} : memref<256xf32, #tpu.memory_space<vmem>>[vector<16xi32>], vector<16xf32>,
      tpu.vector_store_idx %arg20[%shift_right_logical3A_157], %exp3A_166 {add = true} : memref<256xf32, #tpu.memory_space<vmem>>[vector<16xi32>], vector<16xf32>,
      %shift_right_logical3A_167 = arith.constant 6 : i32
      %shift_right_logical3A_168 = vector.broadcast %shift_right_logical3A_167 : i32 to vector<16xi32>
      %shift_right_logical3A_169 = arith.shrui %get3A_139, %shift_right_logical3A_168 : vector<16xi32>
      %gather3A_170 = tpu.vector_load_idx %arg16[%shift_right_logical3A_169] : memref<256xf32, #tpu.memory_space<vmem>>[vector<16xi32>], vector<16xf32>,
      %mul3A_171 = vector.broadcast %scan3A_110 : f32 to vector<16xf32>
      %mul3A_172 = arith.mulf %parallel_loop3A_145#4, %mul3A_171 : vector<16xf32>
      %sub3A_173 = arith.subf %mul3A_172, %gather3A_170 : vector<16xf32>
      %exp3A_174 = math.exp %sub3A_173 : vector<16xf32>
      %mul3A_175 = vector.broadcast %scan3A_110 : f32 to vector<16xf32>
      %mul3A_176 = arith.mulf %parallel_loop3A_145#5, %mul3A_175 : vector<16xf32>
      %sub3A_177 = arith.subf %mul3A_176, %gather3A_170 : vector<16xf32>
      %exp3A_178 = math.exp %sub3A_177 : vector<16xf32>
      tpu.vector_store_idx %arg19[%shift_right_logical3A_169], %exp3A_174 {add = true} : memref<256xf32, #tpu.memory_space<vmem>>[vector<16xi32>], vector<16xf32>,
      tpu.vector_store_idx %arg20[%shift_right_logical3A_169], %exp3A_178 {add = true} : memref<256xf32, #tpu.memory_space<vmem>>[vector<16xi32>], vector<16xf32>,
      %shift_right_logical3A_179 = arith.constant 6 : i32
      %shift_right_logical3A_180 = vector.broadcast %shift_right_logical3A_179 : i32 to vector<16xi32>
      %shift_right_logical3A_181 = arith.shrui %get3A_142, %shift_right_logical3A_180 : vector<16xi32>
      %gather3A_182 = tpu.vector_load_idx %arg16[%shift_right_logical3A_181] : memref<256xf32, #tpu.memory_space<vmem>>[vector<16xi32>], vector<16xf32>,
      %mul3A_183 = vector.broadcast %scan3A_110 : f32 to vector<16xf32>
      %mul3A_184 = arith.mulf %parallel_loop3A_145#6, %mul3A_183 : vector<16xf32>
      %sub3A_185 = arith.subf %mul3A_184, %gather3A_182 : vector<16xf32>
      %exp3A_186 = math.exp %sub3A_185 : vector<16xf32>
      %mul3A_187 = vector.broadcast %scan3A_110 : f32 to vector<16xf32>
      %mul3A_188 = arith.mulf %parallel_loop3A_145#7, %mul3A_187 : vector<16xf32>
      %sub3A_189 = arith.subf %mul3A_188, %gather3A_182 : vector<16xf32>
      %exp3A_190 = math.exp %sub3A_189 : vector<16xf32>
      tpu.vector_store_idx %arg19[%shift_right_logical3A_181], %exp3A_186 {add = true} : memref<256xf32, #tpu.memory_space<vmem>>[vector<16xi32>], vector<16xf32>,
      tpu.vector_store_idx %arg20[%shift_right_logical3A_181], %exp3A_190 {add = true} : memref<256xf32, #tpu.memory_space<vmem>>[vector<16xi32>], vector<16xf32>,
      %mul3A_191 = arith.constant 4 : i32
      %mul3A_192 = arith.muli %scan3A_116, %mul3A_191 : i32
      %add3A_193 = arith.constant 1 : i32
      %add3A_194 = arith.addi %mul3A_192, %add3A_193 : i32
      %add3A_195 = arith.constant 4 : i32
      %add3A_196 = arith.addi %add3A_194, %add3A_195 : i32
      %sub3A_197 = arith.constant 1 : i32
      %sub3A_198 = arith.subi %add3A_196, %sub3A_197 : i32
      %lt3A_199 = arith.constant 512 : i32
      %lt3A_200 = arith.cmpi slt, %sub3A_198, %lt3A_199 : i32
      %convert_element_type3A_201 = arith.extui %lt3A_200 : i1 to i32
      %cond3A_202 = arith.constant 0 : i32
      %cond3A_203 = arith.cmpi ne, %convert_element_type3A_201, %cond3A_202 : i32
      scf.if %cond3A_203 {
        %add3A_440 = arith.constant 4 : i32
        %add3A_441 = arith.addi %add3A_194, %add3A_440 : i32
        %sub3A_442 = arith.constant 1 : i32
        %sub3A_443 = arith.subi %add3A_441, %sub3A_442 : i32
        %dma_start3A_444 = arith.constant 0 : i32
        %dma_start3A_445 = tpu.memref_slice %arg12[%sub3A_443, %dma_start3A_444] : memref<512x64xi32, #tpu.memory_space<vmem>> -> memref<1x64xi32, #tpu.memory_space<vmem>>
        %dma_start3A_446 = tpu.memref_squeeze %dma_start3A_445 : memref<1x64xi32, #tpu.memory_space<vmem>> -> memref<64xi32, #tpu.memory_space<vmem>>
        %dma_start3A_447 = arith.constant 0 : i32
        %dma_start3A_448 = arith.constant 0 : i32
        %dma_start3A_449 = tpu.memref_slice %arg2[%dma_start3A_447, %dma_start3A_448] : memref<1000000x64xf32, #tpu.memory_space<hbm>> -> memref<1000000x64xf32, #tpu.memory_space<hbm>>
        tpu.enqueue_indirect_dma source(%dma_start3A_449 : memref<1000000x64xf32, #tpu.memory_space<hbm>>) target(%arg21 : memref<64x64xf32, #tpu.memory_space<vmem>>) offsets(%dma_start3A_446 : memref<64xi32, #tpu.memory_space<vmem>>) semaphore(%arg25 : memref<!tpu.dma_semaphore, #tpu.memory_space<semaphore_mem>>)
      } else {
      }
      %dma_wait3A_204 = arith.constant 0 : i32
      %dma_wait3A_205 = tpu.memref_slice %arg12[%add3A_194, %dma_wait3A_204] : memref<512x64xi32, #tpu.memory_space<vmem>> -> memref<1x64xi32, #tpu.memory_space<vmem>>
      %dma_wait3A_206 = tpu.memref_squeeze %dma_wait3A_205 : memref<1x64xi32, #tpu.memory_space<vmem>> -> memref<64xi32, #tpu.memory_space<vmem>>
      %dma_wait3A_207 = arith.constant 0 : i32
      %dma_wait3A_208 = arith.constant 0 : i32
      %dma_wait3A_209 = tpu.memref_slice %arg2[%dma_wait3A_207, %dma_wait3A_208] : memref<1000000x64xf32, #tpu.memory_space<hbm>> -> memref<1000000x64xf32, #tpu.memory_space<hbm>>
      tpu.wait_indirect_dma semaphore(%arg26 : memref<!tpu.dma_semaphore, #tpu.memory_space<semaphore_mem>>) src(%dma_wait3A_209 : memref<1000000x64xf32, #tpu.memory_space<hbm>>) dst(%arg22 : memref<64x64xf32, #tpu.memory_space<vmem>>)
      %get3A_210 = arith.index_cast %add3A_194 : i32 to index
      %get3A_211 = arith.constant 0 : index
      %get3A_212 = tpu.vector_load %arg13[%get3A_210, %get3A_211] {strides = array<i32>} : memref<512x64xi32, #tpu.memory_space<vmem>>, vector<16xi32>,
      %get3A_213 = arith.index_cast %add3A_194 : i32 to index
      %get3A_214 = arith.constant 16 : index
      %get3A_215 = tpu.vector_load %arg13[%get3A_213, %get3A_214] {strides = array<i32>} : memref<512x64xi32, #tpu.memory_space<vmem>>, vector<16xi32>,
      %get3A_216 = arith.index_cast %add3A_194 : i32 to index
      %get3A_217 = arith.constant 32 : index
      %get3A_218 = tpu.vector_load %arg13[%get3A_216, %get3A_217] {strides = array<i32>} : memref<512x64xi32, #tpu.memory_space<vmem>>, vector<16xi32>,
      %get3A_219 = arith.index_cast %add3A_194 : i32 to index
      %get3A_220 = arith.constant 48 : index
      %get3A_221 = tpu.vector_load %arg13[%get3A_219, %get3A_220] {strides = array<i32>} : memref<512x64xi32, #tpu.memory_space<vmem>>, vector<16xi32>,
      %parallel_loop3A_222 = arith.constant 0 : i32
      %parallel_loop3A_223 = arith.constant 64 : i32
      %parallel_loop3A_224 = arith.constant 1 : i32
      %parallel_loop3A_225:8 = scf.for %parallel_loop3A_440 = %parallel_loop3A_222 to %parallel_loop3A_223 step %parallel_loop3A_224 iter_args(%parallel_loop3A_441 = %broadcast_in_dim3A_13, %parallel_loop3A_442 = %broadcast_in_dim3A_13, %parallel_loop3A_443 = %broadcast_in_dim3A_13, %parallel_loop3A_444 = %broadcast_in_dim3A_13, %parallel_loop3A_445 = %broadcast_in_dim3A_13, %parallel_loop3A_446 = %broadcast_in_dim3A_13, %parallel_loop3A_447 = %broadcast_in_dim3A_13, %parallel_loop3A_448 = %broadcast_in_dim3A_13) -> (vector<16xf32>, vector<16xf32>, vector<16xf32>, vector<16xf32>, vector<16xf32>, vector<16xf32>, vector<16xf32>, vector<16xf32>)  : i32 {
        %parallel_loop3A_449 = vector.broadcast %parallel_loop3A_440 : i32 to vector<16xi32>
        %parallel_loop3A_450 = arith.addi %parallel_loop3A_449, %iota3A : vector<16xi32>
        %parallel_loop3A_451 = arith.constant 64 : i32
        %parallel_loop3A_452 = vector.broadcast %parallel_loop3A_451 : i32 to vector<16xi32>
        %parallel_loop3A_453 = arith.cmpi sge, %parallel_loop3A_450, %parallel_loop3A_452 : vector<16xi32>
        %parallel_loop3A_454 = arith.constant 64 : i32
        %parallel_loop3A_455 = vector.broadcast %parallel_loop3A_454 : i32 to vector<16xi32>
        %parallel_loop3A_456 = arith.subi %parallel_loop3A_450, %parallel_loop3A_455 : vector<16xi32>
        %parallel_loop3A_457 = arith.select %parallel_loop3A_453, %parallel_loop3A_456, %parallel_loop3A_450 : vector<16xi1>, vector<16xi32>
        %parallel_loop3A_458 = tpu.vector_load_idx %arg22[%add3A_79, %parallel_loop3A_457] : memref<64x64xf32, #tpu.memory_space<vmem>>[vector<16xi32>, vector<16xi32>], vector<16xf32>,
        %parallel_loop3A_459 = arith.addi %get3A_212, %parallel_loop3A_457 : vector<16xi32>
        %parallel_loop3A_460 = tpu.vector_load_idx %arg14[%parallel_loop3A_459] : memref<16384xf32, #tpu.memory_space<vmem>>[vector<16xi32>], vector<16xf32>,
        %parallel_loop3A_461 = arith.addi %get3A_212, %parallel_loop3A_457 : vector<16xi32>
        %parallel_loop3A_462 = tpu.vector_load_idx %arg15[%parallel_loop3A_461] : memref<16384xf32, #tpu.memory_space<vmem>>[vector<16xi32>], vector<16xf32>,
        %parallel_loop3A_463 = arith.mulf %parallel_loop3A_458, %parallel_loop3A_460 : vector<16xf32>
        %parallel_loop3A_464 = arith.addf %parallel_loop3A_441, %parallel_loop3A_463 : vector<16xf32>
        %parallel_loop3A_465 = arith.mulf %parallel_loop3A_458, %parallel_loop3A_462 : vector<16xf32>
        %parallel_loop3A_466 = arith.addf %parallel_loop3A_442, %parallel_loop3A_465 : vector<16xf32>
        %parallel_loop3A_467 = tpu.vector_load_idx %arg22[%add3A_82, %parallel_loop3A_457] : memref<64x64xf32, #tpu.memory_space<vmem>>[vector<16xi32>, vector<16xi32>], vector<16xf32>,
        %parallel_loop3A_468 = arith.addi %get3A_215, %parallel_loop3A_457 : vector<16xi32>
        %parallel_loop3A_469 = tpu.vector_load_idx %arg14[%parallel_loop3A_468] : memref<16384xf32, #tpu.memory_space<vmem>>[vector<16xi32>], vector<16xf32>,
        %parallel_loop3A_470 = arith.addi %get3A_215, %parallel_loop3A_457 : vector<16xi32>
        %parallel_loop3A_471 = tpu.vector_load_idx %arg15[%parallel_loop3A_470] : memref<16384xf32, #tpu.memory_space<vmem>>[vector<16xi32>], vector<16xf32>,
        %parallel_loop3A_472 = arith.mulf %parallel_loop3A_467, %parallel_loop3A_469 : vector<16xf32>
        %parallel_loop3A_473 = arith.addf %parallel_loop3A_443, %parallel_loop3A_472 : vector<16xf32>
        %parallel_loop3A_474 = arith.mulf %parallel_loop3A_467, %parallel_loop3A_471 : vector<16xf32>
        %parallel_loop3A_475 = arith.addf %parallel_loop3A_444, %parallel_loop3A_474 : vector<16xf32>
        %parallel_loop3A_476 = tpu.vector_load_idx %arg22[%add3A_85, %parallel_loop3A_457] : memref<64x64xf32, #tpu.memory_space<vmem>>[vector<16xi32>, vector<16xi32>], vector<16xf32>,
        %parallel_loop3A_477 = arith.addi %get3A_218, %parallel_loop3A_457 : vector<16xi32>
        %parallel_loop3A_478 = tpu.vector_load_idx %arg14[%parallel_loop3A_477] : memref<16384xf32, #tpu.memory_space<vmem>>[vector<16xi32>], vector<16xf32>,
        %parallel_loop3A_479 = arith.addi %get3A_218, %parallel_loop3A_457 : vector<16xi32>
        %parallel_loop3A_480 = tpu.vector_load_idx %arg15[%parallel_loop3A_479] : memref<16384xf32, #tpu.memory_space<vmem>>[vector<16xi32>], vector<16xf32>,
        %parallel_loop3A_481 = arith.mulf %parallel_loop3A_476, %parallel_loop3A_478 : vector<16xf32>
        %parallel_loop3A_482 = arith.addf %parallel_loop3A_445, %parallel_loop3A_481 : vector<16xf32>
        %parallel_loop3A_483 = arith.mulf %parallel_loop3A_476, %parallel_loop3A_480 : vector<16xf32>
        %parallel_loop3A_484 = arith.addf %parallel_loop3A_446, %parallel_loop3A_483 : vector<16xf32>
        %parallel_loop3A_485 = tpu.vector_load_idx %arg22[%add3A_88, %parallel_loop3A_457] : memref<64x64xf32, #tpu.memory_space<vmem>>[vector<16xi32>, vector<16xi32>], vector<16xf32>,
        %parallel_loop3A_486 = arith.addi %get3A_221, %parallel_loop3A_457 : vector<16xi32>
        %parallel_loop3A_487 = tpu.vector_load_idx %arg14[%parallel_loop3A_486] : memref<16384xf32, #tpu.memory_space<vmem>>[vector<16xi32>], vector<16xf32>,
        %parallel_loop3A_488 = arith.addi %get3A_221, %parallel_loop3A_457 : vector<16xi32>
        %parallel_loop3A_489 = tpu.vector_load_idx %arg15[%parallel_loop3A_488] : memref<16384xf32, #tpu.memory_space<vmem>>[vector<16xi32>], vector<16xf32>,
        %parallel_loop3A_490 = arith.mulf %parallel_loop3A_485, %parallel_loop3A_487 : vector<16xf32>
        %parallel_loop3A_491 = arith.addf %parallel_loop3A_447, %parallel_loop3A_490 : vector<16xf32>
        %parallel_loop3A_492 = arith.mulf %parallel_loop3A_485, %parallel_loop3A_489 : vector<16xf32>
        %parallel_loop3A_493 = arith.addf %parallel_loop3A_448, %parallel_loop3A_492 : vector<16xf32>
        scf.yield %parallel_loop3A_464, %parallel_loop3A_466, %parallel_loop3A_473, %parallel_loop3A_475, %parallel_loop3A_482, %parallel_loop3A_484, %parallel_loop3A_491, %parallel_loop3A_493 : vector<16xf32>, vector<16xf32>, vector<16xf32>, vector<16xf32>, vector<16xf32>, vector<16xf32>, vector<16xf32>, vector<16xf32>
      } {sc.loop_unroll_factor = 4 : i64, sc.parallel_access}
      %shift_right_logical3A_226 = arith.constant 6 : i32
      %shift_right_logical3A_227 = vector.broadcast %shift_right_logical3A_226 : i32 to vector<16xi32>
      %shift_right_logical3A_228 = arith.shrui %get3A_212, %shift_right_logical3A_227 : vector<16xi32>
      %gather3A_229 = tpu.vector_load_idx %arg16[%shift_right_logical3A_228] : memref<256xf32, #tpu.memory_space<vmem>>[vector<16xi32>], vector<16xf32>,
      %mul3A_230 = vector.broadcast %scan3A_110 : f32 to vector<16xf32>
      %mul3A_231 = arith.mulf %parallel_loop3A_225#0, %mul3A_230 : vector<16xf32>
      %sub3A_232 = arith.subf %mul3A_231, %gather3A_229 : vector<16xf32>
      %exp3A_233 = math.exp %sub3A_232 : vector<16xf32>
      %mul3A_234 = vector.broadcast %scan3A_110 : f32 to vector<16xf32>
      %mul3A_235 = arith.mulf %parallel_loop3A_225#1, %mul3A_234 : vector<16xf32>
      %sub3A_236 = arith.subf %mul3A_235, %gather3A_229 : vector<16xf32>
      %exp3A_237 = math.exp %sub3A_236 : vector<16xf32>
      tpu.vector_store_idx %arg19[%shift_right_logical3A_228], %exp3A_233 {add = true} : memref<256xf32, #tpu.memory_space<vmem>>[vector<16xi32>], vector<16xf32>,
      tpu.vector_store_idx %arg20[%shift_right_logical3A_228], %exp3A_237 {add = true} : memref<256xf32, #tpu.memory_space<vmem>>[vector<16xi32>], vector<16xf32>,
      %shift_right_logical3A_238 = arith.constant 6 : i32
      %shift_right_logical3A_239 = vector.broadcast %shift_right_logical3A_238 : i32 to vector<16xi32>
      %shift_right_logical3A_240 = arith.shrui %get3A_215, %shift_right_logical3A_239 : vector<16xi32>
      %gather3A_241 = tpu.vector_load_idx %arg16[%shift_right_logical3A_240] : memref<256xf32, #tpu.memory_space<vmem>>[vector<16xi32>], vector<16xf32>,
      %mul3A_242 = vector.broadcast %scan3A_110 : f32 to vector<16xf32>
      %mul3A_243 = arith.mulf %parallel_loop3A_225#2, %mul3A_242 : vector<16xf32>
      %sub3A_244 = arith.subf %mul3A_243, %gather3A_241 : vector<16xf32>
      %exp3A_245 = math.exp %sub3A_244 : vector<16xf32>
      %mul3A_246 = vector.broadcast %scan3A_110 : f32 to vector<16xf32>
      %mul3A_247 = arith.mulf %parallel_loop3A_225#3, %mul3A_246 : vector<16xf32>
      %sub3A_248 = arith.subf %mul3A_247, %gather3A_241 : vector<16xf32>
      %exp3A_249 = math.exp %sub3A_248 : vector<16xf32>
      tpu.vector_store_idx %arg19[%shift_right_logical3A_240], %exp3A_245 {add = true} : memref<256xf32, #tpu.memory_space<vmem>>[vector<16xi32>], vector<16xf32>,
      tpu.vector_store_idx %arg20[%shift_right_logical3A_240], %exp3A_249 {add = true} : memref<256xf32, #tpu.memory_space<vmem>>[vector<16xi32>], vector<16xf32>,
      %shift_right_logical3A_250 = arith.constant 6 : i32
      %shift_right_logical3A_251 = vector.broadcast %shift_right_logical3A_250 : i32 to vector<16xi32>
      %shift_right_logical3A_252 = arith.shrui %get3A_218, %shift_right_logical3A_251 : vector<16xi32>
      %gather3A_253 = tpu.vector_load_idx %arg16[%shift_right_logical3A_252] : memref<256xf32, #tpu.memory_space<vmem>>[vector<16xi32>], vector<16xf32>,
      %mul3A_254 = vector.broadcast %scan3A_110 : f32 to vector<16xf32>
      %mul3A_255 = arith.mulf %parallel_loop3A_225#4, %mul3A_254 : vector<16xf32>
      %sub3A_256 = arith.subf %mul3A_255, %gather3A_253 : vector<16xf32>
      %exp3A_257 = math.exp %sub3A_256 : vector<16xf32>
      %mul3A_258 = vector.broadcast %scan3A_110 : f32 to vector<16xf32>
      %mul3A_259 = arith.mulf %parallel_loop3A_225#5, %mul3A_258 : vector<16xf32>
      %sub3A_260 = arith.subf %mul3A_259, %gather3A_253 : vector<16xf32>
      %exp3A_261 = math.exp %sub3A_260 : vector<16xf32>
      tpu.vector_store_idx %arg19[%shift_right_logical3A_252], %exp3A_257 {add = true} : memref<256xf32, #tpu.memory_space<vmem>>[vector<16xi32>], vector<16xf32>,
      tpu.vector_store_idx %arg20[%shift_right_logical3A_252], %exp3A_261 {add = true} : memref<256xf32, #tpu.memory_space<vmem>>[vector<16xi32>], vector<16xf32>,
      %shift_right_logical3A_262 = arith.constant 6 : i32
      %shift_right_logical3A_263 = vector.broadcast %shift_right_logical3A_262 : i32 to vector<16xi32>
      %shift_right_logical3A_264 = arith.shrui %get3A_221, %shift_right_logical3A_263 : vector<16xi32>
      %gather3A_265 = tpu.vector_load_idx %arg16[%shift_right_logical3A_264] : memref<256xf32, #tpu.memory_space<vmem>>[vector<16xi32>], vector<16xf32>,
      %mul3A_266 = vector.broadcast %scan3A_110 : f32 to vector<16xf32>
      %mul3A_267 = arith.mulf %parallel_loop3A_225#6, %mul3A_266 : vector<16xf32>
      %sub3A_268 = arith.subf %mul3A_267, %gather3A_265 : vector<16xf32>
      %exp3A_269 = math.exp %sub3A_268 : vector<16xf32>
      %mul3A_270 = vector.broadcast %scan3A_110 : f32 to vector<16xf32>
      %mul3A_271 = arith.mulf %parallel_loop3A_225#7, %mul3A_270 : vector<16xf32>
      %sub3A_272 = arith.subf %mul3A_271, %gather3A_265 : vector<16xf32>
      %exp3A_273 = math.exp %sub3A_272 : vector<16xf32>
      tpu.vector_store_idx %arg19[%shift_right_logical3A_264], %exp3A_269 {add = true} : memref<256xf32, #tpu.memory_space<vmem>>[vector<16xi32>], vector<16xf32>,
      tpu.vector_store_idx %arg20[%shift_right_logical3A_264], %exp3A_273 {add = true} : memref<256xf32, #tpu.memory_space<vmem>>[vector<16xi32>], vector<16xf32>,
      %mul3A_274 = arith.constant 4 : i32
      %mul3A_275 = arith.muli %scan3A_116, %mul3A_274 : i32
      %add3A_276 = arith.constant 2 : i32
      %add3A_277 = arith.addi %mul3A_275, %add3A_276 : i32
      %add3A_278 = arith.constant 4 : i32
      %add3A_279 = arith.addi %add3A_277, %add3A_278 : i32
      %sub3A_280 = arith.constant 1 : i32
      %sub3A_281 = arith.subi %add3A_279, %sub3A_280 : i32
      %lt3A_282 = arith.constant 512 : i32
      %lt3A_283 = arith.cmpi slt, %sub3A_281, %lt3A_282 : i32
      %convert_element_type3A_284 = arith.extui %lt3A_283 : i1 to i32
      %cond3A_285 = arith.constant 0 : i32
      %cond3A_286 = arith.cmpi ne, %convert_element_type3A_284, %cond3A_285 : i32
      scf.if %cond3A_286 {
        %add3A_440 = arith.constant 4 : i32
        %add3A_441 = arith.addi %add3A_277, %add3A_440 : i32
        %sub3A_442 = arith.constant 1 : i32
        %sub3A_443 = arith.subi %add3A_441, %sub3A_442 : i32
        %dma_start3A_444 = arith.constant 0 : i32
        %dma_start3A_445 = tpu.memref_slice %arg12[%sub3A_443, %dma_start3A_444] : memref<512x64xi32, #tpu.memory_space<vmem>> -> memref<1x64xi32, #tpu.memory_space<vmem>>
        %dma_start3A_446 = tpu.memref_squeeze %dma_start3A_445 : memref<1x64xi32, #tpu.memory_space<vmem>> -> memref<64xi32, #tpu.memory_space<vmem>>
        %dma_start3A_447 = arith.constant 0 : i32
        %dma_start3A_448 = arith.constant 0 : i32
        %dma_start3A_449 = tpu.memref_slice %arg2[%dma_start3A_447, %dma_start3A_448] : memref<1000000x64xf32, #tpu.memory_space<hbm>> -> memref<1000000x64xf32, #tpu.memory_space<hbm>>
        tpu.enqueue_indirect_dma source(%dma_start3A_449 : memref<1000000x64xf32, #tpu.memory_space<hbm>>) target(%arg22 : memref<64x64xf32, #tpu.memory_space<vmem>>) offsets(%dma_start3A_446 : memref<64xi32, #tpu.memory_space<vmem>>) semaphore(%arg26 : memref<!tpu.dma_semaphore, #tpu.memory_space<semaphore_mem>>)
      } else {
      }
      %dma_wait3A_287 = arith.constant 0 : i32
      %dma_wait3A_288 = tpu.memref_slice %arg12[%add3A_277, %dma_wait3A_287] : memref<512x64xi32, #tpu.memory_space<vmem>> -> memref<1x64xi32, #tpu.memory_space<vmem>>
      %dma_wait3A_289 = tpu.memref_squeeze %dma_wait3A_288 : memref<1x64xi32, #tpu.memory_space<vmem>> -> memref<64xi32, #tpu.memory_space<vmem>>
      %dma_wait3A_290 = arith.constant 0 : i32
      %dma_wait3A_291 = arith.constant 0 : i32
      %dma_wait3A_292 = tpu.memref_slice %arg2[%dma_wait3A_290, %dma_wait3A_291] : memref<1000000x64xf32, #tpu.memory_space<hbm>> -> memref<1000000x64xf32, #tpu.memory_space<hbm>>
      tpu.wait_indirect_dma semaphore(%arg27 : memref<!tpu.dma_semaphore, #tpu.memory_space<semaphore_mem>>) src(%dma_wait3A_292 : memref<1000000x64xf32, #tpu.memory_space<hbm>>) dst(%arg23 : memref<64x64xf32, #tpu.memory_space<vmem>>)
      %get3A_293 = arith.index_cast %add3A_277 : i32 to index
      %get3A_294 = arith.constant 0 : index
      %get3A_295 = tpu.vector_load %arg13[%get3A_293, %get3A_294] {strides = array<i32>} : memref<512x64xi32, #tpu.memory_space<vmem>>, vector<16xi32>,
      %get3A_296 = arith.index_cast %add3A_277 : i32 to index
      %get3A_297 = arith.constant 16 : index
      %get3A_298 = tpu.vector_load %arg13[%get3A_296, %get3A_297] {strides = array<i32>} : memref<512x64xi32, #tpu.memory_space<vmem>>, vector<16xi32>,
      %get3A_299 = arith.index_cast %add3A_277 : i32 to index
      %get3A_300 = arith.constant 32 : index
      %get3A_301 = tpu.vector_load %arg13[%get3A_299, %get3A_300] {strides = array<i32>} : memref<512x64xi32, #tpu.memory_space<vmem>>, vector<16xi32>,
      %get3A_302 = arith.index_cast %add3A_277 : i32 to index
      %get3A_303 = arith.constant 48 : index
      %get3A_304 = tpu.vector_load %arg13[%get3A_302, %get3A_303] {strides = array<i32>} : memref<512x64xi32, #tpu.memory_space<vmem>>, vector<16xi32>,
      %parallel_loop3A_305 = arith.constant 0 : i32
      %parallel_loop3A_306 = arith.constant 64 : i32
      %parallel_loop3A_307 = arith.constant 1 : i32
      %parallel_loop3A_308:8 = scf.for %parallel_loop3A_440 = %parallel_loop3A_305 to %parallel_loop3A_306 step %parallel_loop3A_307 iter_args(%parallel_loop3A_441 = %broadcast_in_dim3A_13, %parallel_loop3A_442 = %broadcast_in_dim3A_13, %parallel_loop3A_443 = %broadcast_in_dim3A_13, %parallel_loop3A_444 = %broadcast_in_dim3A_13, %parallel_loop3A_445 = %broadcast_in_dim3A_13, %parallel_loop3A_446 = %broadcast_in_dim3A_13, %parallel_loop3A_447 = %broadcast_in_dim3A_13, %parallel_loop3A_448 = %broadcast_in_dim3A_13) -> (vector<16xf32>, vector<16xf32>, vector<16xf32>, vector<16xf32>, vector<16xf32>, vector<16xf32>, vector<16xf32>, vector<16xf32>)  : i32 {
        %parallel_loop3A_449 = vector.broadcast %parallel_loop3A_440 : i32 to vector<16xi32>
        %parallel_loop3A_450 = arith.addi %parallel_loop3A_449, %iota3A : vector<16xi32>
        %parallel_loop3A_451 = arith.constant 64 : i32
        %parallel_loop3A_452 = vector.broadcast %parallel_loop3A_451 : i32 to vector<16xi32>
        %parallel_loop3A_453 = arith.cmpi sge, %parallel_loop3A_450, %parallel_loop3A_452 : vector<16xi32>
        %parallel_loop3A_454 = arith.constant 64 : i32
        %parallel_loop3A_455 = vector.broadcast %parallel_loop3A_454 : i32 to vector<16xi32>
        %parallel_loop3A_456 = arith.subi %parallel_loop3A_450, %parallel_loop3A_455 : vector<16xi32>
        %parallel_loop3A_457 = arith.select %parallel_loop3A_453, %parallel_loop3A_456, %parallel_loop3A_450 : vector<16xi1>, vector<16xi32>
        %parallel_loop3A_458 = tpu.vector_load_idx %arg23[%add3A_79, %parallel_loop3A_457] : memref<64x64xf32, #tpu.memory_space<vmem>>[vector<16xi32>, vector<16xi32>], vector<16xf32>,
        %parallel_loop3A_459 = arith.addi %get3A_295, %parallel_loop3A_457 : vector<16xi32>
        %parallel_loop3A_460 = tpu.vector_load_idx %arg14[%parallel_loop3A_459] : memref<16384xf32, #tpu.memory_space<vmem>>[vector<16xi32>], vector<16xf32>,
        %parallel_loop3A_461 = arith.addi %get3A_295, %parallel_loop3A_457 : vector<16xi32>
        %parallel_loop3A_462 = tpu.vector_load_idx %arg15[%parallel_loop3A_461] : memref<16384xf32, #tpu.memory_space<vmem>>[vector<16xi32>], vector<16xf32>,
        %parallel_loop3A_463 = arith.mulf %parallel_loop3A_458, %parallel_loop3A_460 : vector<16xf32>
        %parallel_loop3A_464 = arith.addf %parallel_loop3A_441, %parallel_loop3A_463 : vector<16xf32>
        %parallel_loop3A_465 = arith.mulf %parallel_loop3A_458, %parallel_loop3A_462 : vector<16xf32>
        %parallel_loop3A_466 = arith.addf %parallel_loop3A_442, %parallel_loop3A_465 : vector<16xf32>
        %parallel_loop3A_467 = tpu.vector_load_idx %arg23[%add3A_82, %parallel_loop3A_457] : memref<64x64xf32, #tpu.memory_space<vmem>>[vector<16xi32>, vector<16xi32>], vector<16xf32>,
        %parallel_loop3A_468 = arith.addi %get3A_298, %parallel_loop3A_457 : vector<16xi32>
        %parallel_loop3A_469 = tpu.vector_load_idx %arg14[%parallel_loop3A_468] : memref<16384xf32, #tpu.memory_space<vmem>>[vector<16xi32>], vector<16xf32>,
        %parallel_loop3A_470 = arith.addi %get3A_298, %parallel_loop3A_457 : vector<16xi32>
        %parallel_loop3A_471 = tpu.vector_load_idx %arg15[%parallel_loop3A_470] : memref<16384xf32, #tpu.memory_space<vmem>>[vector<16xi32>], vector<16xf32>,
        %parallel_loop3A_472 = arith.mulf %parallel_loop3A_467, %parallel_loop3A_469 : vector<16xf32>
        %parallel_loop3A_473 = arith.addf %parallel_loop3A_443, %parallel_loop3A_472 : vector<16xf32>
        %parallel_loop3A_474 = arith.mulf %parallel_loop3A_467, %parallel_loop3A_471 : vector<16xf32>
        %parallel_loop3A_475 = arith.addf %parallel_loop3A_444, %parallel_loop3A_474 : vector<16xf32>
        %parallel_loop3A_476 = tpu.vector_load_idx %arg23[%add3A_85, %parallel_loop3A_457] : memref<64x64xf32, #tpu.memory_space<vmem>>[vector<16xi32>, vector<16xi32>], vector<16xf32>,
        %parallel_loop3A_477 = arith.addi %get3A_301, %parallel_loop3A_457 : vector<16xi32>
        %parallel_loop3A_478 = tpu.vector_load_idx %arg14[%parallel_loop3A_477] : memref<16384xf32, #tpu.memory_space<vmem>>[vector<16xi32>], vector<16xf32>,
        %parallel_loop3A_479 = arith.addi %get3A_301, %parallel_loop3A_457 : vector<16xi32>
        %parallel_loop3A_480 = tpu.vector_load_idx %arg15[%parallel_loop3A_479] : memref<16384xf32, #tpu.memory_space<vmem>>[vector<16xi32>], vector<16xf32>,
        %parallel_loop3A_481 = arith.mulf %parallel_loop3A_476, %parallel_loop3A_478 : vector<16xf32>
        %parallel_loop3A_482 = arith.addf %parallel_loop3A_445, %parallel_loop3A_481 : vector<16xf32>
        %parallel_loop3A_483 = arith.mulf %parallel_loop3A_476, %parallel_loop3A_480 : vector<16xf32>
        %parallel_loop3A_484 = arith.addf %parallel_loop3A_446, %parallel_loop3A_483 : vector<16xf32>
        %parallel_loop3A_485 = tpu.vector_load_idx %arg23[%add3A_88, %parallel_loop3A_457] : memref<64x64xf32, #tpu.memory_space<vmem>>[vector<16xi32>, vector<16xi32>], vector<16xf32>,
        %parallel_loop3A_486 = arith.addi %get3A_304, %parallel_loop3A_457 : vector<16xi32>
        %parallel_loop3A_487 = tpu.vector_load_idx %arg14[%parallel_loop3A_486] : memref<16384xf32, #tpu.memory_space<vmem>>[vector<16xi32>], vector<16xf32>,
        %parallel_loop3A_488 = arith.addi %get3A_304, %parallel_loop3A_457 : vector<16xi32>
        %parallel_loop3A_489 = tpu.vector_load_idx %arg15[%parallel_loop3A_488] : memref<16384xf32, #tpu.memory_space<vmem>>[vector<16xi32>], vector<16xf32>,
        %parallel_loop3A_490 = arith.mulf %parallel_loop3A_485, %parallel_loop3A_487 : vector<16xf32>
        %parallel_loop3A_491 = arith.addf %parallel_loop3A_447, %parallel_loop3A_490 : vector<16xf32>
        %parallel_loop3A_492 = arith.mulf %parallel_loop3A_485, %parallel_loop3A_489 : vector<16xf32>
        %parallel_loop3A_493 = arith.addf %parallel_loop3A_448, %parallel_loop3A_492 : vector<16xf32>
        scf.yield %parallel_loop3A_464, %parallel_loop3A_466, %parallel_loop3A_473, %parallel_loop3A_475, %parallel_loop3A_482, %parallel_loop3A_484, %parallel_loop3A_491, %parallel_loop3A_493 : vector<16xf32>, vector<16xf32>, vector<16xf32>, vector<16xf32>, vector<16xf32>, vector<16xf32>, vector<16xf32>, vector<16xf32>
      } {sc.loop_unroll_factor = 4 : i64, sc.parallel_access}
      %shift_right_logical3A_309 = arith.constant 6 : i32
      %shift_right_logical3A_310 = vector.broadcast %shift_right_logical3A_309 : i32 to vector<16xi32>
      %shift_right_logical3A_311 = arith.shrui %get3A_295, %shift_right_logical3A_310 : vector<16xi32>
      %gather3A_312 = tpu.vector_load_idx %arg16[%shift_right_logical3A_311] : memref<256xf32, #tpu.memory_space<vmem>>[vector<16xi32>], vector<16xf32>,
      %mul3A_313 = vector.broadcast %scan3A_110 : f32 to vector<16xf32>
      %mul3A_314 = arith.mulf %parallel_loop3A_308#0, %mul3A_313 : vector<16xf32>
      %sub3A_315 = arith.subf %mul3A_314, %gather3A_312 : vector<16xf32>
      %exp3A_316 = math.exp %sub3A_315 : vector<16xf32>
      %mul3A_317 = vector.broadcast %scan3A_110 : f32 to vector<16xf32>
      %mul3A_318 = arith.mulf %parallel_loop3A_308#1, %mul3A_317 : vector<16xf32>
      %sub3A_319 = arith.subf %mul3A_318, %gather3A_312 : vector<16xf32>
      %exp3A_320 = math.exp %sub3A_319 : vector<16xf32>
      tpu.vector_store_idx %arg19[%shift_right_logical3A_311], %exp3A_316 {add = true} : memref<256xf32, #tpu.memory_space<vmem>>[vector<16xi32>], vector<16xf32>,
      tpu.vector_store_idx %arg20[%shift_right_logical3A_311], %exp3A_320 {add = true} : memref<256xf32, #tpu.memory_space<vmem>>[vector<16xi32>], vector<16xf32>,
      %shift_right_logical3A_321 = arith.constant 6 : i32
      %shift_right_logical3A_322 = vector.broadcast %shift_right_logical3A_321 : i32 to vector<16xi32>
      %shift_right_logical3A_323 = arith.shrui %get3A_298, %shift_right_logical3A_322 : vector<16xi32>
      %gather3A_324 = tpu.vector_load_idx %arg16[%shift_right_logical3A_323] : memref<256xf32, #tpu.memory_space<vmem>>[vector<16xi32>], vector<16xf32>,
      %mul3A_325 = vector.broadcast %scan3A_110 : f32 to vector<16xf32>
      %mul3A_326 = arith.mulf %parallel_loop3A_308#2, %mul3A_325 : vector<16xf32>
      %sub3A_327 = arith.subf %mul3A_326, %gather3A_324 : vector<16xf32>
      %exp3A_328 = math.exp %sub3A_327 : vector<16xf32>
      %mul3A_329 = vector.broadcast %scan3A_110 : f32 to vector<16xf32>
      %mul3A_330 = arith.mulf %parallel_loop3A_308#3, %mul3A_329 : vector<16xf32>
      %sub3A_331 = arith.subf %mul3A_330, %gather3A_324 : vector<16xf32>
      %exp3A_332 = math.exp %sub3A_331 : vector<16xf32>
      tpu.vector_store_idx %arg19[%shift_right_logical3A_323], %exp3A_328 {add = true} : memref<256xf32, #tpu.memory_space<vmem>>[vector<16xi32>], vector<16xf32>,
      tpu.vector_store_idx %arg20[%shift_right_logical3A_323], %exp3A_332 {add = true} : memref<256xf32, #tpu.memory_space<vmem>>[vector<16xi32>], vector<16xf32>,
      %shift_right_logical3A_333 = arith.constant 6 : i32
      %shift_right_logical3A_334 = vector.broadcast %shift_right_logical3A_333 : i32 to vector<16xi32>
      %shift_right_logical3A_335 = arith.shrui %get3A_301, %shift_right_logical3A_334 : vector<16xi32>
      %gather3A_336 = tpu.vector_load_idx %arg16[%shift_right_logical3A_335] : memref<256xf32, #tpu.memory_space<vmem>>[vector<16xi32>], vector<16xf32>,
      %mul3A_337 = vector.broadcast %scan3A_110 : f32 to vector<16xf32>
      %mul3A_338 = arith.mulf %parallel_loop3A_308#4, %mul3A_337 : vector<16xf32>
      %sub3A_339 = arith.subf %mul3A_338, %gather3A_336 : vector<16xf32>
      %exp3A_340 = math.exp %sub3A_339 : vector<16xf32>
      %mul3A_341 = vector.broadcast %scan3A_110 : f32 to vector<16xf32>
      %mul3A_342 = arith.mulf %parallel_loop3A_308#5, %mul3A_341 : vector<16xf32>
      %sub3A_343 = arith.subf %mul3A_342, %gather3A_336 : vector<16xf32>
      %exp3A_344 = math.exp %sub3A_343 : vector<16xf32>
      tpu.vector_store_idx %arg19[%shift_right_logical3A_335], %exp3A_340 {add = true} : memref<256xf32, #tpu.memory_space<vmem>>[vector<16xi32>], vector<16xf32>,
      tpu.vector_store_idx %arg20[%shift_right_logical3A_335], %exp3A_344 {add = true} : memref<256xf32, #tpu.memory_space<vmem>>[vector<16xi32>], vector<16xf32>,
      %shift_right_logical3A_345 = arith.constant 6 : i32
      %shift_right_logical3A_346 = vector.broadcast %shift_right_logical3A_345 : i32 to vector<16xi32>
      %shift_right_logical3A_347 = arith.shrui %get3A_304, %shift_right_logical3A_346 : vector<16xi32>
      %gather3A_348 = tpu.vector_load_idx %arg16[%shift_right_logical3A_347] : memref<256xf32, #tpu.memory_space<vmem>>[vector<16xi32>], vector<16xf32>,
      %mul3A_349 = vector.broadcast %scan3A_110 : f32 to vector<16xf32>
      %mul3A_350 = arith.mulf %parallel_loop3A_308#6, %mul3A_349 : vector<16xf32>
      %sub3A_351 = arith.subf %mul3A_350, %gather3A_348 : vector<16xf32>
      %exp3A_352 = math.exp %sub3A_351 : vector<16xf32>
      %mul3A_353 = vector.broadcast %scan3A_110 : f32 to vector<16xf32>
      %mul3A_354 = arith.mulf %parallel_loop3A_308#7, %mul3A_353 : vector<16xf32>
      %sub3A_355 = arith.subf %mul3A_354, %gather3A_348 : vector<16xf32>
      %exp3A_356 = math.exp %sub3A_355 : vector<16xf32>
      tpu.vector_store_idx %arg19[%shift_right_logical3A_347], %exp3A_352 {add = true} : memref<256xf32, #tpu.memory_space<vmem>>[vector<16xi32>], vector<16xf32>,
      tpu.vector_store_idx %arg20[%shift_right_logical3A_347], %exp3A_356 {add = true} : memref<256xf32, #tpu.memory_space<vmem>>[vector<16xi32>], vector<16xf32>,
      %mul3A_357 = arith.constant 4 : i32
      %mul3A_358 = arith.muli %scan3A_116, %mul3A_357 : i32
      %add3A_359 = arith.constant 3 : i32
      %add3A_360 = arith.addi %mul3A_358, %add3A_359 : i32
      %add3A_361 = arith.constant 4 : i32
      %add3A_362 = arith.addi %add3A_360, %add3A_361 : i32
      %sub3A_363 = arith.constant 1 : i32
      %sub3A_364 = arith.subi %add3A_362, %sub3A_363 : i32
      %lt3A_365 = arith.constant 512 : i32
      %lt3A_366 = arith.cmpi slt, %sub3A_364, %lt3A_365 : i32
      %convert_element_type3A_367 = arith.extui %lt3A_366 : i1 to i32
      %cond3A_368 = arith.constant 0 : i32
      %cond3A_369 = arith.cmpi ne, %convert_element_type3A_367, %cond3A_368 : i32
      scf.if %cond3A_369 {
        %add3A_440 = arith.constant 4 : i32
        %add3A_441 = arith.addi %add3A_360, %add3A_440 : i32
        %sub3A_442 = arith.constant 1 : i32
        %sub3A_443 = arith.subi %add3A_441, %sub3A_442 : i32
        %dma_start3A_444 = arith.constant 0 : i32
        %dma_start3A_445 = tpu.memref_slice %arg12[%sub3A_443, %dma_start3A_444] : memref<512x64xi32, #tpu.memory_space<vmem>> -> memref<1x64xi32, #tpu.memory_space<vmem>>
        %dma_start3A_446 = tpu.memref_squeeze %dma_start3A_445 : memref<1x64xi32, #tpu.memory_space<vmem>> -> memref<64xi32, #tpu.memory_space<vmem>>
        %dma_start3A_447 = arith.constant 0 : i32
        %dma_start3A_448 = arith.constant 0 : i32
        %dma_start3A_449 = tpu.memref_slice %arg2[%dma_start3A_447, %dma_start3A_448] : memref<1000000x64xf32, #tpu.memory_space<hbm>> -> memref<1000000x64xf32, #tpu.memory_space<hbm>>
        tpu.enqueue_indirect_dma source(%dma_start3A_449 : memref<1000000x64xf32, #tpu.memory_space<hbm>>) target(%arg23 : memref<64x64xf32, #tpu.memory_space<vmem>>) offsets(%dma_start3A_446 : memref<64xi32, #tpu.memory_space<vmem>>) semaphore(%arg27 : memref<!tpu.dma_semaphore, #tpu.memory_space<semaphore_mem>>)
      } else {
      }
      %dma_wait3A_370 = arith.constant 0 : i32
      %dma_wait3A_371 = tpu.memref_slice %arg12[%add3A_360, %dma_wait3A_370] : memref<512x64xi32, #tpu.memory_space<vmem>> -> memref<1x64xi32, #tpu.memory_space<vmem>>
      %dma_wait3A_372 = tpu.memref_squeeze %dma_wait3A_371 : memref<1x64xi32, #tpu.memory_space<vmem>> -> memref<64xi32, #tpu.memory_space<vmem>>
      %dma_wait3A_373 = arith.constant 0 : i32
      %dma_wait3A_374 = arith.constant 0 : i32
      %dma_wait3A_375 = tpu.memref_slice %arg2[%dma_wait3A_373, %dma_wait3A_374] : memref<1000000x64xf32, #tpu.memory_space<hbm>> -> memref<1000000x64xf32, #tpu.memory_space<hbm>>
      tpu.wait_indirect_dma semaphore(%arg28 : memref<!tpu.dma_semaphore, #tpu.memory_space<semaphore_mem>>) src(%dma_wait3A_375 : memref<1000000x64xf32, #tpu.memory_space<hbm>>) dst(%arg24 : memref<64x64xf32, #tpu.memory_space<vmem>>)
      %get3A_376 = arith.index_cast %add3A_360 : i32 to index
      %get3A_377 = arith.constant 0 : index
      %get3A_378 = tpu.vector_load %arg13[%get3A_376, %get3A_377] {strides = array<i32>} : memref<512x64xi32, #tpu.memory_space<vmem>>, vector<16xi32>,
      %get3A_379 = arith.index_cast %add3A_360 : i32 to index
      %get3A_380 = arith.constant 16 : index
      %get3A_381 = tpu.vector_load %arg13[%get3A_379, %get3A_380] {strides = array<i32>} : memref<512x64xi32, #tpu.memory_space<vmem>>, vector<16xi32>,
      %get3A_382 = arith.index_cast %add3A_360 : i32 to index
      %get3A_383 = arith.constant 32 : index
      %get3A_384 = tpu.vector_load %arg13[%get3A_382, %get3A_383] {strides = array<i32>} : memref<512x64xi32, #tpu.memory_space<vmem>>, vector<16xi32>,
      %get3A_385 = arith.index_cast %add3A_360 : i32 to index
      %get3A_386 = arith.constant 48 : index
      %get3A_387 = tpu.vector_load %arg13[%get3A_385, %get3A_386] {strides = array<i32>} : memref<512x64xi32, #tpu.memory_space<vmem>>, vector<16xi32>,
      %parallel_loop3A_388 = arith.constant 0 : i32
      %parallel_loop3A_389 = arith.constant 64 : i32
      %parallel_loop3A_390 = arith.constant 1 : i32
      %parallel_loop3A_391:8 = scf.for %parallel_loop3A_440 = %parallel_loop3A_388 to %parallel_loop3A_389 step %parallel_loop3A_390 iter_args(%parallel_loop3A_441 = %broadcast_in_dim3A_13, %parallel_loop3A_442 = %broadcast_in_dim3A_13, %parallel_loop3A_443 = %broadcast_in_dim3A_13, %parallel_loop3A_444 = %broadcast_in_dim3A_13, %parallel_loop3A_445 = %broadcast_in_dim3A_13, %parallel_loop3A_446 = %broadcast_in_dim3A_13, %parallel_loop3A_447 = %broadcast_in_dim3A_13, %parallel_loop3A_448 = %broadcast_in_dim3A_13) -> (vector<16xf32>, vector<16xf32>, vector<16xf32>, vector<16xf32>, vector<16xf32>, vector<16xf32>, vector<16xf32>, vector<16xf32>)  : i32 {
        %parallel_loop3A_449 = vector.broadcast %parallel_loop3A_440 : i32 to vector<16xi32>
        %parallel_loop3A_450 = arith.addi %parallel_loop3A_449, %iota3A : vector<16xi32>
        %parallel_loop3A_451 = arith.constant 64 : i32
        %parallel_loop3A_452 = vector.broadcast %parallel_loop3A_451 : i32 to vector<16xi32>
        %parallel_loop3A_453 = arith.cmpi sge, %parallel_loop3A_450, %parallel_loop3A_452 : vector<16xi32>
        %parallel_loop3A_454 = arith.constant 64 : i32
        %parallel_loop3A_455 = vector.broadcast %parallel_loop3A_454 : i32 to vector<16xi32>
        %parallel_loop3A_456 = arith.subi %parallel_loop3A_450, %parallel_loop3A_455 : vector<16xi32>
        %parallel_loop3A_457 = arith.select %parallel_loop3A_453, %parallel_loop3A_456, %parallel_loop3A_450 : vector<16xi1>, vector<16xi32>
        %parallel_loop3A_458 = tpu.vector_load_idx %arg24[%add3A_79, %parallel_loop3A_457] : memref<64x64xf32, #tpu.memory_space<vmem>>[vector<16xi32>, vector<16xi32>], vector<16xf32>,
        %parallel_loop3A_459 = arith.addi %get3A_378, %parallel_loop3A_457 : vector<16xi32>
        %parallel_loop3A_460 = tpu.vector_load_idx %arg14[%parallel_loop3A_459] : memref<16384xf32, #tpu.memory_space<vmem>>[vector<16xi32>], vector<16xf32>,
        %parallel_loop3A_461 = arith.addi %get3A_378, %parallel_loop3A_457 : vector<16xi32>
        %parallel_loop3A_462 = tpu.vector_load_idx %arg15[%parallel_loop3A_461] : memref<16384xf32, #tpu.memory_space<vmem>>[vector<16xi32>], vector<16xf32>,
        %parallel_loop3A_463 = arith.mulf %parallel_loop3A_458, %parallel_loop3A_460 : vector<16xf32>
        %parallel_loop3A_464 = arith.addf %parallel_loop3A_441, %parallel_loop3A_463 : vector<16xf32>
        %parallel_loop3A_465 = arith.mulf %parallel_loop3A_458, %parallel_loop3A_462 : vector<16xf32>
        %parallel_loop3A_466 = arith.addf %parallel_loop3A_442, %parallel_loop3A_465 : vector<16xf32>
        %parallel_loop3A_467 = tpu.vector_load_idx %arg24[%add3A_82, %parallel_loop3A_457] : memref<64x64xf32, #tpu.memory_space<vmem>>[vector<16xi32>, vector<16xi32>], vector<16xf32>,
        %parallel_loop3A_468 = arith.addi %get3A_381, %parallel_loop3A_457 : vector<16xi32>
        %parallel_loop3A_469 = tpu.vector_load_idx %arg14[%parallel_loop3A_468] : memref<16384xf32, #tpu.memory_space<vmem>>[vector<16xi32>], vector<16xf32>,
        %parallel_loop3A_470 = arith.addi %get3A_381, %parallel_loop3A_457 : vector<16xi32>
        %parallel_loop3A_471 = tpu.vector_load_idx %arg15[%parallel_loop3A_470] : memref<16384xf32, #tpu.memory_space<vmem>>[vector<16xi32>], vector<16xf32>,
        %parallel_loop3A_472 = arith.mulf %parallel_loop3A_467, %parallel_loop3A_469 : vector<16xf32>
        %parallel_loop3A_473 = arith.addf %parallel_loop3A_443, %parallel_loop3A_472 : vector<16xf32>
        %parallel_loop3A_474 = arith.mulf %parallel_loop3A_467, %parallel_loop3A_471 : vector<16xf32>
        %parallel_loop3A_475 = arith.addf %parallel_loop3A_444, %parallel_loop3A_474 : vector<16xf32>
        %parallel_loop3A_476 = tpu.vector_load_idx %arg24[%add3A_85, %parallel_loop3A_457] : memref<64x64xf32, #tpu.memory_space<vmem>>[vector<16xi32>, vector<16xi32>], vector<16xf32>,
        %parallel_loop3A_477 = arith.addi %get3A_384, %parallel_loop3A_457 : vector<16xi32>
        %parallel_loop3A_478 = tpu.vector_load_idx %arg14[%parallel_loop3A_477] : memref<16384xf32, #tpu.memory_space<vmem>>[vector<16xi32>], vector<16xf32>,
        %parallel_loop3A_479 = arith.addi %get3A_384, %parallel_loop3A_457 : vector<16xi32>
        %parallel_loop3A_480 = tpu.vector_load_idx %arg15[%parallel_loop3A_479] : memref<16384xf32, #tpu.memory_space<vmem>>[vector<16xi32>], vector<16xf32>,
        %parallel_loop3A_481 = arith.mulf %parallel_loop3A_476, %parallel_loop3A_478 : vector<16xf32>
        %parallel_loop3A_482 = arith.addf %parallel_loop3A_445, %parallel_loop3A_481 : vector<16xf32>
        %parallel_loop3A_483 = arith.mulf %parallel_loop3A_476, %parallel_loop3A_480 : vector<16xf32>
        %parallel_loop3A_484 = arith.addf %parallel_loop3A_446, %parallel_loop3A_483 : vector<16xf32>
        %parallel_loop3A_485 = tpu.vector_load_idx %arg24[%add3A_88, %parallel_loop3A_457] : memref<64x64xf32, #tpu.memory_space<vmem>>[vector<16xi32>, vector<16xi32>], vector<16xf32>,
        %parallel_loop3A_486 = arith.addi %get3A_387, %parallel_loop3A_457 : vector<16xi32>
        %parallel_loop3A_487 = tpu.vector_load_idx %arg14[%parallel_loop3A_486] : memref<16384xf32, #tpu.memory_space<vmem>>[vector<16xi32>], vector<16xf32>,
        %parallel_loop3A_488 = arith.addi %get3A_387, %parallel_loop3A_457 : vector<16xi32>
        %parallel_loop3A_489 = tpu.vector_load_idx %arg15[%parallel_loop3A_488] : memref<16384xf32, #tpu.memory_space<vmem>>[vector<16xi32>], vector<16xf32>,
        %parallel_loop3A_490 = arith.mulf %parallel_loop3A_485, %parallel_loop3A_487 : vector<16xf32>
        %parallel_loop3A_491 = arith.addf %parallel_loop3A_447, %parallel_loop3A_490 : vector<16xf32>
        %parallel_loop3A_492 = arith.mulf %parallel_loop3A_485, %parallel_loop3A_489 : vector<16xf32>
        %parallel_loop3A_493 = arith.addf %parallel_loop3A_448, %parallel_loop3A_492 : vector<16xf32>
        scf.yield %parallel_loop3A_464, %parallel_loop3A_466, %parallel_loop3A_473, %parallel_loop3A_475, %parallel_loop3A_482, %parallel_loop3A_484, %parallel_loop3A_491, %parallel_loop3A_493 : vector<16xf32>, vector<16xf32>, vector<16xf32>, vector<16xf32>, vector<16xf32>, vector<16xf32>, vector<16xf32>, vector<16xf32>
      } {sc.loop_unroll_factor = 4 : i64, sc.parallel_access}
      %shift_right_logical3A_392 = arith.constant 6 : i32
      %shift_right_logical3A_393 = vector.broadcast %shift_right_logical3A_392 : i32 to vector<16xi32>
      %shift_right_logical3A_394 = arith.shrui %get3A_378, %shift_right_logical3A_393 : vector<16xi32>
      %gather3A_395 = tpu.vector_load_idx %arg16[%shift_right_logical3A_394] : memref<256xf32, #tpu.memory_space<vmem>>[vector<16xi32>], vector<16xf32>,
      %mul3A_396 = vector.broadcast %scan3A_110 : f32 to vector<16xf32>
      %mul3A_397 = arith.mulf %parallel_loop3A_391#0, %mul3A_396 : vector<16xf32>
      %sub3A_398 = arith.subf %mul3A_397, %gather3A_395 : vector<16xf32>
      %exp3A_399 = math.exp %sub3A_398 : vector<16xf32>
      %mul3A_400 = vector.broadcast %scan3A_110 : f32 to vector<16xf32>
      %mul3A_401 = arith.mulf %parallel_loop3A_391#1, %mul3A_400 : vector<16xf32>
      %sub3A_402 = arith.subf %mul3A_401, %gather3A_395 : vector<16xf32>
      %exp3A_403 = math.exp %sub3A_402 : vector<16xf32>
      tpu.vector_store_idx %arg19[%shift_right_logical3A_394], %exp3A_399 {add = true} : memref<256xf32, #tpu.memory_space<vmem>>[vector<16xi32>], vector<16xf32>,
      tpu.vector_store_idx %arg20[%shift_right_logical3A_394], %exp3A_403 {add = true} : memref<256xf32, #tpu.memory_space<vmem>>[vector<16xi32>], vector<16xf32>,
      %shift_right_logical3A_404 = arith.constant 6 : i32
      %shift_right_logical3A_405 = vector.broadcast %shift_right_logical3A_404 : i32 to vector<16xi32>
      %shift_right_logical3A_406 = arith.shrui %get3A_381, %shift_right_logical3A_405 : vector<16xi32>
      %gather3A_407 = tpu.vector_load_idx %arg16[%shift_right_logical3A_406] : memref<256xf32, #tpu.memory_space<vmem>>[vector<16xi32>], vector<16xf32>,
      %mul3A_408 = vector.broadcast %scan3A_110 : f32 to vector<16xf32>
      %mul3A_409 = arith.mulf %parallel_loop3A_391#2, %mul3A_408 : vector<16xf32>
      %sub3A_410 = arith.subf %mul3A_409, %gather3A_407 : vector<16xf32>
      %exp3A_411 = math.exp %sub3A_410 : vector<16xf32>
      %mul3A_412 = vector.broadcast %scan3A_110 : f32 to vector<16xf32>
      %mul3A_413 = arith.mulf %parallel_loop3A_391#3, %mul3A_412 : vector<16xf32>
      %sub3A_414 = arith.subf %mul3A_413, %gather3A_407 : vector<16xf32>
      %exp3A_415 = math.exp %sub3A_414 : vector<16xf32>
      tpu.vector_store_idx %arg19[%shift_right_logical3A_406], %exp3A_411 {add = true} : memref<256xf32, #tpu.memory_space<vmem>>[vector<16xi32>], vector<16xf32>,
      tpu.vector_store_idx %arg20[%shift_right_logical3A_406], %exp3A_415 {add = true} : memref<256xf32, #tpu.memory_space<vmem>>[vector<16xi32>], vector<16xf32>,
      %shift_right_logical3A_416 = arith.constant 6 : i32
      %shift_right_logical3A_417 = vector.broadcast %shift_right_logical3A_416 : i32 to vector<16xi32>
      %shift_right_logical3A_418 = arith.shrui %get3A_384, %shift_right_logical3A_417 : vector<16xi32>
      %gather3A_419 = tpu.vector_load_idx %arg16[%shift_right_logical3A_418] : memref<256xf32, #tpu.memory_space<vmem>>[vector<16xi32>], vector<16xf32>,
      %mul3A_420 = vector.broadcast %scan3A_110 : f32 to vector<16xf32>
      %mul3A_421 = arith.mulf %parallel_loop3A_391#4, %mul3A_420 : vector<16xf32>
      %sub3A_422 = arith.subf %mul3A_421, %gather3A_419 : vector<16xf32>
      %exp3A_423 = math.exp %sub3A_422 : vector<16xf32>
      %mul3A_424 = vector.broadcast %scan3A_110 : f32 to vector<16xf32>
      %mul3A_425 = arith.mulf %parallel_loop3A_391#5, %mul3A_424 : vector<16xf32>
      %sub3A_426 = arith.subf %mul3A_425, %gather3A_419 : vector<16xf32>
      %exp3A_427 = math.exp %sub3A_426 : vector<16xf32>
      tpu.vector_store_idx %arg19[%shift_right_logical3A_418], %exp3A_423 {add = true} : memref<256xf32, #tpu.memory_space<vmem>>[vector<16xi32>], vector<16xf32>,
      tpu.vector_store_idx %arg20[%shift_right_logical3A_418], %exp3A_427 {add = true} : memref<256xf32, #tpu.memory_space<vmem>>[vector<16xi32>], vector<16xf32>,
      %shift_right_logical3A_428 = arith.constant 6 : i32
      %shift_right_logical3A_429 = vector.broadcast %shift_right_logical3A_428 : i32 to vector<16xi32>
      %shift_right_logical3A_430 = arith.shrui %get3A_387, %shift_right_logical3A_429 : vector<16xi32>
      %gather3A_431 = tpu.vector_load_idx %arg16[%shift_right_logical3A_430] : memref<256xf32, #tpu.memory_space<vmem>>[vector<16xi32>], vector<16xf32>,
      %mul3A_432 = vector.broadcast %scan3A_110 : f32 to vector<16xf32>
      %mul3A_433 = arith.mulf %parallel_loop3A_391#6, %mul3A_432 : vector<16xf32>
      %sub3A_434 = arith.subf %mul3A_433, %gather3A_431 : vector<16xf32>
      %exp3A_435 = math.exp %sub3A_434 : vector<16xf32>
      %mul3A_436 = vector.broadcast %scan3A_110 : f32 to vector<16xf32>
      %mul3A_437 = arith.mulf %parallel_loop3A_391#7, %mul3A_436 : vector<16xf32>
      %sub3A_438 = arith.subf %mul3A_437, %gather3A_431 : vector<16xf32>
      %exp3A_439 = math.exp %sub3A_438 : vector<16xf32>
      tpu.vector_store_idx %arg19[%shift_right_logical3A_430], %exp3A_435 {add = true} : memref<256xf32, #tpu.memory_space<vmem>>[vector<16xi32>], vector<16xf32>,
      tpu.vector_store_idx %arg20[%shift_right_logical3A_430], %exp3A_439 {add = true} : memref<256xf32, #tpu.memory_space<vmem>>[vector<16xi32>], vector<16xf32>,
    }
    %scan3A_115 = arith.constant 128 : i32
    "tpu.region"() ({
      %run_scoped3A = tpu.sem_alloc : memref<!tpu.dma_semaphore, #tpu.memory_space<semaphore_mem>>
      %dma_start3A_116 = arith.constant 0 : i32
      %dma_start3A_117 = tpu.memref_slice %arg9[%add3A, %dma_start3A_116] : memref<32x256xf32, #tpu.memory_space<hbm>> -> memref<1x256xf32, #tpu.memory_space<hbm>>
      %dma_start3A_118 = tpu.memref_squeeze %dma_start3A_117 : memref<1x256xf32, #tpu.memory_space<hbm>> -> memref<256xf32, #tpu.memory_space<hbm>>
      %dma_start3A_119 = arith.constant 0 : i32
      %dma_start3A_120 = tpu.memref_slice %arg9[%add3A, %dma_start3A_119] : memref<32x256xf32, #tpu.memory_space<hbm>> -> memref<1x256xf32, #tpu.memory_space<hbm>>
      %dma_start3A_121 = tpu.memref_squeeze %dma_start3A_120 : memref<1x256xf32, #tpu.memory_space<hbm>> -> memref<256xf32, #tpu.memory_space<hbm>>
      tpu.enqueue_dma source(%arg19 : memref<256xf32, #tpu.memory_space<vmem>>) target(%dma_start3A_121 : memref<256xf32, #tpu.memory_space<hbm>>) target_semaphore(%run_scoped3A : memref<!tpu.dma_semaphore, #tpu.memory_space<semaphore_mem>>)
      %dma_wait3A_122 = arith.constant 0 : i32
      %dma_wait3A_123 = tpu.memref_slice %arg9[%add3A, %dma_wait3A_122] : memref<32x256xf32, #tpu.memory_space<hbm>> -> memref<1x256xf32, #tpu.memory_space<hbm>>
      %dma_wait3A_124 = tpu.memref_squeeze %dma_wait3A_123 : memref<1x256xf32, #tpu.memory_space<hbm>> -> memref<256xf32, #tpu.memory_space<hbm>>
      %dma_wait3A_125 = arith.constant 0 : i32
      %dma_wait3A_126 = tpu.memref_slice %arg9[%add3A, %dma_wait3A_125] : memref<32x256xf32, #tpu.memory_space<hbm>> -> memref<1x256xf32, #tpu.memory_space<hbm>>
      %dma_wait3A_127 = tpu.memref_squeeze %dma_wait3A_126 : memref<1x256xf32, #tpu.memory_space<hbm>> -> memref<256xf32, #tpu.memory_space<hbm>>
      tpu.wait_dma2 semaphore(%run_scoped3A : memref<!tpu.dma_semaphore, #tpu.memory_space<semaphore_mem>>) src(%arg19 : memref<256xf32, #tpu.memory_space<vmem>>) dst(%dma_wait3A_127 : memref<256xf32, #tpu.memory_space<hbm>>)
      tpu.yield
    }) : () -> ()
    "tpu.region"() ({
      %run_scoped3A = tpu.sem_alloc : memref<!tpu.dma_semaphore, #tpu.memory_space<semaphore_mem>>
      %dma_start3A_116 = arith.constant 0 : i32
      %dma_start3A_117 = tpu.memref_slice %arg10[%add3A, %dma_start3A_116] : memref<32x256xf32, #tpu.memory_space<hbm>> -> memref<1x256xf32, #tpu.memory_space<hbm>>
      %dma_start3A_118 = tpu.memref_squeeze %dma_start3A_117 : memref<1x256xf32, #tpu.memory_space<hbm>> -> memref<256xf32, #tpu.memory_space<hbm>>
      %dma_start3A_119 = arith.constant 0 : i32
      %dma_start3A_120 = tpu.memref_slice %arg10[%add3A, %dma_start3A_119] : memref<32x256xf32, #tpu.memory_space<hbm>> -> memref<1x256xf32, #tpu.memory_space<hbm>>
      %dma_start3A_121 = tpu.memref_squeeze %dma_start3A_120 : memref<1x256xf32, #tpu.memory_space<hbm>> -> memref<256xf32, #tpu.memory_space<hbm>>
      tpu.enqueue_dma source(%arg20 : memref<256xf32, #tpu.memory_space<vmem>>) target(%dma_start3A_121 : memref<256xf32, #tpu.memory_space<hbm>>) target_semaphore(%run_scoped3A : memref<!tpu.dma_semaphore, #tpu.memory_space<semaphore_mem>>)
      %dma_wait3A_122 = arith.constant 0 : i32
      %dma_wait3A_123 = tpu.memref_slice %arg10[%add3A, %dma_wait3A_122] : memref<32x256xf32, #tpu.memory_space<hbm>> -> memref<1x256xf32, #tpu.memory_space<hbm>>
      %dma_wait3A_124 = tpu.memref_squeeze %dma_wait3A_123 : memref<1x256xf32, #tpu.memory_space<hbm>> -> memref<256xf32, #tpu.memory_space<hbm>>
      %dma_wait3A_125 = arith.constant 0 : i32
      %dma_wait3A_126 = tpu.memref_slice %arg10[%add3A, %dma_wait3A_125] : memref<32x256xf32, #tpu.memory_space<hbm>> -> memref<1x256xf32, #tpu.memory_space<hbm>>
      %dma_wait3A_127 = tpu.memref_squeeze %dma_wait3A_126 : memref<1x256xf32, #tpu.memory_space<hbm>> -> memref<256xf32, #tpu.memory_space<hbm>>
      tpu.wait_dma2 semaphore(%run_scoped3A : memref<!tpu.dma_semaphore, #tpu.memory_space<semaphore_mem>>) src(%arg20 : memref<256xf32, #tpu.memory_space<vmem>>) dst(%dma_wait3A_127 : memref<256xf32, #tpu.memory_space<hbm>>)
      tpu.yield
    }) : () -> ()
    return
  }
}

module attributes {stable_mosaic.version = 14 : i64} {
  func.func @_shift_body(%arg0: memref<64x256xf32, #tpu.memory_space<vmem>>, %arg1: memref<1x256xf32, #tpu.memory_space<vmem>>) attributes {dimension_semantics = [], scalar_prefetch = 0 : i64, scratch_operands = 0 : i64, tpu.core_type = #tpu.core_type<tc>} {
    %get3A = arith.constant 0 : index
    %get3A_0 = arith.constant 0 : index
    %get3A_1 = vector.load %arg0[%get3A, %get3A_0] : memref<64x256xf32, #tpu.memory_space<vmem>>, vector<64x256xf32>
    %mul3A = arith.mulf %get3A_1, %get3A_1 : vector<64x256xf32>
    %reduce_sum3A = arith.constant dense<0.000000e+00> : vector<256xf32>
    %reduce_sum3A_2 = vector.multi_reduction <add>, %mul3A, %reduce_sum3A [0] : vector<64x256xf32> to vector<256xf32>
    %broadcast_in_dim3A = vector.shape_cast %reduce_sum3A_2 : vector<256xf32> to vector<1x256xf32>
    %sqrt3A = math.sqrt %broadcast_in_dim3A : vector<1x256xf32>
    %mul3A_3 = arith.constant 14.2857141 : f32
    %mul3A_4 = vector.broadcast %mul3A_3 : f32 to vector<1x256xf32>
    %mul3A_5 = arith.mulf %sqrt3A, %mul3A_4 : vector<1x256xf32>
    %sub3A = arith.constant 4.400000e+01 : f32
    %sub3A_6 = vector.broadcast %sub3A : f32 to vector<1x256xf32>
    %sub3A_7 = arith.subf %mul3A_5, %sub3A_6 : vector<1x256xf32>
    %swap3A = arith.constant 0 : index
    %swap3A_8 = arith.constant 0 : index
    %swap3A_9 = vector.load %arg1[%swap3A, %swap3A_8] : memref<1x256xf32, #tpu.memory_space<vmem>>, vector<1x256xf32>
    tpu.vector_store %arg1[%swap3A, %swap3A_8], %sub3A_7 {strides = array<i32>} : memref<1x256xf32, #tpu.memory_space<vmem>>, vector<1x256xf32>,
    return
  }
}

module attributes {stable_mosaic.version = 14 : i64} {
  func.func @_loss_body(%arg0: memref<32x256xf32, #tpu.memory_space<vmem>>, %arg1: memref<32x256xf32, #tpu.memory_space<vmem>>, %arg2: memref<64x256xf32, #tpu.memory_space<vmem>>, %arg3: memref<64x256xf32, #tpu.memory_space<vmem>>, %arg4: memref<64x256xf32, #tpu.memory_space<vmem>>, %arg5: memref<1x256xf32, #tpu.memory_space<vmem>>, %arg6: memref<1x1xf32, #tpu.memory_space<vmem>>, %arg7: memref<64x256xf32, #tpu.memory_space<vmem>>) attributes {dimension_semantics = [], scalar_prefetch = 0 : i64, scratch_operands = 0 : i64, tpu.core_type = #tpu.core_type<tc>} {
    %get3A = arith.constant 0 : index
    %get3A_0 = arith.constant 0 : index
    %get3A_1 = vector.load %arg5[%get3A, %get3A_0] : memref<1x256xf32, #tpu.memory_space<vmem>>, vector<1x256xf32>
    %get3A_2 = arith.constant 0 : index
    %get3A_3 = arith.constant 0 : index
    %get3A_4 = vector.load %arg2[%get3A_2, %get3A_3] : memref<64x256xf32, #tpu.memory_space<vmem>>, vector<64x256xf32>
    %get3A_5 = arith.constant 0 : index
    %get3A_6 = arith.constant 0 : index
    %get3A_7 = vector.load %arg3[%get3A_5, %get3A_6] : memref<64x256xf32, #tpu.memory_space<vmem>>, vector<64x256xf32>
    %get3A_8 = arith.constant 0 : index
    %get3A_9 = arith.constant 0 : index
    %get3A_10 = vector.load %arg4[%get3A_8, %get3A_9] : memref<64x256xf32, #tpu.memory_space<vmem>>, vector<64x256xf32>
    %mul3A = arith.mulf %get3A_10, %get3A_4 : vector<64x256xf32>
    %reduce_sum3A = arith.constant dense<0.000000e+00> : vector<256xf32>
    %reduce_sum3A_11 = vector.multi_reduction <add>, %mul3A, %reduce_sum3A [0] : vector<64x256xf32> to vector<256xf32>
    %broadcast_in_dim3A = vector.shape_cast %reduce_sum3A_11 : vector<256xf32> to vector<1x256xf32>
    %mul3A_12 = arith.constant 14.2857141 : f32
    %mul3A_13 = vector.broadcast %mul3A_12 : f32 to vector<1x256xf32>
    %mul3A_14 = arith.mulf %broadcast_in_dim3A, %mul3A_13 : vector<1x256xf32>
    %mul3A_15 = arith.mulf %get3A_10, %get3A_7 : vector<64x256xf32>
    %reduce_sum3A_16 = arith.constant dense<0.000000e+00> : vector<256xf32>
    %reduce_sum3A_17 = vector.multi_reduction <add>, %mul3A_15, %reduce_sum3A_16 [0] : vector<64x256xf32> to vector<256xf32>
    %broadcast_in_dim3A_18 = vector.shape_cast %reduce_sum3A_17 : vector<256xf32> to vector<1x256xf32>
    %mul3A_19 = arith.constant 14.2857141 : f32
    %mul3A_20 = vector.broadcast %mul3A_19 : f32 to vector<1x256xf32>
    %mul3A_21 = arith.mulf %broadcast_in_dim3A_18, %mul3A_20 : vector<1x256xf32>
    %get3A_22 = arith.constant 0 : index
    %get3A_23 = arith.constant 0 : index
    %get3A_24 = vector.load %arg0[%get3A_22, %get3A_23] : memref<32x256xf32, #tpu.memory_space<vmem>>, vector<32x256xf32>
    %reduce_sum3A_25 = arith.constant dense<0.000000e+00> : vector<256xf32>
    %reduce_sum3A_26 = vector.multi_reduction <add>, %get3A_24, %reduce_sum3A_25 [0] : vector<32x256xf32> to vector<256xf32>
    %broadcast_in_dim3A_27 = vector.shape_cast %reduce_sum3A_26 : vector<256xf32> to vector<1x256xf32>
    %sub3A = arith.subf %mul3A_14, %get3A_1 : vector<1x256xf32>
    %exp3A = math.exp %sub3A : vector<1x256xf32>
    %add3A = arith.addf %broadcast_in_dim3A_27, %exp3A : vector<1x256xf32>
    %get3A_28 = arith.constant 0 : index
    %get3A_29 = arith.constant 0 : index
    %get3A_30 = vector.load %arg1[%get3A_28, %get3A_29] : memref<32x256xf32, #tpu.memory_space<vmem>>, vector<32x256xf32>
    %reduce_sum3A_31 = arith.constant dense<0.000000e+00> : vector<256xf32>
    %reduce_sum3A_32 = vector.multi_reduction <add>, %get3A_30, %reduce_sum3A_31 [0] : vector<32x256xf32> to vector<256xf32>
    %broadcast_in_dim3A_33 = vector.shape_cast %reduce_sum3A_32 : vector<256xf32> to vector<1x256xf32>
    %sub3A_34 = arith.subf %mul3A_21, %get3A_1 : vector<1x256xf32>
    %exp3A_35 = math.exp %sub3A_34 : vector<1x256xf32>
    %add3A_36 = arith.addf %broadcast_in_dim3A_33, %exp3A_35 : vector<1x256xf32>
    %log3A = math.log %add3A : vector<1x256xf32>
    %add3A_37 = arith.addf %log3A, %get3A_1 : vector<1x256xf32>
    %log3A_38 = math.log %add3A_36 : vector<1x256xf32>
    %add3A_39 = arith.addf %log3A_38, %get3A_1 : vector<1x256xf32>
    %sub3A_40 = arith.subf %add3A_37, %mul3A_14 : vector<1x256xf32>
    %reduce_sum3A_41 = vector.shape_cast %sub3A_40 : vector<1x256xf32> to vector<1x1x256xf32>
    %reduce_sum3A_42 = arith.constant dense<0.000000e+00> : vector<1xf32>
    %reduce_sum3A_43 = vector.multi_reduction <add>, %reduce_sum3A_41, %reduce_sum3A_42 [1, 2] : vector<1x1x256xf32> to vector<1xf32>
    %reduce_sum3A_44 = vector.shape_cast %reduce_sum3A_43 : vector<1xf32> to vector<1x1x1xf32>
    %reduce_sum3A_45 = vector.extract %reduce_sum3A_44[0, 0, 0] : f32 from vector<1x1x1xf32>
    %sub3A_46 = arith.subf %add3A_39, %mul3A_21 : vector<1x256xf32>
    %reduce_sum3A_47 = vector.shape_cast %sub3A_46 : vector<1x256xf32> to vector<1x1x256xf32>
    %reduce_sum3A_48 = arith.constant dense<0.000000e+00> : vector<1xf32>
    %reduce_sum3A_49 = vector.multi_reduction <add>, %reduce_sum3A_47, %reduce_sum3A_48 [1, 2] : vector<1x1x256xf32> to vector<1xf32>
    %reduce_sum3A_50 = vector.shape_cast %reduce_sum3A_49 : vector<1xf32> to vector<1x1x1xf32>
    %reduce_sum3A_51 = vector.extract %reduce_sum3A_50[0, 0, 0] : f32 from vector<1x1x1xf32>
    %add3A_52 = arith.addf %reduce_sum3A_45, %reduce_sum3A_51 : f32
    %mul3A_53 = arith.constant 5.000000e-01 : f32
    %mul3A_54 = arith.mulf %mul3A_53, %add3A_52 : f32
    %div3A = arith.constant 2.560000e+02 : f32
    %div3A_55 = arith.divf %mul3A_54, %div3A : f32
    %reshape3A = vector.broadcast %div3A_55 : f32 to vector<1x1xf32>
    %swap3A = arith.constant 0 : index
    %swap3A_56 = arith.constant 0 : index
    %swap3A_57 = vector.load %arg6[%swap3A, %swap3A_56] : memref<1x1xf32, #tpu.memory_space<vmem>>, vector<1x1xf32>
    tpu.vector_store %arg6[%swap3A, %swap3A_56], %reshape3A {strides = array<i32>} : memref<1x1xf32, #tpu.memory_space<vmem>>, vector<1x1xf32>,
    %mul3A_58 = arith.constant 5.000000e-01 : f32
    %mul3A_59 = vector.broadcast %mul3A_58 : f32 to vector<64x256xf32>
    %mul3A_60 = arith.mulf %get3A_10, %mul3A_59 : vector<64x256xf32>
    %mul3A_61 = arith.constant 5.000000e-01 : f32
    %mul3A_62 = vector.broadcast %mul3A_61 : f32 to vector<64x256xf32>
    %mul3A_63 = arith.mulf %get3A_4, %mul3A_62 : vector<64x256xf32>
    %add3A_64 = arith.addf %mul3A_60, %mul3A_63 : vector<64x256xf32>
    %mul3A_65 = arith.mulf %add3A_64, %add3A_64 : vector<64x256xf32>
    %reduce_sum3A_66 = arith.constant dense<0.000000e+00> : vector<256xf32>
    %reduce_sum3A_67 = vector.multi_reduction <add>, %mul3A_65, %reduce_sum3A_66 [0] : vector<64x256xf32> to vector<256xf32>
    %broadcast_in_dim3A_68 = vector.shape_cast %reduce_sum3A_67 : vector<256xf32> to vector<1x256xf32>
    %rsqrt3A = math.rsqrt %broadcast_in_dim3A_68 : vector<1x256xf32>
    %mul3A_69 = vector.broadcast %rsqrt3A : vector<1x256xf32> to vector<64x256xf32>
    %mul3A_70 = arith.mulf %add3A_64, %mul3A_69 : vector<64x256xf32>
    %swap3A_71 = arith.constant 0 : index
    %swap3A_72 = arith.constant 0 : index
    %swap3A_73 = vector.load %arg7[%swap3A_71, %swap3A_72] : memref<64x256xf32, #tpu.memory_space<vmem>>, vector<64x256xf32>
    tpu.vector_store %arg7[%swap3A_71, %swap3A_72], %mul3A_70 {strides = array<i32>} : memref<64x256xf32, #tpu.memory_space<vmem>>, vector<64x256xf32>,
    return
  }
}

module attributes {stable_mosaic.version = 14 : i64} {
  func.func @_scatter_body(%arg0: i32, %arg1: memref<256xi32, #tpu.memory_space<smem>>, %arg2: memref<1x256xi32, #tpu.memory_space<vmem>>, %arg3: memref<64x256xf32, #tpu.memory_space<vmem>>, %arg4: memref<64x128xf32, #tpu.memory_space<vmem>>, %arg5: memref<64x128xf32, #tpu.memory_space<vmem>>) attributes {dimension_semantics = [#tpu.dimension_semantics<arbitrary>], iteration_bounds = array<i64: 256>, scalar_prefetch = 1 : i64, scratch_operands = 0 : i64, tpu.core_type = #tpu.core_type<tc>, window_params = [{pipeline_mode = #tpu.pipeline_mode<synchronous>, transform_indices = @transform_0, window_bounds = array<i64: 1, 256>}, {pipeline_mode = #tpu.pipeline_mode<synchronous>, transform_indices = @transform_1, window_bounds = array<i64: 64, 256>}, {transform_indices = @transform_2, window_bounds = array<i64: 64, 128>}, {transform_indices = @transform_3, window_bounds = array<i64: 64, 128>}]} {
    %get3A = arith.index_cast %arg0 : i32 to index
    %get3A_0 = memref.load %arg1[%get3A] : memref<256xi32, #tpu.memory_space<smem>>
    %jit3A = arith.constant 128 : i32
    %div3A = arith.divsi %get3A_0, %jit3A : i32
    %sign3A = arith.constant 0 : i32
    %sign3A_1 = arith.cmpi sgt, %get3A_0, %sign3A : i32
    %sign3A_2 = arith.extui %sign3A_1 : i1 to i32
    %sign3A_3 = arith.constant 0 : i32
    %sign3A_4 = arith.cmpi slt, %get3A_0, %sign3A_3 : i32
    %sign3A_5 = arith.extui %sign3A_4 : i1 to i32
    %sign3A_6 = arith.subi %sign3A_2, %sign3A_5 : i32
    %sign3A_7 = arith.constant 0 : i32
    %sign3A_8 = arith.cmpi sgt, %jit3A, %sign3A_7 : i32
    %sign3A_9 = arith.extui %sign3A_8 : i1 to i32
    %sign3A_10 = arith.constant 0 : i32
    %sign3A_11 = arith.cmpi slt, %jit3A, %sign3A_10 : i32
    %sign3A_12 = arith.extui %sign3A_11 : i1 to i32
    %sign3A_13 = arith.subi %sign3A_9, %sign3A_12 : i32
    %ne3A = arith.cmpi ne, %sign3A_6, %sign3A_13 : i32
    %rem3A = arith.remsi %get3A_0, %jit3A : i32
    %ne3A_14 = arith.constant 0 : i32
    %ne3A_15 = arith.cmpi ne, %rem3A, %ne3A_14 : i32
    %and3A = arith.andi %ne3A, %ne3A_15 : i1
    %sub3A = arith.constant 1 : i32
    %sub3A_16 = arith.subi %div3A, %sub3A : i32
    %select_n3A = arith.select %and3A, %sub3A_16, %div3A : i32
    %get3A_17 = arith.constant 0 : index
    %get3A_18 = arith.constant 0 : index
    %get3A_19 = vector.load %arg2[%get3A_17, %get3A_18] : memref<1x256xi32, #tpu.memory_space<vmem>>, vector<1x256xi32>
    %get3A_20 = vector.shape_cast %get3A_19 : vector<1x256xi32> to vector<256xi32>
    %jit3A_21 = arith.constant 128 : i32
    %div3A_22 = vector.broadcast %jit3A_21 : i32 to vector<256xi32>
    %div3A_23 = arith.divsi %get3A_20, %div3A_22 : vector<256xi32>
    %sign3A_24 = arith.constant 0 : i32
    %sign3A_25 = vector.broadcast %sign3A_24 : i32 to vector<256xi32>
    %sign3A_26 = arith.cmpi sgt, %get3A_20, %sign3A_25 : vector<256xi32>
    %sign3A_27 = arith.extui %sign3A_26 : vector<256xi1> to vector<256xi32>
    %sign3A_28 = arith.constant 0 : i32
    %sign3A_29 = vector.broadcast %sign3A_28 : i32 to vector<256xi32>
    %sign3A_30 = arith.cmpi slt, %get3A_20, %sign3A_29 : vector<256xi32>
    %sign3A_31 = arith.extui %sign3A_30 : vector<256xi1> to vector<256xi32>
    %sign3A_32 = arith.subi %sign3A_27, %sign3A_31 : vector<256xi32>
    %sign3A_33 = arith.constant 0 : i32
    %sign3A_34 = arith.cmpi sgt, %jit3A_21, %sign3A_33 : i32
    %sign3A_35 = arith.extui %sign3A_34 : i1 to i32
    %sign3A_36 = arith.constant 0 : i32
    %sign3A_37 = arith.cmpi slt, %jit3A_21, %sign3A_36 : i32
    %sign3A_38 = arith.extui %sign3A_37 : i1 to i32
    %sign3A_39 = arith.subi %sign3A_35, %sign3A_38 : i32
    %ne3A_40 = vector.broadcast %sign3A_39 : i32 to vector<256xi32>
    %ne3A_41 = arith.cmpi ne, %sign3A_32, %ne3A_40 : vector<256xi32>
    %rem3A_42 = vector.broadcast %jit3A_21 : i32 to vector<256xi32>
    %rem3A_43 = arith.remsi %get3A_20, %rem3A_42 : vector<256xi32>
    %ne3A_44 = arith.constant 0 : i32
    %ne3A_45 = vector.broadcast %ne3A_44 : i32 to vector<256xi32>
    %ne3A_46 = arith.cmpi ne, %rem3A_43, %ne3A_45 : vector<256xi32>
    %and3A_47 = arith.andi %ne3A_41, %ne3A_46 : vector<256xi1>
    %sub3A_48 = arith.constant 1 : i32
    %sub3A_49 = vector.broadcast %sub3A_48 : i32 to vector<256xi32>
    %sub3A_50 = arith.subi %div3A_23, %sub3A_49 : vector<256xi32>
    %select_n3A_51 = arith.select %and3A_47, %sub3A_50, %div3A_23 : vector<256xi1>, vector<256xi32>
    %eq3A = vector.broadcast %select_n3A : i32 to vector<256xi32>
    %eq3A_52 = arith.cmpi eq, %select_n3A_51, %eq3A : vector<256xi32>
    %jit3A_53 = arith.constant 128 : i32
    %eq3A_54 = arith.constant 0 : i32
    %eq3A_55 = arith.cmpi eq, %jit3A_53, %eq3A_54 : i32
    %jit3A_56 = arith.constant 1 : i32
    %select_n3A_57 = arith.select %eq3A_55, %jit3A_56, %jit3A_53 : i32
    %rem3A_58 = vector.broadcast %select_n3A_57 : i32 to vector<256xi32>
    %rem3A_59 = arith.remsi %get3A_20, %rem3A_58 : vector<256xi32>
    %ne3A_60 = arith.constant 0 : i32
    %ne3A_61 = vector.broadcast %ne3A_60 : i32 to vector<256xi32>
    %ne3A_62 = arith.cmpi ne, %rem3A_59, %ne3A_61 : vector<256xi32>
    %lt3A = arith.constant 0 : i32
    %lt3A_63 = vector.broadcast %lt3A : i32 to vector<256xi32>
    %lt3A_64 = arith.cmpi slt, %rem3A_59, %lt3A_63 : vector<256xi32>
    %lt3A_65 = arith.constant 0 : i32
    %lt3A_66 = arith.cmpi slt, %select_n3A_57, %lt3A_65 : i32
    %ne3A_67 = vector.broadcast %lt3A_66 : i1 to vector<256xi1>
    %ne3A_68 = vector.broadcast %ne3A_67 : vector<256xi1> to vector<256xi1>
    %ne3A_69 = arith.xori %lt3A_64, %ne3A_68 : vector<256xi1>
    %and3A_70 = arith.andi %ne3A_69, %ne3A_62 : vector<256xi1>
    %add3A = vector.broadcast %select_n3A_57 : i32 to vector<256xi32>
    %add3A_71 = arith.addi %rem3A_59, %add3A : vector<256xi32>
    %select_n3A_72 = arith.select %and3A_70, %add3A_71, %rem3A_59 : vector<256xi1>, vector<256xi32>
    %jit3A_73 = arith.constant -1 : i32
    %broadcast_in_dim3A = vector.broadcast %jit3A_73 : i32 to vector<256xi32>
    %select_n3A_74 = arith.select %eq3A_52, %select_n3A_72, %broadcast_in_dim3A : vector<256xi1>, vector<256xi32>
    %iota3A = tpu.iota {dimensions = array<i32: 0>} : vector<256x128xi32>
    %iota3A_75 = tpu.iota {dimensions = array<i32: 1>} : vector<256x128xi32>
    %broadcast_in_dim3A_76 = vector.shape_cast %select_n3A_74 : vector<256xi32> to vector<256x1xi32>
    %eq3A_77 = vector.broadcast %broadcast_in_dim3A_76 : vector<256x1xi32> to vector<256x128xi32>
    %eq3A_78 = arith.cmpi eq, %eq3A_77, %iota3A_75 : vector<256x128xi32>
    %jit3A_79 = arith.constant -1 : i32
    %broadcast_in_dim3A_80 = vector.broadcast %jit3A_79 : i32 to vector<256x128xi32>
    %select_n3A_81 = arith.select %eq3A_78, %iota3A, %broadcast_in_dim3A_80 : vector<256x128xi1>, vector<256x128xi32>
    %reduce_max3A = arith.constant dense<-2147483648> : vector<128xi32>
    %reduce_max3A_82 = vector.multi_reduction <maxsi>, %select_n3A_81, %reduce_max3A [0] : vector<256x128xi32> to vector<128xi32>
    %broadcast_in_dim3A_83 = vector.shape_cast %reduce_max3A_82 : vector<128xi32> to vector<1x128xi32>
    %eq3A_84 = vector.broadcast %broadcast_in_dim3A_83 : vector<1x128xi32> to vector<256x128xi32>
    %eq3A_85 = arith.cmpi eq, %iota3A, %eq3A_84 : vector<256x128xi32>
    %and3A_86 = arith.andi %eq3A_78, %eq3A_85 : vector<256x128xi1>
    %get3A_87 = arith.constant 0 : index
    %get3A_88 = arith.constant 0 : index
    %get3A_89 = vector.load %arg3[%get3A_87, %get3A_88] : memref<64x256xf32, #tpu.memory_space<vmem>>, vector<64x256xf32>
    %convert_element_type3A = arith.extui %and3A_86 : vector<256x128xi1> to vector<256x128xi32>
    %convert_element_type3A_90 = arith.sitofp %convert_element_type3A : vector<256x128xi32> to vector<256x128xf32>
    %dot_general3A = arith.constant dense<0.000000e+00> : vector<64x128xf32>
    %dot_general3A_91 = tpu.matmul %get3A_89, %convert_element_type3A_90, %dot_general3A {dimension_numbers = #tpu.dot_dimension_numbers<[1], [0], [0], [1], [0, 0, 1, 1], [], []>, transpose_lhs_hint = false} : vector<64x256xf32>, vector<256x128xf32>, vector<64x128xf32> -> vector<64x128xf32>
    %ge3A = arith.constant 0 : i32
    %ge3A_92 = vector.broadcast %ge3A : i32 to vector<128xi32>
    %ge3A_93 = arith.cmpi sge, %reduce_max3A_82, %ge3A_92 : vector<128xi32>
    %broadcast_in_dim3A_94 = vector.shape_cast %ge3A_93 : vector<128xi1> to vector<1x128xi1>
    %get3A_95 = arith.constant 0 : index
    %get3A_96 = arith.constant 0 : index
    %get3A_97 = vector.load %arg4[%get3A_95, %get3A_96] : memref<64x128xf32, #tpu.memory_space<vmem>>, vector<64x128xf32>
    %broadcast_in_dim3A_98 = vector.shape_cast %broadcast_in_dim3A_94 : vector<1x128xi1> to vector<1x128xi1>
    %broadcast_in_dim3A_99 = vector.broadcast %broadcast_in_dim3A_98 : vector<1x128xi1> to vector<64x128xi1>
    %select_n3A_100 = arith.select %broadcast_in_dim3A_99, %dot_general3A_91, %get3A_97 : vector<64x128xi1>, vector<64x128xf32>
    %swap3A = arith.constant 0 : index
    %swap3A_101 = arith.constant 0 : index
    %swap3A_102 = vector.load %arg5[%swap3A, %swap3A_101] : memref<64x128xf32, #tpu.memory_space<vmem>>, vector<64x128xf32>
    tpu.vector_store %arg5[%swap3A, %swap3A_101], %select_n3A_100 {strides = array<i32>} : memref<64x128xf32, #tpu.memory_space<vmem>>, vector<64x128xf32>,
    return
  }
  func.func @transform_0(%arg0: i32, %arg1: memref<256xi32, #tpu.memory_space<smem>>) -> (i32, i32) {
    %c0_i32 = arith.constant 0 : i32
    %c0_i32_0 = arith.constant 0 : i32
    %c0_i32_1 = arith.constant 0 : i32
    return %c0_i32, %c0_i32_0 : i32, i32
  }
  func.func @transform_1(%arg0: i32, %arg1: memref<256xi32, #tpu.memory_space<smem>>) -> (i32, i32) {
    %c0_i32 = arith.constant 0 : i32
    %c0_i32_0 = arith.constant 0 : i32
    %c0_i32_1 = arith.constant 0 : i32
    return %c0_i32, %c0_i32_0 : i32, i32
  }
  func.func @transform_2(%arg0: i32, %arg1: memref<256xi32, #tpu.memory_space<smem>>) -> (i32, i32) {
    %get3A = arith.index_cast %arg0 : i32 to index
    %get3A_0 = memref.load %arg1[%get3A] : memref<256xi32, #tpu.memory_space<smem>>
    %jit3A = arith.constant 128 : i32
    %div3A = arith.divsi %get3A_0, %jit3A : i32
    %sign3A = arith.constant 0 : i32
    %sign3A_1 = arith.cmpi sgt, %get3A_0, %sign3A : i32
    %sign3A_2 = arith.extui %sign3A_1 : i1 to i32
    %sign3A_3 = arith.constant 0 : i32
    %sign3A_4 = arith.cmpi slt, %get3A_0, %sign3A_3 : i32
    %sign3A_5 = arith.extui %sign3A_4 : i1 to i32
    %sign3A_6 = arith.subi %sign3A_2, %sign3A_5 : i32
    %sign3A_7 = arith.constant 0 : i32
    %sign3A_8 = arith.cmpi sgt, %jit3A, %sign3A_7 : i32
    %sign3A_9 = arith.extui %sign3A_8 : i1 to i32
    %sign3A_10 = arith.constant 0 : i32
    %sign3A_11 = arith.cmpi slt, %jit3A, %sign3A_10 : i32
    %sign3A_12 = arith.extui %sign3A_11 : i1 to i32
    %sign3A_13 = arith.subi %sign3A_9, %sign3A_12 : i32
    %ne3A = arith.cmpi ne, %sign3A_6, %sign3A_13 : i32
    %rem3A = arith.remsi %get3A_0, %jit3A : i32
    %ne3A_14 = arith.constant 0 : i32
    %ne3A_15 = arith.cmpi ne, %rem3A, %ne3A_14 : i32
    %and3A = arith.andi %ne3A, %ne3A_15 : i1
    %sub3A = arith.constant 1 : i32
    %sub3A_16 = arith.subi %div3A, %sub3A : i32
    %select_n3A = arith.select %and3A, %sub3A_16, %div3A : i32
    %c0_i32 = arith.constant 0 : i32
    %c0_i32_17 = arith.constant 0 : i32
    return %c0_i32, %select_n3A : i32, i32
  }
  func.func @transform_3(%arg0: i32, %arg1: memref<256xi32, #tpu.memory_space<smem>>) -> (i32, i32) {
    %get3A = arith.index_cast %arg0 : i32 to index
    %get3A_0 = memref.load %arg1[%get3A] : memref<256xi32, #tpu.memory_space<smem>>
    %jit3A = arith.constant 128 : i32
    %div3A = arith.divsi %get3A_0, %jit3A : i32
    %sign3A = arith.constant 0 : i32
    %sign3A_1 = arith.cmpi sgt, %get3A_0, %sign3A : i32
    %sign3A_2 = arith.extui %sign3A_1 : i1 to i32
    %sign3A_3 = arith.constant 0 : i32
    %sign3A_4 = arith.cmpi slt, %get3A_0, %sign3A_3 : i32
    %sign3A_5 = arith.extui %sign3A_4 : i1 to i32
    %sign3A_6 = arith.subi %sign3A_2, %sign3A_5 : i32
    %sign3A_7 = arith.constant 0 : i32
    %sign3A_8 = arith.cmpi sgt, %jit3A, %sign3A_7 : i32
    %sign3A_9 = arith.extui %sign3A_8 : i1 to i32
    %sign3A_10 = arith.constant 0 : i32
    %sign3A_11 = arith.cmpi slt, %jit3A, %sign3A_10 : i32
    %sign3A_12 = arith.extui %sign3A_11 : i1 to i32
    %sign3A_13 = arith.subi %sign3A_9, %sign3A_12 : i32
    %ne3A = arith.cmpi ne, %sign3A_6, %sign3A_13 : i32
    %rem3A = arith.remsi %get3A_0, %jit3A : i32
    %ne3A_14 = arith.constant 0 : i32
    %ne3A_15 = arith.cmpi ne, %rem3A, %ne3A_14 : i32
    %and3A = arith.andi %ne3A, %ne3A_15 : i1
    %sub3A = arith.constant 1 : i32
    %sub3A_16 = arith.subi %div3A, %sub3A : i32
    %select_n3A = arith.select %and3A, %sub3A_16, %div3A : i32
    %c0_i32 = arith.constant 0 : i32
    %c0_i32_17 = arith.constant 0 : i32
    return %c0_i32, %select_n3A : i32, i32
  }
}

</mosaic_0001>

<sc_bundles>
// kernel: kernel.6.cloned.1.call-start
scs
__scs_entry_jumppad:
0x0: {  	(pc) =	sbr.rel $0x88, $3  }
0x1: {  	(tag) =	ssettag $0x0;
	lr =	simm.s32 $0x1  }
0x2: {  	[smem:$0x3F9D] =	sst lr;
	_ =	strace $0xD0000000  }
0x3: {  	_ = 	snop  }
0x4: {  	_ = 	snop  }
0x5: {  	_ = 	snop  }
0x6: {  	_ = 	snop  }
0x7: {  	_ = 	snop  }
__scs_overlays_trampoline_lowered:
0x8: {  	[smem:$0x3FAC] =	sst s0  }
0x9: {  	[smem:$0x3FAD] =	sst s1  }
0xa: {  	[smem:$0x3FAE] =	sst s2  }
0xb: {  	[smem:$0x3FAF] =	sst s3  }
0xc: {  	[smem:$0x3FB0] =	sst s4  }
0xd: {  	[smem:$0x3FB1] =	sst s5  }
0xe: {  	[smem:$0x3FB2] =	sst s6  }
0xf: {  	[smem:$0x3FB3] =	sst s7  }
0x10: {  	[smem:$0x3FB4] =	sst s8  }
0x11: {  	[smem:$0x3FB5] =	sst s9;
	s0 =	simm.s32 @!p0 $0x0  }
0x12: {  	s1 =	sld [smem:$0x3F9B];
	s0 =	simm.s32 @p0 $0x1  }
0x13: {  	[smem:$0x3FB6] =	sst s0;
	s0 =	simm.s32 @!p1 $0x0  }
0x14: {  	s2 =	sld [smem:$0x3F9A];
	s0 =	simm.s32 @p1 $0x1  }
0x15: {  	[smem:$0x3FB7] =	sst s0;
	s0 =	simm.s32 @!p2 $0x0  }
0x16: {  	s3 =	sld [smem:$0x3FDB];
	s0 =	simm.s32 @p2 $0x1  }
0x17: {  	s4 =	simm.s32 $0x1BF5;
	[smem:$0x3FB9] =	sst s0  }
0x18: {  	s0 =	sld [smem:$0x3F9C];
	_ =	swait.ge [sflag:s4], $0x0  }
0x19: {  	s7 =	sld [smem:$0x3F9D]  }
0x1a: {  	s8 =	sadd.s32 $0xFFFFE003, lr  }
0x1b: {  	s9 =	sadd.s32 $0xFFFFFEF7, lr;
	s5 =	simm.s32 $0xFFFFFFFF;
	p2 =	slt.u32 s8, $0xFFFFF086  }
0x1c: {  	p1 =	slt.u32 s9, $0xF7A;
	s5 =	simm.s32 @!p2 $0x0  }
0x1d: {  	s5 =	simm.s32 @p1 $0x1;
	p0 =	seq.s32 s7, s2  }
0x1e: {  	s7 =	smul.u32 @!p0 $0xF7A, s2;
	p2 =	seq.s32 @!p0 s5, $0x0  }
0x1f: {  	s9 =	smul.u32 $0xF7A, s1;
	s8 =	simm.s32 @!p0 $0x1BF5;
	p2 =	por !p2, p0  }
0x20: {  	[sflag:s8] =	ssyncset.s32 @!p0 $0xFFFFF086;
	s6 =	sadd.s32 @!p0 s3, s7;
	s7 =	simm.s32 @!p0 $0x108  }
0x21: {  	s3 =	sadd.s32 s3, s9;
	s6 =	sadd.s32 @!p0 $0x88, s6;
	s7 =	simm.s32 @p2 $0x1082  }
0x22: {  	[simem:s7], [sflag:s8] =	dma.local @!p0 [hbm:s6], $0xF7A  }
0x23: {  	s9 =	sor.u32 $0xD0000000, s2;
	s6 =	simm.s32 $0x108;
	_ =	swait.ge @!p0 [sflag:s8], $0x0  }
0x24: {  	s3 =	sadd.s32 $0x88, s3;
	s6 =	simm.s32 @!p1 $0x1082;
	[sflag:s4] =	ssyncset.s32 $0xFFFFF086  }
0x25: {  	[simem:s6], [sflag:s4] =	dma.local [hbm:s3], $0xF7A  }
0x26: {  	[smem:$0x3F9D] =	sst s1;
	(tag) =	ssettag s2;
	_ =	strace s9  }
0x27: {  	s1 =	sld [smem:$0x3FAD]  }
0x28: {  	s2 =	sld [smem:$0x3FAE]  }
0x29: {  	s4 =	sld [smem:$0x3FB0]  }
0x2a: {  	p0 =	seq.s32 s5, $0x0;
	s5 =	sld [smem:$0x3FB1]  }
0x2b: {  	s6 =	sld [smem:$0x3FB2]  }
0x2c: {  	s7 =	sld [smem:$0x3FB3]  }
0x2d: {  	s3 =	simm.s32 $0x108;
	s8 =	sld [smem:$0x3FB4]  }
0x2e: {  	s3 =	simm.s32 @!p0 $0x1082;
	s9 =	sld [smem:$0x3FB5]  }
0x2f: {  	lr =	sadd.s32 s0, s3;
	s0 =	sld [smem:$0x3FAC]  }
0x30: {  	s3 =	sld [smem:$0x3FAF]  }
0x31: {  	[smem:$0x3FB8] =	sst s10  }
0x32: {  	s10 =	sld [smem:$0x3FB6];
	_ =	sdelay $0x3  }
0x33: {  	p0 =	seq.s32 s10, $0x1;
	s10 =	sld [smem:$0x3FB8];
	_ =	sdelay $0x3  }
0x34: {  	[smem:$0x3FB8] =	sst s10  }
0x35: {  	s10 =	sld [smem:$0x3FB7];
	_ =	sdelay $0x3  }
0x36: {  	p1 =	seq.s32 s10, $0x1;
	s10 =	sld [smem:$0x3FB8];
	_ =	sdelay $0x3  }
0x37: {  	[smem:$0x3FB8] =	sst s10  }
0x38: {  	s10 =	sld [smem:$0x3FB9]  }
0x39: {  	_ = 	snop;
	(pc) =	sbr.ind lr, $3  }
0x3a: {  	_ = 	snop  }
0x3b: {  	_ = 	snop  }
0x3c: {  	p2 =	seq.s32 s10, $0x1;
	s10 =	sld [smem:$0x3FB8]  }
0x3d: {  	_ =	shalt  }
0x3e: {  	_ =	shalt  }
0x3f: {  	_ =	shalt  }
0x40: {  	_ =	shalt  }
0x41: {  	_ =	shalt  }
0x42: {  	_ =	shalt  }
0x43: {  	_ =	shalt  }
0x44: {  	_ =	shalt  }
0x45: {  	_ =	shalt  }
0x46: {  	_ =	shalt  }
0x47: {  	_ =	shalt  }
0x48: {  	_ =	shalt  }
0x49: {  	_ =	shalt  }
0x4a: {  	_ =	shalt  }
0x4b: {  	_ =	shalt  }
0x4c: {  	_ =	shalt  }
0x4d: {  	_ =	shalt  }
0x4e: {  	_ =	shalt  }
0x4f: {  	_ =	shalt  }
0x50: {  	_ =	shalt  }
0x51: {  	_ =	shalt  }
0x52: {  	_ =	shalt  }
0x53: {  	_ =	shalt  }
0x54: {  	_ =	shalt  }
0x55: {  	_ =	shalt  }
0x56: {  	_ =	shalt  }
0x57: {  	_ =	shalt  }
0x58: {  	_ =	shalt  }
0x59: {  	_ =	shalt  }
0x5a: {  	_ =	shalt  }
0x5b: {  	_ =	shalt  }
0x5c: {  	_ =	shalt  }
0x5d: {  	_ =	shalt  }
0x5e: {  	_ =	shalt  }
0x5f: {  	_ =	shalt  }
0x60: {  	_ =	shalt  }
0x61: {  	_ =	shalt  }
0x62: {  	_ =	shalt  }
0x63: {  	_ =	shalt  }
0x64: {  	_ =	shalt  }
0x65: {  	_ =	shalt  }
0x66: {  	_ =	shalt  }
0x67: {  	_ =	shalt  }
0x68: {  	_ =	shalt  }
0x69: {  	_ =	shalt  }
0x6a: {  	_ =	shalt  }
0x6b: {  	_ =	shalt  }
0x6c: {  	_ =	shalt  }
0x6d: {  	_ =	shalt  }
0x6e: {  	_ =	shalt  }
0x6f: {  	_ =	shalt  }
0x70: {  	_ =	shalt  }
0x71: {  	_ =	shalt  }
0x72: {  	_ =	shalt  }
0x73: {  	_ =	shalt  }
0x74: {  	_ =	shalt  }
0x75: {  	_ =	shalt  }
0x76: {  	_ =	shalt  }
0x77: {  	_ =	shalt  }
0x78: {  	_ =	shalt  }
0x79: {  	_ =	shalt  }
0x7a: {  	_ =	shalt  }
0x7b: {  	_ =	shalt  }
0x7c: {  	_ =	shalt  }
0x7d: {  	_ =	shalt  }
0x7e: {  	_ =	shalt  }
0x7f: {  	_ =	shalt  }
0x80: {  	_ =	shalt  }
0x81: {  	_ =	shalt  }
0x82: {  	_ =	shalt  }
0x83: {  	_ =	shalt  }
0x84: {  	_ =	shalt  }
0x85: {  	_ =	shalt  }
0x86: {  	_ =	shalt  }
0x87: {  	_ =	shalt  }
.Lfunc_end0:
.L_simem_size_0:
called_computation_lowered:
.L_overlay_start_0:
0x88: {  	s2 =	sld [smem:$0x3FD9]  }
0x89: {  	s3 =	sld [smem:$0x3FFE];
	_ =	sdelay $0x1  }
0x8a: {  	s1 =	srdreg.scid  }
0x8b: {  	s0 =	sand.u32 $0x1, s1  }
0x8c: {  	s17 =	sshll.u32 s0, $0xA;
	s2 =	sadd.s32 s3, s2  }
0x8d: {  	s2 =	sadd.s32 s2, s17  }
0x8e: {  	[smem:$0x3FC4] =	sst s2  }
0x8f: {  	_ = 	snop  }
0x90: {  	s2 =	sld [smem:$0x3FC8];
	(tm) =	ssettm $0x1  }
0x91: {  	s18 =	sld [smem:$0x3FFB];
	_ =	sdelay $0x3  }
0x92: {  	_ =	strace s18  }
0x93: {  	s3 =	sld [smem:$0x3FFC];
	_ =	sdelay $0x3  }
0x94: {  	_ =	strace s3  }
0x95: {  	s3 =	sld [smem:$0x3FFD];
	_ =	sdelay $0x3  }
0x96: {  	_ =	strace s3  }
0x97: {  	_ =	strace $0x8FFFFFFF  }
0x98: {  	s19 =	sld [smem:$0x3FDB];
	_ =	sdelay $0x1  }
0x99: {  	s4 =	simm.s32 $_scs_section_size  }
0x9a: {  	s5 =	simm.s32 $_size__tile_overlayer_lowered;
	s6 =	simm.s32 $_tile_overlayer_lowered  }
0x9b: {  	s22 =	simm.s32 $0x1BFF;
	s21 =	sshll.u32 s6, $0x1;
	s3 =	sadd.s32 s4, s19  }
0x9c: {  	s7 =	simm.s32 $0x0;
	s20 =	sshll.u32 s5, $0x1;
	s5 =	sadd.s32 s21, s3  }
0x9d: {  	[timem:s7], [sflag:s22] =	dma.local [hbm:s5], s20  }
0x9e: {  	_ =	swait.ge [sflag:s22], s20  }
0x9f: {  	s4 =	ssub.s32 $0x0, s20;
	[sflag:s22] =	ssyncset.done $0x0  }
0xa0: {  	[sflag:s22] =	ssyncadd.s32 s4;
	_ =	sdelay $0x1  }
0xa1: {  	s23 =	simm.s32 $0x1B8B  }
0xa2: {  	_ =	swait.ge [sflag:s23], $0x1  }
0xa3: {  	[sflag:s23] =	ssyncset.done $0x0  }
0xa4: {  	s25 =	simm.s32 $0x1B8E;
	s24 =	sld [smem:$0x3FFE];
	[sflag:s23] =	ssyncadd.s32 $0xFFFFFFFF  }
0xa5: {  	s26 =	simm.s32 $execute0_lowered;
	[smem:$0x3FD2] =	sst s25  }
0xa6: {  	s5 =	sshll.u32 s26, $0x1;
	_ =	strace $0x80000046;
	[dreg:$0x1] =	wrdreg $0xFFFFFFFF  }
0xa7: {  	s28 =	simm.s32 $_size_execute0_lowered;
	s3 =	sadd.s32 s3, s5;
	[dreg:$0x0] =	wrdreg $0x0  }
0xa8: {  	s5 =	sshll.u32 s28, $0x1;
	[dreg:$0x2] =	wrdreg s3  }
0xa9: {  	[dreg:$0x3] =	wrdreg s5  }
0xaa: {  	[dreg:$0x4] =	wrdreg $0xC0  }
0xab: {  	_ =	task [dreg:s7], $0x5FFFF  }
0xac: {  	[dreg:$0x1] =	wrdreg $0xFFFFFFFF  }
0xad: {  	[dreg:$0x0] =	wrdreg $0x60  }
0xae: {  	[dreg:$0x2] =	wrdreg s24  }
0xaf: {  	[dreg:$0x3] =	wrdreg s2  }
0xb0: {  	[dreg:$0x4] =	wrdreg $0x9  }
0xb1: {  	_ =	task.clear_ibuf [dreg:s7], $0x5FFFF;
	_ =	strace $0x90000046  }
0xb2: {  	s29 =	simm.s32 $0x9;
	_ =	strace $0x80000048  }
0xb3: {  	_ =	swait.ge [sflag:s29], $0x1  }
0xb4: {  	[sflag:s29] =	ssyncadd.s32 $0xFFFFFFFF  }
0xb5: {  	_ =	strace $0x90000048  }
0xb6: {  	_ =	sfence  }
0xb7: {  	s30 =	sld [smem:$0x0];
	_ =	sdelay $0x2  }
0xb8: {  	s31 =	sshll.u32 s1, $0xD;
	s1 =	sshrl.u32 s1, $0x2  }
0xb9: {  	s3 =	sand.u32 $0x4000, s31;
	s1 =	sadd.s32 s1, s30  }
0xba: {  	s0 =	sor.u32 s3, s0;
	s1 =	sshll.u32 s1, $0x11  }
0xbb: {  	s0 =	sor.u32 s1, s0  }
0xbc: {  	s0 =	sadd.s32 $0x8F2B, s0  }
0xbd: {  	[sflag:s0] =	ssyncadd.remote.s32 $0x1  }
0xbe: {  	_ =	sfence.sel $0xFFFF  }
0xbf: {  	[dreg:$0x0] =	wrdreg $0xFFFFFFFF;
	(pc) =	sbr.abs _section_cstart, $3  }
0xc0: {  	[dreg:$0x1] =	wrdreg $0xFFFFFFFF  }
0xc1: {  	_ =	task.clear_ibuf [dreg:s7], $0x2FFFF;
	_ =	strace $0x9FFFFFFF  }
0xc2: {  	(tm) =	ssettm $0x7FFFFFFF  }
0xc3: {  	_ =	shalt  }
tec
execute0_lowered:
.L_overlay_start_1:
0x0: {  	(tag) =	ssettag $0x1  }
0x1: {  	s0 =	rddreg [dreg:$0x0]  }
0x2: {  	s1 =	srdreg.scid;
	s2 =	stileid.u32  }
0x3: {  	s4 =	rddreg [dreg:$0x1];
	s14 =	simm.s32 $0x6;
	s16 =	simm.s32 $0x10000  }
0x4: {  	s17 =	simm.s32 $0x14000;
	s18 =	simm.s32 $0x18000;
	s28 =	simm.s32 $0x1A508  }
0x5: {  	s29 =	simm.s32 $0x1B508;
	s30 =	simm.s32 $0x1;
	s31 =	simm.s32 $0x18308  }
0x6: {  	s15 =	simm.s32 $0x3;
	s20 =	simm.s32 $0x4;
	s1 =	sand.u32 $0x1, s1  }
0x7: {  	s3 =	sshll.u32 s2, $0x1;
	s2 =	simm.s32 $0x0;
	s7 =	sadd.s32 $0x40E00, s0  }
0x8: {  	s22 =	sadd.s32 $0x41600, s0;
	s23 =	sadd.s32 $0x41E00, s0;
	[smem:$0x7FF] =	sst s2  }
0x9: {  	s5 =	sor.u32 s1, s3;
	_ =	strace $0x80000047;
	[dreg:$0x3] =	wrdreg s7  }
0xa: {  	s3 =	sadd.s32 $0xF43200, s0;
	s1 =	ssub.s32 $0x2, s1;
	[dreg:$0x4] =	wrdreg s22  }
0xb: {  	s6 =	sshll.u32 s5, $0xC;
	[dreg:$0x5] =	wrdreg s23;
	s24 =	sshll.u32 s5, $0x5  }
0xc: {  	s8 =	sshll.u32 s5, $0x6;
	s25 =	sshrl.u32 s1, $0x1;
	s4 =	sadd.s32 s4, s5  }
0xd: {  	s22 =	simm.s32 $0x5;
	s23 =	simm.s32 $0x40;
	s6 =	sadd.s32 s6, s0  }
0xe: {  	s7 =	sadd.s32 s24, s0;
	s0 =	sadd.s32 s8, s0;
	s1 =	ssub.s32 s1, s25  }
0xf: {  	[dreg:$0x8] =	wrdreg s4;
	s24 =	simm.s32 $0x18508;
	s25 =	simm.s32 $0x19508  }
0x10: {  	v0 =	vlaneseq.u32;
	s26 =	sadd.s32 $0xE00, s6;
	s6 =	sadd.s32 $0x20E00, s6;
	s0 =	sadd.s32 $0x42800, s0  }
0x11: {  	v1 =	vmul.u32 $0x40, v0;
	s11 =	sadd.s32 $0x42000, s7;
	s12 =	sadd.s32 $0x42400, s7;
	[dreg:$0x6] =	wrdreg s26  }
0x12: {  	v2 =	vimm.f32 $0.0e+00;
	v3 =	vor.u32 $0xFFFFFFC0, v0;
	s13 =	smax.u32 s1, $0x1;
	s1 =	simm.s32 $0x18408;
	[dreg:$0x7] =	wrdreg s6  }
0x13: {  	v4 =	vor.u32 $0x400, v1;
	v5 =	vor.u32 $0x800, v1;
	v6 =	vor.u32 $0xC00, v1;
	[dreg:$0x9] =	wrdreg s0;
	s0 =	simm.s32 $0x2;
	s26 =	simm.s32 $0x0  }
.LBB2_1:
0x14: {  	s4 =	rddreg [dreg:$0x6]  }
0x15: {  	[tilespmem:s2], [sflag:$0x6] =	stream.linear.gather [hbm4b:s4+s2], $0x8000, $0x38;
	[tilespmem:$0x1C508] =	vst v63  }
0x16: {  	_ =	swait.ge [sflag:s14], $0x8000  }
0x17: {  	[sflag:s14] =	ssyncset.done $0x0  }
0x18: {  	s5 =	simm.s32 $0x8000;
	s21 =	rddreg [dreg:$0x7];
	[sflag:s14] =	ssyncadd.s32 $0xFFFF8000  }
0x19: {  	[tilespmem:s5], [sflag:$0x6] =	stream.linear.gather [hbm4b:s21+s2], $0x8000, $0x38;
	[tilespmem:$0x1C508] =	vst v63  }
0x1a: {  	_ =	swait.ge [sflag:s14], $0x8000  }
0x1b: {  	[sflag:s14] =	ssyncset.done $0x0  }
0x1c: {  	s5 =	rddreg [dreg:$0x3];
	[sflag:s14] =	ssyncadd.s32 $0xFFFF8000  }
0x1d: {  	[tilespmem:s16], [sflag:$0x6] =	stream.linear.gather [hbm4b:s5+s2], $0x4000, $0x38;
	[tilespmem:$0x1C508] =	vst v63  }
0x1e: {  	_ =	swait.ge [sflag:s14], $0x4000  }
0x1f: {  	[sflag:s14] =	ssyncset.done $0x0  }
0x20: {  	s6 =	rddreg [dreg:$0x4];
	[sflag:s14] =	ssyncadd.s32 $0xFFFFC000  }
0x21: {  	[tilespmem:s17], [sflag:$0x6] =	stream.linear.gather [hbm4b:s6+s2], $0x4000, $0x38;
	[tilespmem:$0x1C508] =	vst v63  }
0x22: {  	_ =	swait.ge [sflag:s14], $0x4000  }
0x23: {  	[sflag:s14] =	ssyncset.done $0x0  }
0x24: {  	s7 =	rddreg [dreg:$0x5];
	[sflag:s14] =	ssyncadd.s32 $0xFFFFC000  }
0x25: {  	[tilespmem:s18], [sflag:$0x6] =	stream.linear.gather [hbm4b:s7+s2], $0x100, $0x38;
	[tilespmem:$0x1C508] =	vst v63  }
0x26: {  	_ =	swait.ge [sflag:s14], $0x100  }
0x27: {  	[sflag:s14] =	ssyncset.done $0x0  }
0x28: {  	s9 =	simm.s32 $0x18100;
	s8 =	rddreg [dreg:$0x8];
	[sflag:s14] =	ssyncadd.s32 $0xFFFFFF00  }
0x29: {  	[tilespmem:s9], [sflag:$0x6] =	stream.linear.gather [hbm4b:s8+s2], $0x8, $0x38;
	[tilespmem:$0x1C508] =	vst v63  }
0x2a: {  	_ =	swait.ge [sflag:s14], $0x8  }
0x2b: {  	[sflag:s14] =	ssyncset.done $0x0  }
0x2c: {  	s10 =	simm.s32 $0x8;
	s6 =	simm.s32 $0x18108;
	[sflag:s14] =	ssyncadd.s32 $0xFFFFFFF8  }
0x2d: {  	[tilespmem:s6], [sflag:$0x5] =	stream.indirect.gather [hbm4b:s3+s10], $0x40, s9, s10, $0xb8;
	[tilespmem:$0x1C508] =	vst v63  }
0x2e: {  	_ =	swait.ge [sflag:s22], $0x200  }
0x2f: {  	[sflag:s22] =	ssyncset.done $0x0  }
0x30: {  	s19 =	rddreg [dreg:$0x9];
	[sflag:s22] =	ssyncadd.s32 $0xFFFFFE00  }
0x31: {  	[hbm4b:s19+s2] =	stream.linear.scatter [tilespmem:s6], [sflag:$0x6], $0x200, $0x38;
	[tilespmem:$0x1C508] =	vst v63  }
0x32: {  	_ =	swait.ge [sflag:s14], $0x200  }
0x33: {  	[sflag:s14] =	ssyncset.done $0x0  }
0x34: {  	[sflag:s14] =	ssyncadd.s32 $0xFFFFFE00  }
0x35: {  	[tilespmem:$0x18308] =	vst v2  }
0x36: {  	[tilespmem:$0x18408] =	vst v2  }
0x37: {  	[tilespmem:$0x18318] =	vst v2  }
0x38: {  	[tilespmem:$0x18418] =	vst v2  }
0x39: {  	[tilespmem:$0x18328] =	vst v2  }
0x3a: {  	[tilespmem:$0x18428] =	vst v2  }
0x3b: {  	[tilespmem:$0x18338] =	vst v2  }
0x3c: {  	[tilespmem:$0x18438] =	vst v2  }
0x3d: {  	[tilespmem:$0x18348] =	vst v2  }
0x3e: {  	[tilespmem:$0x18448] =	vst v2  }
0x3f: {  	[tilespmem:$0x18358] =	vst v2  }
0x40: {  	[tilespmem:$0x18458] =	vst v2  }
0x41: {  	[tilespmem:$0x18368] =	vst v2  }
0x42: {  	[tilespmem:$0x18468] =	vst v2  }
0x43: {  	[tilespmem:$0x18378] =	vst v2  }
0x44: {  	[tilespmem:$0x18478] =	vst v2  }
0x45: {  	[tilespmem:$0x18388] =	vst v2  }
0x46: {  	[tilespmem:$0x18488] =	vst v2  }
0x47: {  	[tilespmem:$0x18398] =	vst v2  }
0x48: {  	[tilespmem:$0x18498] =	vst v2  }
0x49: {  	[tilespmem:$0x183A8] =	vst v2  }
0x4a: {  	[tilespmem:$0x184A8] =	vst v2  }
0x4b: {  	[tilespmem:$0x183B8] =	vst v2  }
0x4c: {  	[tilespmem:$0x184B8] =	vst v2  }
0x4d: {  	[tilespmem:$0x183C8] =	vst v2  }
0x4e: {  	[tilespmem:$0x184C8] =	vst v2  }
0x4f: {  	[tilespmem:$0x183D8] =	vst v2  }
0x50: {  	[tilespmem:$0x184D8] =	vst v2  }
0x51: {  	[tilespmem:$0x183E8] =	vst v2  }
0x52: {  	[tilespmem:$0x184E8] =	vst v2  }
0x53: {  	[tilespmem:$0x183F8] =	vst v2  }
0x54: {  	[tilespmem:$0x184F8] =	vst v2  }
0x55: {  	[tilespmem:s24], [sflag:$0x1] =	stream.indirect.gather [hbm4b:s3+s23], $0x40, s2, s23, $0xb8;
	[tilespmem:$0x1C508] =	vst v63  }
0x56: {  	_ = 	snop  }
0x57: {  	[tilespmem:s25], [sflag:$0x2] =	stream.indirect.gather [hbm4b:s3+s23], $0x40, s23, s23, $0xb8;
	[tilespmem:$0x1C508] =	vst v63  }
0x58: {  	s21 =	simm.s32 $0x80;
	s19 =	simm.s32 $0x0  }
0x59: {  	[tilespmem:s28], [sflag:$0x3] =	stream.indirect.gather [hbm4b:s3+s23], $0x40, s21, s23, $0xb8;
	[tilespmem:$0x1C508] =	vst v63  }
.LBB2_2:
0x5a: {  	s5 =	sshll.u32 s19, $0xA  }
0x5b: {  	s4 =	sor.u32 $0x300, s5  }
0x5c: {  	s6 =	simm.s32 $0x0;
	s21 =	sshra.s32 s4, $0x2  }
0x5d: {  	v7 =	vadd.s32 s6, v0;
	[tilespmem:s29], [sflag:$0x4] =	stream.indirect.gather [hbm4b:s3+s23], $0x40, s21, s23, $0xb8;
	[tilespmem:$0x1C508] =	vst v63  }
0x5e: {  	s7 =	simm.s32 $0x2;
	s10 =	simm.s32 $0x1;
	v8 =	vadd.s32 s6, v3;
	vm0 =	vgt.u32 v7, $0x3F;
	_ =	swait.ge [sflag:s30], $0x1000  }
0x5f: {  	v10 =	vadd.s32 s7, v0;
	v21 =	vadd.s32 s10, v0;
	v12 =	vsel vm0, v8, v7;
	[sflag:s30] =	ssyncset.done $0x0  }
0x60: {  	v32 =	vadd.s32 s10, v3;
	s4 =	sshra.s32 s5, $0x2;
	vm13 =	vgt.u32 v10, $0x3F;
	v11 =	vadd.s32 v1, v12;
	[sflag:s30] =	ssyncadd.s32 $0xFFFFF000  }
0x61: {  	vm15 =	vgt.u32 v21, $0x3F;
	v7 =	vadd.s32 s7, v3;
	v14 =	vadd.s32 v4, v12;
	v9 =	vld [tilespmem:s4+$0x8010]  }
0x62: {  	v32 =	vsel vm15, v32, v21;
	v19 =	vsel vm13, v7, v10;
	v18 =	vadd.s32 v6, v12;
	v7 =	vld [tilespmem:s4+$0x8030]  }
0x63: {  	s9 =	simm.s32 $0x3;
	v42 =	vadd.s32 v4, v32;
	v10 =	vld [tilespmem:s4+$0x8000]  }
0x64: {  	v15 =	vadd.s32 s9, v0;
	v13 =	vadd.s32 v1, v19;
	v8 =	vld [tilespmem:s4+$0x8020]  }
0x65: {  	v16 =	vadd.s32 s9, v3;
	vm14 =	vgt.u32 v15, $0x3F;
	v33 =	vadd.s32 v4, v19;
	v23 =	vld.idx.msk [tilespmem:v11+s24+$0x0], $0xffff  }
0x66: {  	v26 =	vsel vm14, v16, v15;
	v62 =	vadd.s32 v1, v32;
	v24 =	vld.idx.msk [tilespmem:v14+s24+$0x0], $0xffff  }
0x67: {  	v11 =	vadd.s32 v6, v26;
	v37 =	vld.idx.msk [tilespmem:v18+s24+$0x0], $0xffff  }
0x68: {  	v48 =	vld.idx.msk [tilespmem:v42+s24+$0x0], $0xffff;
	v17 =	vadd.s32 v9, v12  }
0x69: {  	v16 =	vld.idx.msk [tilespmem:v13+s24+$0x0], $0xffff  }
0x6a: {  	v21 =	vld.idx.msk [tilespmem:v33+s24+$0x0], $0xffff;
	v27 =	vadd.s32 v9, v19  }
0x6b: {  	v33 =	vld.idx.msk [tilespmem:v62+s24+$0x0], $0xffff;
	v13 =	vadd.s32 v7, v26  }
0x6c: {  	v14 =	vadd.s32 v7, v19;
	v22 =	vld.idx.msk [tilespmem:v11+s24+$0x0], $0xffff  }
0x6d: {  	v25 =	vld.idx.msk [tilespmem:v17+s16+$0x0], $0xffff  }
0x6e: {  	v15 =	vld.idx.msk [tilespmem:v17+s17+$0x0], $0xffff  }
0x6f: {  	v30 =	vadd.s32 v7, v12;
	v28 =	vld.idx.msk [tilespmem:v27+s16+$0x0], $0xffff  }
0x70: {  	v20 =	vld.idx.msk [tilespmem:v13+s17+$0x0], $0xffff  }
0x71: {  	v36 =	vadd.s32 v7, v32;
	v29 =	vld.idx.msk [tilespmem:v14+s17+$0x0], $0xffff  }
0x72: {  	v35 =	vadd.s32 v8, v32;
	v31 =	vld.idx.msk [tilespmem:v14+s16+$0x0], $0xffff  }
0x73: {  	v39 =	vadd.s32 v10, v12;
	v34 =	vld.idx.msk [tilespmem:v13+s16+$0x0], $0xffff  }
0x74: {  	v38 =	vld.idx.msk [tilespmem:v30+s17+$0x0], $0xffff  }
0x75: {  	v63 =	vadd.s32 v10, v26;
	v30 =	vld.idx.msk [tilespmem:v30+s16+$0x0], $0xffff  }
0x76: {  	v11 =	vadd.s32 v5, v12;
	v18 =	vld.idx.msk [tilespmem:v36+s17+$0x0], $0xffff  }
0x77: {  	v40 =	vld.idx.msk [tilespmem:v35+s17+$0x0], $0xffff  }
0x78: {  	v17 =	vadd.s32 v6, v19;
	v46 =	vld.idx.msk [tilespmem:v39+s16+$0x0], $0xffff  }
0x79: {  	v13 =	vadd.s32 v5, v32;
	v39 =	vld.idx.msk [tilespmem:v39+s17+$0x0], $0xffff  }
0x7a: {  	v47 =	vadd.s32 v1, v26;
	v56 =	vld.idx.msk [tilespmem:v63+s16+$0x0], $0xffff  }
0x7b: {  	v14 =	vld.idx.msk [tilespmem:v11+s24+$0x0], $0xffff;
	v11 =	vadd.s32 v10, v32  }
0x7c: {  	v58 =	vld.idx.msk [tilespmem:v63+s17+$0x0], $0xffff  }
0x7d: {  	v44 =	vadd.s32 v9, v32;
	v17 =	vld.idx.msk [tilespmem:v17+s24+$0x0], $0xffff  }
0x7e: {  	v61 =	vadd.s32 v4, v26;
	v43 =	vld.idx.msk [tilespmem:v13+s24+$0x0], $0xffff;
	v49 =	vmul.f32 v15, v24  }
0x7f: {  	v50 =	vadd.s32 v8, v12;
	v12 =	vmul.f32 v34, v22;
	v52 =	vmul.f32 v30, v37;
	v30 =	vld.idx.msk [tilespmem:v47+s24+$0x0], $0xffff  }
0x80: {  	v51 =	vmul.f32 v28, v21;
	v28 =	vadd.s32 v6, v32;
	v55 =	vmul.f32 v25, v24;
	v41 =	vld.idx.msk [tilespmem:v11+s17+$0x0], $0xffff  }
0x81: {  	v42 =	vadd.s32 v9, v26;
	v57 =	vmul.f32 v46, v23;
	v23 =	vmul.f32 v39, v23;
	v45 =	vld.idx.msk [tilespmem:v11+s16+$0x0], $0xffff  }
0x82: {  	v25 =	vadd.s32 v5, v19;
	v11 =	vmul.f32 v20, v22;
	v15 =	vmul.f32 v29, v17;
	v29 =	vld.idx.msk [tilespmem:v44+s16+$0x0], $0xffff  }
0x83: {  	v20 =	vimm.f32 $0.0e+00;
	v13 =	vmul.f32 v31, v17;
	v31 =	vmul.f32 v38, v37;
	v38 =	vld.idx.msk [tilespmem:v35+s16+$0x0], $0xffff  }
0x84: {  	v22 =	vadd.s32 v10, v19;
	v60 =	vadd.f32 v57, v20;
	v62 =	vadd.f32 v23, v20;
	v44 =	vld.idx.msk [tilespmem:v44+s17+$0x0], $0xffff  }
0x85: {  	v17 =	vmul.f32 v40, v43;
	v34 =	vld.idx.msk [tilespmem:v28+s24+$0x0], $0xffff;
	v28 =	vadd.f32 v55, v20;
	v40 =	vadd.s32 v8, v26  }
0x86: {  	v59 =	vld.idx.msk [tilespmem:v50+s16+$0x0], $0xffff;
	v24 =	vadd.f32 v31, v20;
	v31 =	vmul.f32 v41, v33;
	v33 =	vmul.f32 v45, v33  }
0x87: {  	v39 =	vld.idx.msk [tilespmem:v42+s16+$0x0], $0xffff;
	v32 =	vmul.f32 v58, v30;
	v41 =	vadd.f32 v49, v20;
	v63 =	vmul.f32 v29, v48  }
0x88: {  	v45 =	vadd.s32 v5, v26;
	v35 =	vadd.f32 v33, v60;
	v37 =	vadd.f32 v31, v62;
	v33 =	vld.idx.msk [tilespmem:v50+s17+$0x0], $0xffff  }
0x89: {  	v23 =	vmul.f32 v38, v43;
	v38 =	vld.idx.msk [tilespmem:v36+s16+$0x0], $0xffff;
	v29 =	vmul.f32 v56, v30;
	v31 =	vadd.f32 v63, v28  }
0x8a: {  	v43 =	vld.idx.msk [tilespmem:v27+s17+$0x0], $0xffff;
	v30 =	vadd.s32 v8, v19;
	v27 =	vadd.f32 v52, v20;
	v44 =	vmul.f32 v44, v48  }
0x8b: {  	s6 =	simm.s32 $0x4;
	v36 =	vld.idx.msk [tilespmem:v61+s24+$0x0], $0xffff;
	v19 =	vimm.f32 $0.0e+00;
	v28 =	vmul.f32 v59, v14;
	v31 =	vadd.f32 v51, v31  }
.LBB2_3:
0x8c: {  	s8 =	sadd.s32 $0x2, s6  }
0x8d: {  	v26 =	vadd.s32 s6, v0;
	v46 =	vadd.s32 s6, v3;
	s9 =	sadd.s32 $0x3, s6;
	v18 =	vmul.f32 v18, v34;
	v42 =	vld.idx.msk [tilespmem:v42+s17+$0x0], $0xffff;
	s10 =	smov.u32 s6;
	s7 =	sadd.s32 $0x4, s6  }
0x8e: {  	p0 =	slt.u32 s6, $0x3C;
	v48 =	vmul.f32 v38, v34;
	vm0 =	vgt.u32 v26, $0x3F;
	v47 =	vadd.s32 s8, v0;
	v49 =	vld.idx.msk [tilespmem:v40+s17+$0x0], $0xffff  }
0x8f: {  	v46 =	vsel vm0, v46, v26;
	vm0 =	vgt.u32 v47, $0x3F;
	v18 =	vadd.f32 v18, v24;
	v24 =	vld.idx.msk [tilespmem:v45+s24+$0x0], $0xffff  }
0x90: {  	v26 =	vadd.s32 s8, v3;
	v21 =	vmul.f32 v43, v21;
	v38 =	vadd.s32 v1, v46;
	v45 =	vld.idx.msk [tilespmem:v22+s16+$0x0], $0xffff  }
0x91: {  	v20 =	vadd.f32 v28, v20;
	v34 =	vadd.s32 v10, v46;
	v26 =	vsel vm0, v26, v47;
	v22 =	vld.idx.msk [tilespmem:v22+s17+$0x0], $0xffff  }
0x92: {  	v28 =	vadd.s32 s9, v3;
	v41 =	vadd.f32 v44, v41;
	v43 =	vadd.s32 v1, v26;
	v25 =	vld.idx.msk [tilespmem:v25+s24+$0x0], $0xffff  }
0x93: {  	v44 =	vadd.s32 v4, v46;
	v47 =	vadd.s32 s9, v0;
	v42 =	vmul.f32 v42, v36;
	v50 =	vld.idx.msk [tilespmem:v30+s17+$0x0], $0xffff  }
0x94: {  	v14 =	vmul.f32 v33, v14;
	v51 =	vadd.s32 v9, v46;
	vm0 =	vgt.u32 v47, $0x3F;
	v52 =	vld.idx.msk [tilespmem:v30+s16+$0x0], $0xffff  }
0x95: {  	v28 =	vsel vm0, v28, v47;
	v30 =	vadd.s32 v9, v26;
	v47 =	vmul.f32 v49, v24;
	v38 =	vld.idx.msk [tilespmem:v38+s24+$0x0], $0xffff  }
0x96: {  	v53 =	vadd.s32 v6, v28;
	v49 =	vadd.s32 v5, v46;
	v45 =	vmul.f32 v45, v16;
	v40 =	vld.idx.msk [tilespmem:v40+s16+$0x0], $0xffff  }
0x97: {  	v33 =	vadd.s32 v8, v46;
	v15 =	vadd.f32 v15, v18;
	v54 =	vadd.s32 v7, v28;
	v43 =	vld.idx.msk [tilespmem:v43+s24+$0x0], $0xffff  }
0x98: {  	s6 =	sadd.s32 $0x1, s10;
	v18 =	vadd.s32 v6, v26;
	v55 =	vadd.s32 v7, v26;
	v16 =	vmul.f32 v22, v16;
	v44 =	vld.idx.msk [tilespmem:v44+s24+$0x0], $0xffff  }
0x99: {  	v58 =	vadd.s32 s6, v0;
	v57 =	vadd.s32 v6, v46;
	v50 =	vmul.f32 v50, v25;
	v56 =	vld.idx.msk [tilespmem:v51+s16+$0x0], $0xffff  }
0x9a: {  	v27 =	vadd.f32 v48, v27;
	vm0 =	vgt.u32 v58, $0x3F;
	v46 =	vadd.s32 v7, v46;
	v51 =	vld.idx.msk [tilespmem:v51+s17+$0x0], $0xffff  }
0x9b: {  	v48 =	vadd.s32 s6, v3;
	v22 =	vadd.s32 v10, v26;
	v35 =	vadd.f32 v45, v35;
	v53 =	vld.idx.msk [tilespmem:v53+s24+$0x0], $0xffff  }
0x9c: {  	v14 =	vadd.f32 v14, v19;
	v13 =	vadd.f32 v13, v27;
	v19 =	vmul.f32 v39, v36;
	v45 =	vld.idx.msk [tilespmem:v30+s16+$0x0], $0xffff  }
0x9d: {  	v36 =	vadd.f32 v11, v15;
	v16 =	vadd.f32 v16, v37;
	v24 =	vmul.f32 v40, v24;
	v27 =	vld.idx.msk [tilespmem:v54+s17+$0x0], $0xffff  }
0x9e: {  	v21 =	vadd.f32 v21, v41;
	v15 =	vadd.s32 v4, v26;
	v39 =	vadd.f32 v12, v13;
	v37 =	vld.idx.msk [tilespmem:v55+s17+$0x0], $0xffff  }
0x9f: {  	v11 =	vadd.f32 v17, v14;
	v31 =	vadd.f32 v19, v31;
	v13 =	vmul.f32 v52, v25;
	v12 =	vld.idx.msk [tilespmem:v55+s16+$0x0], $0xffff  }
0xa0: {  	v41 =	vmul.f32 v51, v44;
	v17 =	vld.idx.msk [tilespmem:v18+s24+$0x0], $0xffff;
	v18 =	vadd.f32 v23, v20;
	v23 =	vadd.f32 v32, v16  }
0xa1: {  	v29 =	vadd.f32 v29, v35;
	v32 =	vsel vm0, v48, v58;
	v16 =	vadd.f32 v50, v11;
	v14 =	vld.idx.msk [tilespmem:v49+s24+$0x0], $0xffff  }
0xa2: {  	v35 =	vadd.s32 v8, v32;
	v40 =	vadd.s32 v7, v32;
	v48 =	vld.idx.msk [tilespmem:v54+s16+$0x0], $0xffff;
	v13 =	vadd.f32 v13, v18  }
0xa3: {  	v11 =	vmul.f32 v27, v53;
	v27 =	vadd.f32 v42, v21;
	v19 =	vadd.f32 v47, v16;
	v49 =	vld.idx.msk [tilespmem:v57+s24+$0x0], $0xffff  }
0xa4: {  	v25 =	vadd.s32 v5, v26;
	v47 =	vadd.s32 v10, v32;
	v42 =	vld.idx.msk [tilespmem:v46+s17+$0x0], $0xffff;
	v20 =	vadd.f32 v24, v13  }
0xa5: {  	v24 =	vadd.s32 v5, v32;
	v16 =	vmov v43;
	v21 =	vld.idx.msk [tilespmem:v15+s24+$0x0], $0xffff  }
0xa6: {  	v13 =	vmul.f32 v12, v17;
	v15 =	vmul.f32 v37, v17;
	v43 =	vld.idx.msk [tilespmem:v46+s16+$0x0], $0xffff;
	v46 =	vadd.s32 v1, v32  }
0xa7: {  	v18 =	vld.idx.msk [tilespmem:v40+s17+$0x0], $0xffff  }
0xa8: {  	v12 =	vmul.f32 v48, v53;
	v17 =	vld.idx.msk [tilespmem:v35+s17+$0x0], $0xffff  }
0xa9: {  	v48 =	vadd.s32 v4, v32;
	v37 =	vld.idx.msk [tilespmem:v47+s17+$0x0], $0xffff  }
0xaa: {  	v42 =	vmul.f32 v42, v49;
	v50 =	vld.idx.msk [tilespmem:v24+s24+$0x0], $0xffff  }
0xab: {  	v51 =	vadd.s32 v9, v32;
	v52 =	vmul.f32 v45, v21;
	v46 =	vld.idx.msk [tilespmem:v46+s24+$0x0], $0xffff  }
0xac: {  	v49 =	vmul.f32 v43, v49;
	v24 =	vadd.f32 v42, v36;
	v36 =	vld.idx.msk [tilespmem:v47+s16+$0x0], $0xffff  }
0xad: {  	v43 =	vadd.s32 v1, v28;
	v42 =	vld.idx.msk [tilespmem:v34+s16+$0x0], $0xffff  }
0xae: {  	v45 =	vadd.s32 v10, v28;
	v47 =	vld.idx.msk [tilespmem:v48+s24+$0x0], $0xffff  }
0xaf: {  	v34 =	vld.idx.msk [tilespmem:v34+s17+$0x0], $0xffff  }
0xb0: {  	v44 =	vmul.f32 v56, v44;
	v17 =	vmul.f32 v17, v50;
	v48 =	vld.idx.msk [tilespmem:v51+s16+$0x0], $0xffff  }
0xb1: {  	v37 =	vmul.f32 v37, v46;
	v53 =	vld.idx.msk [tilespmem:v35+s16+$0x0], $0xffff  }
0xb2: {  	v32 =	vadd.s32 v6, v32;
	v35 =	vmul.f32 v36, v46;
	v36 =	vld.idx.msk [tilespmem:v43+s24+$0x0], $0xffff  }
0xb3: {  	v42 =	vmul.f32 v42, v38;
	v43 =	vld.idx.msk [tilespmem:v45+s16+$0x0], $0xffff  }
0xb4: {  	v45 =	vld.idx.msk [tilespmem:v45+s17+$0x0], $0xffff  }
0xb5: {  	v29 =	vadd.f32 v42, v29;
	v34 =	vmul.f32 v34, v38;
	v46 =	vld.idx.msk [tilespmem:v33+s16+$0x0], $0xffff  }
0xb6: {  	v54 =	vadd.s32 v4, v28;
	v42 =	vadd.s32 v9, v28;
	v48 =	vmul.f32 v48, v47;
	v51 =	vld.idx.msk [tilespmem:v51+s17+$0x0], $0xffff  }
0xb7: {  	v55 =	vadd.f32 v34, v23;
	v35 =	vadd.f32 v35, v29;
	v23 =	vmul.f32 v53, v50;
	v34 =	vld.idx.msk [tilespmem:v32+s24+$0x0], $0xffff  }
.Ltmp0:
0xb8: {  	v31 =	vadd.f32 v44, v31;
	v38 =	vld.idx.msk [tilespmem:v40+s16+$0x0], $0xffff;
	(pc) =	sbr.rel @p0 .LBB2_3-.Ltmp0, $4  }
0xb9: {  	v37 =	vadd.f32 v37, v55;
	v29 =	vmul.f32 v43, v36;
	v40 =	vadd.s32 v8, v28;
	v33 =	vld.idx.msk [tilespmem:v33+s17+$0x0], $0xffff  }
0xba: {  	v31 =	vadd.f32 v48, v31;
	v32 =	vmul.f32 v45, v36;
	v45 =	vadd.s32 v5, v28;
	v43 =	vld.idx.msk [tilespmem:v30+s17+$0x0], $0xffff  }
0xbb: {  	v41 =	vadd.f32 v41, v27;
	v28 =	vmul.f32 v46, v14;
	v30 =	vadd.s32 v8, v26;
	v36 =	vld.idx.msk [tilespmem:v54+s24+$0x0], $0xffff  }
0xbc: {  	s6 =	smov.u32 s7;
	v27 =	vadd.f32 v49, v39;
	v31 =	vadd.f32 v52, v31;
	v44 =	vmul.f32 v51, v47;
	v39 =	vld.idx.msk [tilespmem:v42+s16+$0x0], $0xffff  }
0xbd: {  	_ =	sdelay $0x3  }
0xbe: {  	v26 =	vld.idx.msk [tilespmem:v22+s16+$0x0], $0xffff  }
0xbf: {  	v22 =	vld.idx.msk [tilespmem:v22+s17+$0x0], $0xffff;
	_ =	sdelay $0x1  }
0xc0: {  	v10 =	vshrl.u32 v10, $0x6;
	_ =	sdelay $0x1  }
0xc1: {  	v26 =	vmul.f32 v26, v16  }
0xc2: {  	v16 =	vmul.f32 v22, v16  }
0xc3: {  	v22 =	vadd.f32 v26, v35  }
0xc4: {  	v16 =	vadd.f32 v16, v37;
	v26 =	vld.idx.msk [tilespmem:v10+s18+$0x0], $0xffff  }
0xc5: {  	v22 =	vadd.f32 v29, v22  }
0xc6: {  	v16 =	vadd.f32 v32, v16  }
0xc7: {  	v22 =	vmul.f32 $1.428571410e+01, v22  }
0xc8: {  	v16 =	vmul.f32 $1.428571410e+01, v16  }
0xc9: {  	v22 =	vsub.f32 v22, v26  }
0xca: {  	v16 =	vsub.f32 v16, v26  }
0xcb: {  	v22 =	vmul.f32 $1.442695020e+00, v22  }
0xcc: {  	v16 =	vmul.f32 $1.442695020e+00, v16  }
0xcd: {  	(erf) = vpow2.f32 v22  }
0xce: {  	(erf) = vpow2.f32 v16;
	_ =	sdelay $0x1  }
0xcf: {  	v25 =	vld.idx.msk [tilespmem:v25+s24+$0x0], $0xffff  }
0xd0: {  	v29 =	vld.idx.msk [tilespmem:v30+s17+$0x0], $0xffff  }
0xd1: {  	v30 =	vld.idx.msk [tilespmem:v30+s16+$0x0], $0xffff  }
0xd2: {  	v26 =	vld.idx.msk [tilespmem:v45+s24+$0x0], $0xffff  }
0xd3: {  	v9 =	vshrl.u32 v9, $0x6;
	v16 =	vld.idx.msk [tilespmem:v42+s17+$0x0], $0xffff  }
0xd4: {  	v45 =	vld.idx.msk [tilespmem:v40+s16+$0x0], $0xffff  }
0xd5: {  	v22 =	vld.idx.msk [tilespmem:v40+s17+$0x0], $0xffff;
	v46 =	vpop (erf)  }
0xd6: {  	v47 =	vadd.f32 v44, v41;
	v21 =	vmul.f32 v43, v21;
	v48 =	vpop (erf);
	[tilespmem:v10+s31+$0x0] =	vst.idx.add.f32.msk $0xffff, v46  }
0xd7: {  	v49 =	vmul.f32 v39, v36;
	[tilespmem:v10+s1+$0x0] =	vst.idx.add.f32.msk $0xffff, v48  }
0xd8: {  	v10 =	vmul.f32 v16, v36;
	v16 =	vadd.f32 v21, v47;
	v21 =	vld.idx.msk [tilespmem:v9+s18+$0x0], $0xffff  }
0xd9: {  	v31 =	vadd.f32 v49, v31  }
0xda: {  	v10 =	vadd.f32 v10, v16  }
0xdb: {  	v16 =	vmul.f32 $1.428571410e+01, v31  }
0xdc: {  	v10 =	vmul.f32 $1.428571410e+01, v10  }
0xdd: {  	v16 =	vsub.f32 v16, v21  }
0xde: {  	v10 =	vsub.f32 v10, v21  }
0xdf: {  	v16 =	vmul.f32 $1.442695020e+00, v16  }
0xe0: {  	v10 =	vmul.f32 $1.442695020e+00, v10  }
0xe1: {  	(erf) = vpow2.f32 v16  }
0xe2: {  	(erf) = vpow2.f32 v10;
	_ =	sdelay $0x4  }
0xe3: {  	v10 =	vmul.f32 v33, v14  }
0xe4: {  	v8 =	vshrl.u32 v8, $0x6;
	v14 =	vadd.f32 v28, v20  }
0xe5: {  	v10 =	vadd.f32 v10, v19  }
0xe6: {  	v16 =	vmul.f32 v30, v25;
	v14 =	vadd.f32 v23, v14;
	v19 =	vpop (erf)  }
0xe7: {  	v20 =	vmul.f32 v29, v25;
	v10 =	vadd.f32 v17, v10;
	v17 =	vpop (erf);
	[tilespmem:v9+s31+$0x0] =	vst.idx.add.f32.msk $0xffff, v19  }
0xe8: {  	v14 =	vadd.f32 v16, v14;
	v19 =	vmul.f32 v45, v26;
	[tilespmem:v9+s1+$0x0] =	vst.idx.add.f32.msk $0xffff, v17  }
0xe9: {  	v10 =	vadd.f32 v20, v10;
	v9 =	vmul.f32 v22, v26;
	v16 =	vld.idx.msk [tilespmem:v8+s18+$0x0], $0xffff  }
0xea: {  	v14 =	vadd.f32 v19, v14  }
0xeb: {  	v9 =	vadd.f32 v9, v10  }
0xec: {  	v10 =	vmul.f32 $1.428571410e+01, v14  }
0xed: {  	v9 =	vmul.f32 $1.428571410e+01, v9  }
0xee: {  	v10 =	vsub.f32 v10, v16  }
0xef: {  	v9 =	vsub.f32 v9, v16  }
0xf0: {  	v10 =	vmul.f32 $1.442695020e+00, v10  }
0xf1: {  	v9 =	vmul.f32 $1.442695020e+00, v9  }
0xf2: {  	(erf) = vpow2.f32 v10  }
0xf3: {  	(erf) = vpow2.f32 v9;
	_ =	sdelay $0x5  }
0xf4: {  	v7 =	vshrl.u32 v7, $0x6;
	v9 =	vmul.f32 v38, v34  }
0xf5: {  	v10 =	vmul.f32 v18, v34  }
0xf6: {  	v9 =	vadd.f32 v9, v27;
	v14 =	vpop (erf)  }
0xf7: {  	v10 =	vadd.f32 v10, v24;
	v16 =	vpop (erf);
	[tilespmem:v8+s31+$0x0] =	vst.idx.add.f32.msk $0xffff, v14  }
0xf8: {  	v9 =	vadd.f32 v13, v9;
	[tilespmem:v8+s1+$0x0] =	vst.idx.add.f32.msk $0xffff, v16  }
0xf9: {  	v8 =	vadd.f32 v15, v10;
	v10 =	vld.idx.msk [tilespmem:v7+s18+$0x0], $0xffff  }
0xfa: {  	v9 =	vadd.f32 v12, v9  }
0xfb: {  	v8 =	vadd.f32 v11, v8  }
0xfc: {  	v9 =	vmul.f32 $1.428571410e+01, v9  }
0xfd: {  	v8 =	vmul.f32 $1.428571410e+01, v8  }
0xfe: {  	v9 =	vsub.f32 v9, v10  }
0xff: {  	v8 =	vsub.f32 v8, v10  }
0x100: {  	v9 =	vmul.f32 $1.442695020e+00, v9  }
0x101: {  	v8 =	vmul.f32 $1.442695020e+00, v8  }
0x102: {  	(erf) = vpow2.f32 v9  }
0x103: {  	(erf) = vpow2.f32 v8;
	_ =	sdelay $0x7  }
0x104: {  	p0 =	seq.s32 s19, $0x7F;
	v8 =	vpop (erf)  }
0x105: {  	s10 =	simm.s32 $0x1;
	s5 =	sshra.s32 @!p0 s5, $0x2;
	v9 =	vpop (erf);
	[tilespmem:v7+s31+$0x0] =	vst.idx.add.f32.msk $0xffff, v8  }
0x106: {  	s7 =	simm.s32 @!p0 $0x40;
	s8 =	simm.s32 @!p0 $0x18508;
	s6 =	sadd.s32 @!p0 $0x100, s5;
	v21 =	vadd.s32 s10, v0;
	[tilespmem:v7+s1+$0x0] =	vst.idx.add.f32.msk $0xffff, v9  }
0x107: {  	v50 =	vadd.s32 s10, v3;
	vm15 =	vgt.u32 v21, $0x3F;
	[tilespmem:s8], [sflag:$0x1] =	stream.indirect.gather @!p0 [hbm4b:s3+s7], $0x40, s6, s7, $0xb8;
	[tilespmem:$0x1C508] =	vst v63  }
0x108: {  	v32 =	vsel vm15, v50, v21;
	s7 =	simm.s32 $0x0;
	_ =	swait.ge [sflag:s0], $0x1000  }
0x109: {  	v56 =	vadd.s32 v1, v32;
	v60 =	vadd.s32 v4, v32;
	s8 =	simm.s32 $0x2;
	v7 =	vadd.s32 s7, v0;
	[sflag:s0] =	ssyncset.done $0x0  }
0x10a: {  	v8 =	vadd.s32 s7, v3;
	v10 =	vadd.s32 s8, v0;
	vm0 =	vgt.u32 v7, $0x3F;
	[sflag:s0] =	ssyncadd.s32 $0xFFFFF000  }
0x10b: {  	vm13 =	vgt.u32 v10, $0x3F;
	v12 =	vsel vm0, v8, v7;
	v7 =	vadd.s32 s8, v3;
	v9 =	vld [tilespmem:s4+$0x8050]  }
0x10c: {  	v11 =	vadd.s32 v1, v12;
	v19 =	vsel vm13, v7, v10;
	v7 =	vld [tilespmem:s4+$0x8070]  }
0x10d: {  	v14 =	vadd.s32 v4, v12;
	v10 =	vld [tilespmem:s4+$0x8040]  }
0x10e: {  	v8 =	vld [tilespmem:s4+$0x8060];
	v18 =	vadd.s32 v6, v12  }
0x10f: {  	s9 =	simm.s32 $0x3;
	v33 =	vld.idx.msk [tilespmem:v56+s25+$0x0], $0xffff;
	v13 =	vadd.s32 v1, v19  }
0x110: {  	v15 =	vadd.s32 s9, v0;
	v48 =	vld.idx.msk [tilespmem:v60+s25+$0x0], $0xffff;
	v51 =	vadd.s32 v4, v19  }
0x111: {  	v16 =	vadd.s32 s9, v3;
	vm14 =	vgt.u32 v15, $0x3F;
	v17 =	vadd.s32 v9, v12;
	v23 =	vld.idx.msk [tilespmem:v11+s25+$0x0], $0xffff  }
0x112: {  	v26 =	vsel vm14, v16, v15;
	v24 =	vld.idx.msk [tilespmem:v14+s25+$0x0], $0xffff  }
0x113: {  	v11 =	vadd.s32 v6, v26;
	v54 =	vld.idx.msk [tilespmem:v18+s25+$0x0], $0xffff  }
0x114: {  	v27 =	vadd.s32 v9, v19;
	v16 =	vld.idx.msk [tilespmem:v13+s25+$0x0], $0xffff  }
0x115: {  	v14 =	vadd.s32 v7, v19;
	v21 =	vld.idx.msk [tilespmem:v51+s25+$0x0], $0xffff  }
0x116: {  	v25 =	vld.idx.msk [tilespmem:v17+s16+$0x0], $0xffff  }
0x117: {  	v30 =	vadd.s32 v7, v12;
	v15 =	vld.idx.msk [tilespmem:v17+s17+$0x0], $0xffff  }
0x118: {  	v22 =	vld.idx.msk [tilespmem:v11+s25+$0x0], $0xffff  }
0x119: {  	v36 =	vadd.s32 v7, v32;
	v28 =	vld.idx.msk [tilespmem:v27+s16+$0x0], $0xffff  }
0x11a: {  	v53 =	vadd.s32 v8, v32;
	v29 =	vld.idx.msk [tilespmem:v14+s17+$0x0], $0xffff  }
0x11b: {  	v57 =	vadd.s32 v10, v12;
	v31 =	vld.idx.msk [tilespmem:v14+s16+$0x0], $0xffff  }
0x11c: {  	v55 =	vld.idx.msk [tilespmem:v30+s17+$0x0], $0xffff  }
0x11d: {  	v61 =	vadd.s32 v9, v32;
	v30 =	vld.idx.msk [tilespmem:v30+s16+$0x0], $0xffff  }
0x11e: {  	v13 =	vadd.s32 v7, v26;
	v18 =	vld.idx.msk [tilespmem:v36+s17+$0x0], $0xffff  }
0x11f: {  	v58 =	vld.idx.msk [tilespmem:v53+s17+$0x0], $0xffff  }
0x120: {  	v11 =	vadd.s32 v5, v12;
	v46 =	vld.idx.msk [tilespmem:v57+s16+$0x0], $0xffff  }
0x121: {  	v39 =	vld.idx.msk [tilespmem:v57+s17+$0x0], $0xffff  }
0x122: {  	v17 =	vadd.s32 v6, v19;
	v44 =	vld.idx.msk [tilespmem:v61+s17+$0x0], $0xffff  }
0x123: {  	v63 =	vadd.s32 v10, v26;
	v20 =	vld.idx.msk [tilespmem:v13+s17+$0x0], $0xffff  }
0x124: {  	v52 =	vld.idx.msk [tilespmem:v13+s16+$0x0], $0xffff;
	v13 =	vadd.s32 v5, v32  }
0x125: {  	v14 =	vld.idx.msk [tilespmem:v11+s25+$0x0], $0xffff;
	v11 =	vadd.s32 v10, v32  }
0x126: {  	v38 =	vld.idx.msk [tilespmem:v53+s16+$0x0], $0xffff  }
0x127: {  	v17 =	vld.idx.msk [tilespmem:v17+s25+$0x0], $0xffff  }
0x128: {  	v47 =	vadd.s32 v1, v26;
	v45 =	vadd.s32 v5, v26;
	v56 =	vld.idx.msk [tilespmem:v63+s16+$0x0], $0xffff;
	v49 =	vmul.f32 v15, v24  }
0x129: {  	v51 =	vmul.f32 v28, v21;
	v28 =	vadd.s32 v6, v32;
	v57 =	vmul.f32 v46, v23;
	v43 =	vld.idx.msk [tilespmem:v13+s25+$0x0], $0xffff  }
0x12a: {  	v50 =	vadd.s32 v8, v12;
	v23 =	vmul.f32 v39, v23;
	v44 =	vmul.f32 v44, v48;
	v59 =	vld.idx.msk [tilespmem:v11+s17+$0x0], $0xffff  }
0x12b: {  	v42 =	vadd.s32 v9, v26;
	v12 =	vmul.f32 v52, v22;
	v52 =	vmul.f32 v30, v54;
	v62 =	vld.idx.msk [tilespmem:v11+s16+$0x0], $0xffff  }
0x12c: {  	v40 =	vadd.s32 v8, v26;
	v11 =	vmul.f32 v20, v22;
	v15 =	vmul.f32 v29, v17;
	v29 =	vld.idx.msk [tilespmem:v61+s16+$0x0], $0xffff  }
0x12d: {  	v30 =	vld.idx.msk [tilespmem:v47+s25+$0x0], $0xffff;
	v13 =	vmul.f32 v31, v17;
	v20 =	vimm.f32 $0.0e+00;
	v31 =	vmul.f32 v55, v54  }
0x12e: {  	v22 =	vadd.s32 v10, v19;
	v55 =	vmul.f32 v25, v24;
	v25 =	vadd.s32 v5, v19;
	v34 =	vld.idx.msk [tilespmem:v28+s25+$0x0], $0xffff  }
0x12f: {  	v61 =	vadd.s32 v4, v26;
	v17 =	vmul.f32 v58, v43;
	v58 =	vld.idx.msk [tilespmem:v63+s17+$0x0], $0xffff;
	v60 =	vadd.f32 v57, v20  }
0x130: {  	v24 =	vadd.f32 v31, v20;
	v28 =	vadd.f32 v55, v20;
	v31 =	vmul.f32 v59, v33;
	v59 =	vld.idx.msk [tilespmem:v50+s16+$0x0], $0xffff  }
0x131: {  	v39 =	vld.idx.msk [tilespmem:v42+s16+$0x0], $0xffff;
	v33 =	vmul.f32 v62, v33;
	v62 =	vadd.f32 v23, v20;
	v63 =	vmul.f32 v29, v48  }
0x132: {  	v41 =	vadd.f32 v49, v20;
	v23 =	vmul.f32 v38, v43;
	v43 =	vld.idx.msk [tilespmem:v27+s17+$0x0], $0xffff;
	v27 =	vadd.f32 v52, v20  }
0x133: {  	v38 =	vld.idx.msk [tilespmem:v36+s16+$0x0], $0xffff;
	v29 =	vmul.f32 v56, v30;
	v37 =	vadd.f32 v31, v62;
	v31 =	vadd.f32 v63, v28  }
0x134: {  	v36 =	vld.idx.msk [tilespmem:v61+s25+$0x0], $0xffff;
	v32 =	vmul.f32 v58, v30;
	v30 =	vadd.s32 v8, v19;
	v19 =	vimm.f32 $0.0e+00  }
0x135: {  	s7 =	simm.s32 $0x4;
	v35 =	vadd.f32 v33, v60;
	v33 =	vld.idx.msk [tilespmem:v50+s17+$0x0], $0xffff;
	v31 =	vadd.f32 v51, v31;
	v28 =	vmul.f32 v59, v14  }
.LBB2_5:
0x136: {  	s8 =	sadd.s32 $0x2, s7  }
0x137: {  	v26 =	vadd.s32 s7, v0;
	v46 =	vadd.s32 s7, v3;
	s9 =	sadd.s32 $0x3, s7;
	v18 =	vmul.f32 v18, v34;
	v42 =	vld.idx.msk [tilespmem:v42+s17+$0x0], $0xffff;
	s10 =	smov.u32 s7;
	s6 =	sadd.s32 $0x4, s7  }
0x138: {  	p1 =	slt.u32 s7, $0x3C;
	v48 =	vmul.f32 v38, v34;
	vm0 =	vgt.u32 v26, $0x3F;
	v47 =	vadd.s32 s8, v0;
	v49 =	vld.idx.msk [tilespmem:v40+s17+$0x0], $0xffff  }
0x139: {  	v46 =	vsel vm0, v46, v26;
	vm0 =	vgt.u32 v47, $0x3F;
	v18 =	vadd.f32 v18, v24;
	v24 =	vld.idx.msk [tilespmem:v45+s25+$0x0], $0xffff  }
0x13a: {  	v26 =	vadd.s32 s8, v3;
	v21 =	vmul.f32 v43, v21;
	v38 =	vadd.s32 v1, v46;
	v45 =	vld.idx.msk [tilespmem:v22+s16+$0x0], $0xffff  }
0x13b: {  	v20 =	vadd.f32 v28, v20;
	v34 =	vadd.s32 v10, v46;
	v26 =	vsel vm0, v26, v47;
	v22 =	vld.idx.msk [tilespmem:v22+s17+$0x0], $0xffff  }
0x13c: {  	v28 =	vadd.s32 s9, v3;
	v41 =	vadd.f32 v44, v41;
	v43 =	vadd.s32 v1, v26;
	v25 =	vld.idx.msk [tilespmem:v25+s25+$0x0], $0xffff  }
0x13d: {  	v44 =	vadd.s32 v4, v46;
	v47 =	vadd.s32 s9, v0;
	v42 =	vmul.f32 v42, v36;
	v50 =	vld.idx.msk [tilespmem:v30+s17+$0x0], $0xffff  }
0x13e: {  	v14 =	vmul.f32 v33, v14;
	v51 =	vadd.s32 v9, v46;
	vm0 =	vgt.u32 v47, $0x3F;
	v52 =	vld.idx.msk [tilespmem:v30+s16+$0x0], $0xffff  }
0x13f: {  	v28 =	vsel vm0, v28, v47;
	v30 =	vadd.s32 v9, v26;
	v47 =	vmul.f32 v49, v24;
	v38 =	vld.idx.msk [tilespmem:v38+s25+$0x0], $0xffff  }
0x140: {  	v53 =	vadd.s32 v6, v28;
	v49 =	vadd.s32 v5, v46;
	v45 =	vmul.f32 v45, v16;
	v40 =	vld.idx.msk [tilespmem:v40+s16+$0x0], $0xffff  }
0x141: {  	v33 =	vadd.s32 v8, v46;
	v15 =	vadd.f32 v15, v18;
	v54 =	vadd.s32 v7, v28;
	v43 =	vld.idx.msk [tilespmem:v43+s25+$0x0], $0xffff  }
0x142: {  	s7 =	sadd.s32 $0x1, s10;
	v18 =	vadd.s32 v6, v26;
	v55 =	vadd.s32 v7, v26;
	v16 =	vmul.f32 v22, v16;
	v44 =	vld.idx.msk [tilespmem:v44+s25+$0x0], $0xffff  }
0x143: {  	v58 =	vadd.s32 s7, v0;
	v57 =	vadd.s32 v6, v46;
	v50 =	vmul.f32 v50, v25;
	v56 =	vld.idx.msk [tilespmem:v51+s16+$0x0], $0xffff  }
0x144: {  	v27 =	vadd.f32 v48, v27;
	vm0 =	vgt.u32 v58, $0x3F;
	v46 =	vadd.s32 v7, v46;
	v51 =	vld.idx.msk [tilespmem:v51+s17+$0x0], $0xffff  }
0x145: {  	v48 =	vadd.s32 s7, v3;
	v22 =	vadd.s32 v10, v26;
	v35 =	vadd.f32 v45, v35;
	v53 =	vld.idx.msk [tilespmem:v53+s25+$0x0], $0xffff  }
0x146: {  	v14 =	vadd.f32 v14, v19;
	v13 =	vadd.f32 v13, v27;
	v19 =	vmul.f32 v39, v36;
	v45 =	vld.idx.msk [tilespmem:v30+s16+$0x0], $0xffff  }
0x147: {  	v36 =	vadd.f32 v11, v15;
	v16 =	vadd.f32 v16, v37;
	v24 =	vmul.f32 v40, v24;
	v27 =	vld.idx.msk [tilespmem:v54+s17+$0x0], $0xffff  }
0x148: {  	v21 =	vadd.f32 v21, v41;
	v15 =	vadd.s32 v4, v26;
	v39 =	vadd.f32 v12, v13;
	v37 =	vld.idx.msk [tilespmem:v55+s17+$0x0], $0xffff  }
0x149: {  	v11 =	vadd.f32 v17, v14;
	v31 =	vadd.f32 v19, v31;
	v13 =	vmul.f32 v52, v25;
	v12 =	vld.idx.msk [tilespmem:v55+s16+$0x0], $0xffff  }
0x14a: {  	v41 =	vmul.f32 v51, v44;
	v17 =	vld.idx.msk [tilespmem:v18+s25+$0x0], $0xffff;
	v18 =	vadd.f32 v23, v20;
	v23 =	vadd.f32 v32, v16  }
0x14b: {  	v29 =	vadd.f32 v29, v35;
	v32 =	vsel vm0, v48, v58;
	v16 =	vadd.f32 v50, v11;
	v14 =	vld.idx.msk [tilespmem:v49+s25+$0x0], $0xffff  }
0x14c: {  	v35 =	vadd.s32 v8, v32;
	v40 =	vadd.s32 v7, v32;
	v48 =	vld.idx.msk [tilespmem:v54+s16+$0x0], $0xffff;
	v13 =	vadd.f32 v13, v18  }
0x14d: {  	v11 =	vmul.f32 v27, v53;
	v27 =	vadd.f32 v42, v21;
	v19 =	vadd.f32 v47, v16;
	v49 =	vld.idx.msk [tilespmem:v57+s25+$0x0], $0xffff  }
0x14e: {  	v25 =	vadd.s32 v5, v26;
	v47 =	vadd.s32 v10, v32;
	v42 =	vld.idx.msk [tilespmem:v46+s17+$0x0], $0xffff;
	v20 =	vadd.f32 v24, v13  }
0x14f: {  	v24 =	vadd.s32 v5, v32;
	v16 =	vmov v43;
	v21 =	vld.idx.msk [tilespmem:v15+s25+$0x0], $0xffff  }
0x150: {  	v13 =	vmul.f32 v12, v17;
	v15 =	vmul.f32 v37, v17;
	v43 =	vld.idx.msk [tilespmem:v46+s16+$0x0], $0xffff;
	v46 =	vadd.s32 v1, v32  }
0x151: {  	v18 =	vld.idx.msk [tilespmem:v40+s17+$0x0], $0xffff  }
0x152: {  	v12 =	vmul.f32 v48, v53;
	v17 =	vld.idx.msk [tilespmem:v35+s17+$0x0], $0xffff  }
0x153: {  	v48 =	vadd.s32 v4, v32;
	v37 =	vld.idx.msk [tilespmem:v47+s17+$0x0], $0xffff  }
0x154: {  	v42 =	vmul.f32 v42, v49;
	v50 =	vld.idx.msk [tilespmem:v24+s25+$0x0], $0xffff  }
0x155: {  	v51 =	vadd.s32 v9, v32;
	v52 =	vmul.f32 v45, v21;
	v46 =	vld.idx.msk [tilespmem:v46+s25+$0x0], $0xffff  }
0x156: {  	v49 =	vmul.f32 v43, v49;
	v24 =	vadd.f32 v42, v36;
	v36 =	vld.idx.msk [tilespmem:v47+s16+$0x0], $0xffff  }
0x157: {  	v43 =	vadd.s32 v1, v28;
	v42 =	vld.idx.msk [tilespmem:v34+s16+$0x0], $0xffff  }
0x158: {  	v45 =	vadd.s32 v10, v28;
	v47 =	vld.idx.msk [tilespmem:v48+s25+$0x0], $0xffff  }
0x159: {  	v34 =	vld.idx.msk [tilespmem:v34+s17+$0x0], $0xffff  }
0x15a: {  	v44 =	vmul.f32 v56, v44;
	v17 =	vmul.f32 v17, v50;
	v48 =	vld.idx.msk [tilespmem:v51+s16+$0x0], $0xffff  }
0x15b: {  	v37 =	vmul.f32 v37, v46;
	v53 =	vld.idx.msk [tilespmem:v35+s16+$0x0], $0xffff  }
0x15c: {  	v32 =	vadd.s32 v6, v32;
	v35 =	vmul.f32 v36, v46;
	v36 =	vld.idx.msk [tilespmem:v43+s25+$0x0], $0xffff  }
0x15d: {  	v42 =	vmul.f32 v42, v38;
	v43 =	vld.idx.msk [tilespmem:v45+s16+$0x0], $0xffff  }
0x15e: {  	v45 =	vld.idx.msk [tilespmem:v45+s17+$0x0], $0xffff  }
0x15f: {  	v29 =	vadd.f32 v42, v29;
	v34 =	vmul.f32 v34, v38;
	v46 =	vld.idx.msk [tilespmem:v33+s16+$0x0], $0xffff  }
0x160: {  	v54 =	vadd.s32 v4, v28;
	v42 =	vadd.s32 v9, v28;
	v48 =	vmul.f32 v48, v47;
	v51 =	vld.idx.msk [tilespmem:v51+s17+$0x0], $0xffff  }
0x161: {  	v55 =	vadd.f32 v34, v23;
	v35 =	vadd.f32 v35, v29;
	v23 =	vmul.f32 v53, v50;
	v34 =	vld.idx.msk [tilespmem:v32+s25+$0x0], $0xffff  }
.Ltmp1:
0x162: {  	v31 =	vadd.f32 v44, v31;
	v38 =	vld.idx.msk [tilespmem:v40+s16+$0x0], $0xffff;
	(pc) =	sbr.rel @p1 .LBB2_5-.Ltmp1, $4  }
0x163: {  	v37 =	vadd.f32 v37, v55;
	v29 =	vmul.f32 v43, v36;
	v40 =	vadd.s32 v8, v28;
	v33 =	vld.idx.msk [tilespmem:v33+s17+$0x0], $0xffff  }
0x164: {  	v31 =	vadd.f32 v48, v31;
	v32 =	vmul.f32 v45, v36;
	v45 =	vadd.s32 v5, v28;
	v43 =	vld.idx.msk [tilespmem:v30+s17+$0x0], $0xffff  }
0x165: {  	v41 =	vadd.f32 v41, v27;
	v28 =	vmul.f32 v46, v14;
	v30 =	vadd.s32 v8, v26;
	v36 =	vld.idx.msk [tilespmem:v54+s25+$0x0], $0xffff  }
0x166: {  	s7 =	smov.u32 s6;
	v27 =	vadd.f32 v49, v39;
	v31 =	vadd.f32 v52, v31;
	v44 =	vmul.f32 v51, v47;
	v39 =	vld.idx.msk [tilespmem:v42+s16+$0x0], $0xffff  }
0x167: {  	_ =	sdelay $0x3  }
0x168: {  	v26 =	vld.idx.msk [tilespmem:v22+s16+$0x0], $0xffff  }
0x169: {  	v22 =	vld.idx.msk [tilespmem:v22+s17+$0x0], $0xffff;
	_ =	sdelay $0x1  }
0x16a: {  	v10 =	vshrl.u32 v10, $0x6;
	_ =	sdelay $0x1  }
0x16b: {  	v26 =	vmul.f32 v26, v16  }
0x16c: {  	v16 =	vmul.f32 v22, v16  }
0x16d: {  	v22 =	vadd.f32 v26, v35  }
0x16e: {  	v16 =	vadd.f32 v16, v37;
	v26 =	vld.idx.msk [tilespmem:v10+s18+$0x0], $0xffff  }
0x16f: {  	v22 =	vadd.f32 v29, v22  }
0x170: {  	v16 =	vadd.f32 v32, v16  }
0x171: {  	v22 =	vmul.f32 $1.428571410e+01, v22  }
0x172: {  	v16 =	vmul.f32 $1.428571410e+01, v16  }
0x173: {  	v22 =	vsub.f32 v22, v26  }
0x174: {  	v16 =	vsub.f32 v16, v26  }
0x175: {  	v22 =	vmul.f32 $1.442695020e+00, v22  }
0x176: {  	v16 =	vmul.f32 $1.442695020e+00, v16  }
0x177: {  	(erf) = vpow2.f32 v22  }
0x178: {  	(erf) = vpow2.f32 v16;
	_ =	sdelay $0x1  }
0x179: {  	v25 =	vld.idx.msk [tilespmem:v25+s25+$0x0], $0xffff  }
0x17a: {  	v29 =	vld.idx.msk [tilespmem:v30+s17+$0x0], $0xffff  }
0x17b: {  	v30 =	vld.idx.msk [tilespmem:v30+s16+$0x0], $0xffff  }
0x17c: {  	v26 =	vld.idx.msk [tilespmem:v45+s25+$0x0], $0xffff  }
0x17d: {  	v9 =	vshrl.u32 v9, $0x6;
	v16 =	vld.idx.msk [tilespmem:v42+s17+$0x0], $0xffff  }
0x17e: {  	v45 =	vld.idx.msk [tilespmem:v40+s16+$0x0], $0xffff  }
0x17f: {  	v22 =	vld.idx.msk [tilespmem:v40+s17+$0x0], $0xffff;
	v46 =	vpop (erf)  }
0x180: {  	v47 =	vadd.f32 v44, v41;
	v21 =	vmul.f32 v43, v21;
	v48 =	vpop (erf);
	[tilespmem:v10+s31+$0x0] =	vst.idx.add.f32.msk $0xffff, v46  }
0x181: {  	v49 =	vmul.f32 v39, v36;
	[tilespmem:v10+s1+$0x0] =	vst.idx.add.f32.msk $0xffff, v48  }
0x182: {  	v10 =	vmul.f32 v16, v36;
	v16 =	vadd.f32 v21, v47;
	v21 =	vld.idx.msk [tilespmem:v9+s18+$0x0], $0xffff  }
0x183: {  	v31 =	vadd.f32 v49, v31  }
0x184: {  	v10 =	vadd.f32 v10, v16  }
0x185: {  	v16 =	vmul.f32 $1.428571410e+01, v31  }
0x186: {  	v10 =	vmul.f32 $1.428571410e+01, v10  }
0x187: {  	v16 =	vsub.f32 v16, v21  }
0x188: {  	v10 =	vsub.f32 v10, v21  }
0x189: {  	v16 =	vmul.f32 $1.442695020e+00, v16  }
0x18a: {  	v10 =	vmul.f32 $1.442695020e+00, v10  }
0x18b: {  	(erf) = vpow2.f32 v16  }
0x18c: {  	(erf) = vpow2.f32 v10;
	_ =	sdelay $0x4  }
0x18d: {  	v10 =	vmul.f32 v33, v14  }
0x18e: {  	v8 =	vshrl.u32 v8, $0x6;
	v14 =	vadd.f32 v28, v20  }
0x18f: {  	v10 =	vadd.f32 v10, v19  }
0x190: {  	v16 =	vmul.f32 v30, v25;
	v14 =	vadd.f32 v23, v14;
	v19 =	vpop (erf)  }
0x191: {  	v20 =	vmul.f32 v29, v25;
	v10 =	vadd.f32 v17, v10;
	v17 =	vpop (erf);
	[tilespmem:v9+s31+$0x0] =	vst.idx.add.f32.msk $0xffff, v19  }
0x192: {  	v14 =	vadd.f32 v16, v14;
	v19 =	vmul.f32 v45, v26;
	[tilespmem:v9+s1+$0x0] =	vst.idx.add.f32.msk $0xffff, v17  }
0x193: {  	v10 =	vadd.f32 v20, v10;
	v9 =	vmul.f32 v22, v26;
	v16 =	vld.idx.msk [tilespmem:v8+s18+$0x0], $0xffff  }
0x194: {  	v14 =	vadd.f32 v19, v14  }
0x195: {  	v9 =	vadd.f32 v9, v10  }
0x196: {  	v10 =	vmul.f32 $1.428571410e+01, v14  }
0x197: {  	v9 =	vmul.f32 $1.428571410e+01, v9  }
0x198: {  	v10 =	vsub.f32 v10, v16  }
0x199: {  	v9 =	vsub.f32 v9, v16  }
0x19a: {  	v10 =	vmul.f32 $1.442695020e+00, v10  }
0x19b: {  	v9 =	vmul.f32 $1.442695020e+00, v9  }
0x19c: {  	(erf) = vpow2.f32 v10  }
0x19d: {  	(erf) = vpow2.f32 v9;
	_ =	sdelay $0x5  }
0x19e: {  	v7 =	vshrl.u32 v7, $0x6;
	v9 =	vmul.f32 v38, v34  }
0x19f: {  	v10 =	vmul.f32 v18, v34  }
0x1a0: {  	v9 =	vadd.f32 v9, v27;
	v14 =	vpop (erf)  }
0x1a1: {  	v10 =	vadd.f32 v10, v24;
	v16 =	vpop (erf);
	[tilespmem:v8+s31+$0x0] =	vst.idx.add.f32.msk $0xffff, v14  }
0x1a2: {  	v9 =	vadd.f32 v13, v9;
	[tilespmem:v8+s1+$0x0] =	vst.idx.add.f32.msk $0xffff, v16  }
0x1a3: {  	v8 =	vadd.f32 v15, v10;
	v10 =	vld.idx.msk [tilespmem:v7+s18+$0x0], $0xffff  }
0x1a4: {  	v9 =	vadd.f32 v12, v9  }
0x1a5: {  	v8 =	vadd.f32 v11, v8  }
0x1a6: {  	v9 =	vmul.f32 $1.428571410e+01, v9  }
0x1a7: {  	v8 =	vmul.f32 $1.428571410e+01, v8  }
0x1a8: {  	v9 =	vsub.f32 v9, v10  }
0x1a9: {  	v8 =	vsub.f32 v8, v10  }
0x1aa: {  	v9 =	vmul.f32 $1.442695020e+00, v9  }
0x1ab: {  	v8 =	vmul.f32 $1.442695020e+00, v8  }
0x1ac: {  	(erf) = vpow2.f32 v9  }
0x1ad: {  	(erf) = vpow2.f32 v8;
	_ =	sdelay $0x7  }
0x1ae: {  	v8 =	vpop (erf)  }
0x1af: {  	s10 =	simm.s32 $0x1;
	v9 =	vpop (erf);
	[tilespmem:v7+s31+$0x0] =	vst.idx.add.f32.msk $0xffff, v8  }
0x1b0: {  	s6 =	sadd.s32 @!p0 $0x140, s5;
	s7 =	simm.s32 @!p0 $0x40;
	s8 =	simm.s32 @!p0 $0x19508;
	v21 =	vadd.s32 s10, v0;
	[tilespmem:v7+s1+$0x0] =	vst.idx.add.f32.msk $0xffff, v9  }
0x1b1: {  	v50 =	vadd.s32 s10, v3;
	vm15 =	vgt.u32 v21, $0x3F;
	[tilespmem:s8], [sflag:$0x2] =	stream.indirect.gather @!p0 [hbm4b:s3+s7], $0x40, s6, s7, $0xb8;
	[tilespmem:$0x1C508] =	vst v63  }
0x1b2: {  	v32 =	vsel vm15, v50, v21;
	s7 =	simm.s32 $0x0;
	_ =	swait.ge [sflag:s15], $0x1000  }
0x1b3: {  	v56 =	vadd.s32 v1, v32;
	v60 =	vadd.s32 v4, v32;
	s8 =	simm.s32 $0x2;
	v7 =	vadd.s32 s7, v0;
	[sflag:s15] =	ssyncset.done $0x0  }
0x1b4: {  	v8 =	vadd.s32 s7, v3;
	v10 =	vadd.s32 s8, v0;
	vm0 =	vgt.u32 v7, $0x3F;
	[sflag:s15] =	ssyncadd.s32 $0xFFFFF000  }
0x1b5: {  	vm13 =	vgt.u32 v10, $0x3F;
	v12 =	vsel vm0, v8, v7;
	v7 =	vadd.s32 s8, v3;
	v9 =	vld [tilespmem:s4+$0x8090]  }
0x1b6: {  	v11 =	vadd.s32 v1, v12;
	v19 =	vsel vm13, v7, v10;
	v7 =	vld [tilespmem:s4+$0x80B0]  }
0x1b7: {  	v14 =	vadd.s32 v4, v12;
	v10 =	vld [tilespmem:s4+$0x8080]  }
0x1b8: {  	v8 =	vld [tilespmem:s4+$0x80A0];
	v18 =	vadd.s32 v6, v12  }
0x1b9: {  	s9 =	simm.s32 $0x3;
	v33 =	vld.idx.msk [tilespmem:v56+s28+$0x0], $0xffff;
	v13 =	vadd.s32 v1, v19  }
0x1ba: {  	v15 =	vadd.s32 s9, v0;
	v48 =	vld.idx.msk [tilespmem:v60+s28+$0x0], $0xffff;
	v51 =	vadd.s32 v4, v19  }
0x1bb: {  	v16 =	vadd.s32 s9, v3;
	vm14 =	vgt.u32 v15, $0x3F;
	v17 =	vadd.s32 v9, v12;
	v23 =	vld.idx.msk [tilespmem:v11+s28+$0x0], $0xffff  }
0x1bc: {  	v26 =	vsel vm14, v16, v15;
	v24 =	vld.idx.msk [tilespmem:v14+s28+$0x0], $0xffff  }
0x1bd: {  	v11 =	vadd.s32 v6, v26;
	v54 =	vld.idx.msk [tilespmem:v18+s28+$0x0], $0xffff  }
0x1be: {  	v27 =	vadd.s32 v9, v19;
	v16 =	vld.idx.msk [tilespmem:v13+s28+$0x0], $0xffff  }
0x1bf: {  	v14 =	vadd.s32 v7, v19;
	v21 =	vld.idx.msk [tilespmem:v51+s28+$0x0], $0xffff  }
0x1c0: {  	v25 =	vld.idx.msk [tilespmem:v17+s16+$0x0], $0xffff  }
0x1c1: {  	v30 =	vadd.s32 v7, v12;
	v15 =	vld.idx.msk [tilespmem:v17+s17+$0x0], $0xffff  }
0x1c2: {  	v22 =	vld.idx.msk [tilespmem:v11+s28+$0x0], $0xffff  }
0x1c3: {  	v36 =	vadd.s32 v7, v32;
	v28 =	vld.idx.msk [tilespmem:v27+s16+$0x0], $0xffff  }
0x1c4: {  	v53 =	vadd.s32 v8, v32;
	v29 =	vld.idx.msk [tilespmem:v14+s17+$0x0], $0xffff  }
0x1c5: {  	v57 =	vadd.s32 v10, v12;
	v31 =	vld.idx.msk [tilespmem:v14+s16+$0x0], $0xffff  }
0x1c6: {  	v55 =	vld.idx.msk [tilespmem:v30+s17+$0x0], $0xffff  }
0x1c7: {  	v61 =	vadd.s32 v9, v32;
	v30 =	vld.idx.msk [tilespmem:v30+s16+$0x0], $0xffff  }
0x1c8: {  	v13 =	vadd.s32 v7, v26;
	v18 =	vld.idx.msk [tilespmem:v36+s17+$0x0], $0xffff  }
0x1c9: {  	v58 =	vld.idx.msk [tilespmem:v53+s17+$0x0], $0xffff  }
0x1ca: {  	v11 =	vadd.s32 v5, v12;
	v46 =	vld.idx.msk [tilespmem:v57+s16+$0x0], $0xffff  }
0x1cb: {  	v39 =	vld.idx.msk [tilespmem:v57+s17+$0x0], $0xffff  }
0x1cc: {  	v17 =	vadd.s32 v6, v19;
	v44 =	vld.idx.msk [tilespmem:v61+s17+$0x0], $0xffff  }
0x1cd: {  	v63 =	vadd.s32 v10, v26;
	v20 =	vld.idx.msk [tilespmem:v13+s17+$0x0], $0xffff  }
0x1ce: {  	v52 =	vld.idx.msk [tilespmem:v13+s16+$0x0], $0xffff;
	v13 =	vadd.s32 v5, v32  }
0x1cf: {  	v14 =	vld.idx.msk [tilespmem:v11+s28+$0x0], $0xffff;
	v11 =	vadd.s32 v10, v32  }
0x1d0: {  	v38 =	vld.idx.msk [tilespmem:v53+s16+$0x0], $0xffff  }
0x1d1: {  	v17 =	vld.idx.msk [tilespmem:v17+s28+$0x0], $0xffff  }
0x1d2: {  	v47 =	vadd.s32 v1, v26;
	v45 =	vadd.s32 v5, v26;
	v56 =	vld.idx.msk [tilespmem:v63+s16+$0x0], $0xffff;
	v49 =	vmul.f32 v15, v24  }
0x1d3: {  	v51 =	vmul.f32 v28, v21;
	v28 =	vadd.s32 v6, v32;
	v57 =	vmul.f32 v46, v23;
	v43 =	vld.idx.msk [tilespmem:v13+s28+$0x0], $0xffff  }
0x1d4: {  	v50 =	vadd.s32 v8, v12;
	v23 =	vmul.f32 v39, v23;
	v44 =	vmul.f32 v44, v48;
	v59 =	vld.idx.msk [tilespmem:v11+s17+$0x0], $0xffff  }
0x1d5: {  	v42 =	vadd.s32 v9, v26;
	v12 =	vmul.f32 v52, v22;
	v52 =	vmul.f32 v30, v54;
	v62 =	vld.idx.msk [tilespmem:v11+s16+$0x0], $0xffff  }
0x1d6: {  	v40 =	vadd.s32 v8, v26;
	v11 =	vmul.f32 v20, v22;
	v15 =	vmul.f32 v29, v17;
	v29 =	vld.idx.msk [tilespmem:v61+s16+$0x0], $0xffff  }
0x1d7: {  	v30 =	vld.idx.msk [tilespmem:v47+s28+$0x0], $0xffff;
	v13 =	vmul.f32 v31, v17;
	v20 =	vimm.f32 $0.0e+00;
	v31 =	vmul.f32 v55, v54  }
0x1d8: {  	v22 =	vadd.s32 v10, v19;
	v55 =	vmul.f32 v25, v24;
	v25 =	vadd.s32 v5, v19;
	v34 =	vld.idx.msk [tilespmem:v28+s28+$0x0], $0xffff  }
0x1d9: {  	v61 =	vadd.s32 v4, v26;
	v17 =	vmul.f32 v58, v43;
	v58 =	vld.idx.msk [tilespmem:v63+s17+$0x0], $0xffff;
	v60 =	vadd.f32 v57, v20  }
0x1da: {  	v24 =	vadd.f32 v31, v20;
	v28 =	vadd.f32 v55, v20;
	v31 =	vmul.f32 v59, v33;
	v59 =	vld.idx.msk [tilespmem:v50+s16+$0x0], $0xffff  }
0x1db: {  	v39 =	vld.idx.msk [tilespmem:v42+s16+$0x0], $0xffff;
	v33 =	vmul.f32 v62, v33;
	v62 =	vadd.f32 v23, v20;
	v63 =	vmul.f32 v29, v48  }
0x1dc: {  	v41 =	vadd.f32 v49, v20;
	v23 =	vmul.f32 v38, v43;
	v43 =	vld.idx.msk [tilespmem:v27+s17+$0x0], $0xffff;
	v27 =	vadd.f32 v52, v20  }
0x1dd: {  	v38 =	vld.idx.msk [tilespmem:v36+s16+$0x0], $0xffff;
	v29 =	vmul.f32 v56, v30;
	v37 =	vadd.f32 v31, v62;
	v31 =	vadd.f32 v63, v28  }
0x1de: {  	v36 =	vld.idx.msk [tilespmem:v61+s28+$0x0], $0xffff;
	v32 =	vmul.f32 v58, v30;
	v30 =	vadd.s32 v8, v19;
	v19 =	vimm.f32 $0.0e+00  }
0x1df: {  	s6 =	simm.s32 $0x4;
	v35 =	vadd.f32 v33, v60;
	v33 =	vld.idx.msk [tilespmem:v50+s17+$0x0], $0xffff;
	v31 =	vadd.f32 v51, v31;
	v28 =	vmul.f32 v59, v14  }
.LBB2_7:
0x1e0: {  	s7 =	sadd.s32 $0x2, s6  }
0x1e1: {  	v26 =	vadd.s32 s6, v0;
	v46 =	vadd.s32 s6, v3;
	s8 =	sadd.s32 $0x3, s6;
	v18 =	vmul.f32 v18, v34;
	v42 =	vld.idx.msk [tilespmem:v42+s17+$0x0], $0xffff;
	s9 =	smov.u32 s6;
	s4 =	sadd.s32 $0x4, s6  }
0x1e2: {  	p1 =	slt.u32 s6, $0x3C;
	v48 =	vmul.f32 v38, v34;
	vm0 =	vgt.u32 v26, $0x3F;
	v47 =	vadd.s32 s7, v0;
	v49 =	vld.idx.msk [tilespmem:v40+s17+$0x0], $0xffff  }
0x1e3: {  	v46 =	vsel vm0, v46, v26;
	vm0 =	vgt.u32 v47, $0x3F;
	v18 =	vadd.f32 v18, v24;
	v24 =	vld.idx.msk [tilespmem:v45+s28+$0x0], $0xffff  }
0x1e4: {  	v26 =	vadd.s32 s7, v3;
	v21 =	vmul.f32 v43, v21;
	v38 =	vadd.s32 v1, v46;
	v45 =	vld.idx.msk [tilespmem:v22+s16+$0x0], $0xffff  }
0x1e5: {  	v20 =	vadd.f32 v28, v20;
	v34 =	vadd.s32 v10, v46;
	v26 =	vsel vm0, v26, v47;
	v22 =	vld.idx.msk [tilespmem:v22+s17+$0x0], $0xffff  }
0x1e6: {  	v28 =	vadd.s32 s8, v3;
	v41 =	vadd.f32 v44, v41;
	v43 =	vadd.s32 v1, v26;
	v25 =	vld.idx.msk [tilespmem:v25+s28+$0x0], $0xffff  }
0x1e7: {  	v44 =	vadd.s32 v4, v46;
	v47 =	vadd.s32 s8, v0;
	v42 =	vmul.f32 v42, v36;
	v50 =	vld.idx.msk [tilespmem:v30+s17+$0x0], $0xffff  }
0x1e8: {  	v14 =	vmul.f32 v33, v14;
	v51 =	vadd.s32 v9, v46;
	vm0 =	vgt.u32 v47, $0x3F;
	v52 =	vld.idx.msk [tilespmem:v30+s16+$0x0], $0xffff  }
0x1e9: {  	v28 =	vsel vm0, v28, v47;
	v30 =	vadd.s32 v9, v26;
	v47 =	vmul.f32 v49, v24;
	v38 =	vld.idx.msk [tilespmem:v38+s28+$0x0], $0xffff  }
0x1ea: {  	v53 =	vadd.s32 v6, v28;
	v49 =	vadd.s32 v5, v46;
	v45 =	vmul.f32 v45, v16;
	v40 =	vld.idx.msk [tilespmem:v40+s16+$0x0], $0xffff  }
0x1eb: {  	v33 =	vadd.s32 v8, v46;
	v15 =	vadd.f32 v15, v18;
	v54 =	vadd.s32 v7, v28;
	v43 =	vld.idx.msk [tilespmem:v43+s28+$0x0], $0xffff  }
0x1ec: {  	s6 =	sadd.s32 $0x1, s9;
	v18 =	vadd.s32 v6, v26;
	v55 =	vadd.s32 v7, v26;
	v16 =	vmul.f32 v22, v16;
	v44 =	vld.idx.msk [tilespmem:v44+s28+$0x0], $0xffff  }
0x1ed: {  	v58 =	vadd.s32 s6, v0;
	v57 =	vadd.s32 v6, v46;
	v50 =	vmul.f32 v50, v25;
	v56 =	vld.idx.msk [tilespmem:v51+s16+$0x0], $0xffff  }
0x1ee: {  	v27 =	vadd.f32 v48, v27;
	vm0 =	vgt.u32 v58, $0x3F;
	v46 =	vadd.s32 v7, v46;
	v51 =	vld.idx.msk [tilespmem:v51+s17+$0x0], $0xffff  }
0x1ef: {  	v48 =	vadd.s32 s6, v3;
	v22 =	vadd.s32 v10, v26;
	v35 =	vadd.f32 v45, v35;
	v53 =	vld.idx.msk [tilespmem:v53+s28+$0x0], $0xffff  }
0x1f0: {  	v14 =	vadd.f32 v14, v19;
	v13 =	vadd.f32 v13, v27;
	v19 =	vmul.f32 v39, v36;
	v45 =	vld.idx.msk [tilespmem:v30+s16+$0x0], $0xffff  }
0x1f1: {  	v36 =	vadd.f32 v11, v15;
	v16 =	vadd.f32 v16, v37;
	v24 =	vmul.f32 v40, v24;
	v27 =	vld.idx.msk [tilespmem:v54+s17+$0x0], $0xffff  }
0x1f2: {  	v21 =	vadd.f32 v21, v41;
	v15 =	vadd.s32 v4, v26;
	v39 =	vadd.f32 v12, v13;
	v37 =	vld.idx.msk [tilespmem:v55+s17+$0x0], $0xffff  }
0x1f3: {  	v11 =	vadd.f32 v17, v14;
	v31 =	vadd.f32 v19, v31;
	v13 =	vmul.f32 v52, v25;
	v12 =	vld.idx.msk [tilespmem:v55+s16+$0x0], $0xffff  }
0x1f4: {  	v41 =	vmul.f32 v51, v44;
	v17 =	vld.idx.msk [tilespmem:v18+s28+$0x0], $0xffff;
	v18 =	vadd.f32 v23, v20;
	v23 =	vadd.f32 v32, v16  }
0x1f5: {  	v29 =	vadd.f32 v29, v35;
	v32 =	vsel vm0, v48, v58;
	v16 =	vadd.f32 v50, v11;
	v14 =	vld.idx.msk [tilespmem:v49+s28+$0x0], $0xffff  }
0x1f6: {  	v35 =	vadd.s32 v8, v32;
	v40 =	vadd.s32 v7, v32;
	v48 =	vld.idx.msk [tilespmem:v54+s16+$0x0], $0xffff;
	v13 =	vadd.f32 v13, v18  }
0x1f7: {  	v11 =	vmul.f32 v27, v53;
	v27 =	vadd.f32 v42, v21;
	v19 =	vadd.f32 v47, v16;
	v49 =	vld.idx.msk [tilespmem:v57+s28+$0x0], $0xffff  }
0x1f8: {  	v25 =	vadd.s32 v5, v26;
	v47 =	vadd.s32 v10, v32;
	v42 =	vld.idx.msk [tilespmem:v46+s17+$0x0], $0xffff;
	v20 =	vadd.f32 v24, v13  }
0x1f9: {  	v24 =	vadd.s32 v5, v32;
	v16 =	vmov v43;
	v21 =	vld.idx.msk [tilespmem:v15+s28+$0x0], $0xffff  }
0x1fa: {  	v13 =	vmul.f32 v12, v17;
	v15 =	vmul.f32 v37, v17;
	v43 =	vld.idx.msk [tilespmem:v46+s16+$0x0], $0xffff;
	v46 =	vadd.s32 v1, v32  }
0x1fb: {  	v18 =	vld.idx.msk [tilespmem:v40+s17+$0x0], $0xffff  }
0x1fc: {  	v12 =	vmul.f32 v48, v53;
	v17 =	vld.idx.msk [tilespmem:v35+s17+$0x0], $0xffff  }
0x1fd: {  	v48 =	vadd.s32 v4, v32;
	v37 =	vld.idx.msk [tilespmem:v47+s17+$0x0], $0xffff  }
0x1fe: {  	v42 =	vmul.f32 v42, v49;
	v50 =	vld.idx.msk [tilespmem:v24+s28+$0x0], $0xffff  }
0x1ff: {  	v51 =	vadd.s32 v9, v32;
	v52 =	vmul.f32 v45, v21;
	v46 =	vld.idx.msk [tilespmem:v46+s28+$0x0], $0xffff  }
0x200: {  	v49 =	vmul.f32 v43, v49;
	v24 =	vadd.f32 v42, v36;
	v36 =	vld.idx.msk [tilespmem:v47+s16+$0x0], $0xffff  }
0x201: {  	v43 =	vadd.s32 v1, v28;
	v42 =	vld.idx.msk [tilespmem:v34+s16+$0x0], $0xffff  }
0x202: {  	v45 =	vadd.s32 v10, v28;
	v47 =	vld.idx.msk [tilespmem:v48+s28+$0x0], $0xffff  }
0x203: {  	v34 =	vld.idx.msk [tilespmem:v34+s17+$0x0], $0xffff  }
0x204: {  	v44 =	vmul.f32 v56, v44;
	v17 =	vmul.f32 v17, v50;
	v48 =	vld.idx.msk [tilespmem:v51+s16+$0x0], $0xffff  }
0x205: {  	v37 =	vmul.f32 v37, v46;
	v53 =	vld.idx.msk [tilespmem:v35+s16+$0x0], $0xffff  }
0x206: {  	v32 =	vadd.s32 v6, v32;
	v35 =	vmul.f32 v36, v46;
	v36 =	vld.idx.msk [tilespmem:v43+s28+$0x0], $0xffff  }
0x207: {  	v42 =	vmul.f32 v42, v38;
	v43 =	vld.idx.msk [tilespmem:v45+s16+$0x0], $0xffff  }
0x208: {  	v45 =	vld.idx.msk [tilespmem:v45+s17+$0x0], $0xffff  }
0x209: {  	v29 =	vadd.f32 v42, v29;
	v34 =	vmul.f32 v34, v38;
	v46 =	vld.idx.msk [tilespmem:v33+s16+$0x0], $0xffff  }
0x20a: {  	v54 =	vadd.s32 v4, v28;
	v42 =	vadd.s32 v9, v28;
	v48 =	vmul.f32 v48, v47;
	v51 =	vld.idx.msk [tilespmem:v51+s17+$0x0], $0xffff  }
0x20b: {  	v55 =	vadd.f32 v34, v23;
	v35 =	vadd.f32 v35, v29;
	v23 =	vmul.f32 v53, v50;
	v34 =	vld.idx.msk [tilespmem:v32+s28+$0x0], $0xffff  }
.Ltmp2:
0x20c: {  	v31 =	vadd.f32 v44, v31;
	v38 =	vld.idx.msk [tilespmem:v40+s16+$0x0], $0xffff;
	(pc) =	sbr.rel @p1 .LBB2_7-.Ltmp2, $4  }
0x20d: {  	v37 =	vadd.f32 v37, v55;
	v29 =	vmul.f32 v43, v36;
	v40 =	vadd.s32 v8, v28;
	v33 =	vld.idx.msk [tilespmem:v33+s17+$0x0], $0xffff  }
0x20e: {  	v31 =	vadd.f32 v48, v31;
	v32 =	vmul.f32 v45, v36;
	v45 =	vadd.s32 v5, v28;
	v43 =	vld.idx.msk [tilespmem:v30+s17+$0x0], $0xffff  }
0x20f: {  	v41 =	vadd.f32 v41, v27;
	v28 =	vmul.f32 v46, v14;
	v30 =	vadd.s32 v8, v26;
	v36 =	vld.idx.msk [tilespmem:v54+s28+$0x0], $0xffff  }
0x210: {  	s6 =	smov.u32 s4;
	v27 =	vadd.f32 v49, v39;
	v31 =	vadd.f32 v52, v31;
	v44 =	vmul.f32 v51, v47;
	v39 =	vld.idx.msk [tilespmem:v42+s16+$0x0], $0xffff  }
0x211: {  	_ =	sdelay $0x3  }
0x212: {  	v26 =	vld.idx.msk [tilespmem:v22+s16+$0x0], $0xffff  }
0x213: {  	v22 =	vld.idx.msk [tilespmem:v22+s17+$0x0], $0xffff;
	_ =	sdelay $0x1  }
0x214: {  	v10 =	vshrl.u32 v10, $0x6;
	_ =	sdelay $0x1  }
0x215: {  	v26 =	vmul.f32 v26, v16  }
0x216: {  	v16 =	vmul.f32 v22, v16  }
0x217: {  	v22 =	vadd.f32 v26, v35  }
0x218: {  	v16 =	vadd.f32 v16, v37;
	v26 =	vld.idx.msk [tilespmem:v10+s18+$0x0], $0xffff  }
0x219: {  	v22 =	vadd.f32 v29, v22  }
0x21a: {  	v16 =	vadd.f32 v32, v16  }
0x21b: {  	v22 =	vmul.f32 $1.428571410e+01, v22  }
0x21c: {  	v16 =	vmul.f32 $1.428571410e+01, v16  }
0x21d: {  	v22 =	vsub.f32 v22, v26  }
0x21e: {  	v16 =	vsub.f32 v16, v26  }
0x21f: {  	v22 =	vmul.f32 $1.442695020e+00, v22  }
0x220: {  	v16 =	vmul.f32 $1.442695020e+00, v16  }
0x221: {  	(erf) = vpow2.f32 v22  }
0x222: {  	(erf) = vpow2.f32 v16;
	_ =	sdelay $0x1  }
0x223: {  	v25 =	vld.idx.msk [tilespmem:v25+s28+$0x0], $0xffff  }
0x224: {  	v29 =	vld.idx.msk [tilespmem:v30+s17+$0x0], $0xffff  }
0x225: {  	v30 =	vld.idx.msk [tilespmem:v30+s16+$0x0], $0xffff  }
0x226: {  	v26 =	vld.idx.msk [tilespmem:v45+s28+$0x0], $0xffff  }
0x227: {  	v9 =	vshrl.u32 v9, $0x6;
	v16 =	vld.idx.msk [tilespmem:v42+s17+$0x0], $0xffff  }
0x228: {  	v45 =	vld.idx.msk [tilespmem:v40+s16+$0x0], $0xffff  }
0x229: {  	v22 =	vld.idx.msk [tilespmem:v40+s17+$0x0], $0xffff;
	v46 =	vpop (erf)  }
0x22a: {  	v47 =	vadd.f32 v44, v41;
	v21 =	vmul.f32 v43, v21;
	v48 =	vpop (erf);
	[tilespmem:v10+s31+$0x0] =	vst.idx.add.f32.msk $0xffff, v46  }
0x22b: {  	v49 =	vmul.f32 v39, v36;
	[tilespmem:v10+s1+$0x0] =	vst.idx.add.f32.msk $0xffff, v48  }
0x22c: {  	v10 =	vmul.f32 v16, v36;
	v16 =	vadd.f32 v21, v47;
	v21 =	vld.idx.msk [tilespmem:v9+s18+$0x0], $0xffff  }
0x22d: {  	v31 =	vadd.f32 v49, v31  }
0x22e: {  	v10 =	vadd.f32 v10, v16  }
0x22f: {  	v16 =	vmul.f32 $1.428571410e+01, v31  }
0x230: {  	v10 =	vmul.f32 $1.428571410e+01, v10  }
0x231: {  	v16 =	vsub.f32 v16, v21  }
0x232: {  	v10 =	vsub.f32 v10, v21  }
0x233: {  	v16 =	vmul.f32 $1.442695020e+00, v16  }
0x234: {  	v10 =	vmul.f32 $1.442695020e+00, v10  }
0x235: {  	(erf) = vpow2.f32 v16  }
0x236: {  	(erf) = vpow2.f32 v10;
	_ =	sdelay $0x4  }
0x237: {  	v10 =	vmul.f32 v33, v14  }
0x238: {  	v8 =	vshrl.u32 v8, $0x6;
	v14 =	vadd.f32 v28, v20  }
0x239: {  	v10 =	vadd.f32 v10, v19  }
0x23a: {  	v16 =	vmul.f32 v30, v25;
	v14 =	vadd.f32 v23, v14;
	v19 =	vpop (erf)  }
0x23b: {  	v20 =	vmul.f32 v29, v25;
	v10 =	vadd.f32 v17, v10;
	v17 =	vpop (erf);
	[tilespmem:v9+s31+$0x0] =	vst.idx.add.f32.msk $0xffff, v19  }
0x23c: {  	v14 =	vadd.f32 v16, v14;
	v19 =	vmul.f32 v45, v26;
	[tilespmem:v9+s1+$0x0] =	vst.idx.add.f32.msk $0xffff, v17  }
0x23d: {  	v10 =	vadd.f32 v20, v10;
	v9 =	vmul.f32 v22, v26;
	v16 =	vld.idx.msk [tilespmem:v8+s18+$0x0], $0xffff  }
0x23e: {  	v14 =	vadd.f32 v19, v14  }
0x23f: {  	v9 =	vadd.f32 v9, v10  }
0x240: {  	v10 =	vmul.f32 $1.428571410e+01, v14  }
0x241: {  	v9 =	vmul.f32 $1.428571410e+01, v9  }
0x242: {  	v10 =	vsub.f32 v10, v16  }
0x243: {  	v9 =	vsub.f32 v9, v16  }
0x244: {  	v10 =	vmul.f32 $1.442695020e+00, v10  }
0x245: {  	v9 =	vmul.f32 $1.442695020e+00, v9  }
0x246: {  	(erf) = vpow2.f32 v10  }
0x247: {  	(erf) = vpow2.f32 v9;
	_ =	sdelay $0x5  }
0x248: {  	v7 =	vshrl.u32 v7, $0x6;
	v9 =	vmul.f32 v38, v34  }
0x249: {  	v10 =	vmul.f32 v18, v34  }
0x24a: {  	v9 =	vadd.f32 v9, v27;
	v14 =	vpop (erf)  }
0x24b: {  	v10 =	vadd.f32 v10, v24;
	v16 =	vpop (erf);
	[tilespmem:v8+s31+$0x0] =	vst.idx.add.f32.msk $0xffff, v14  }
0x24c: {  	v9 =	vadd.f32 v13, v9;
	[tilespmem:v8+s1+$0x0] =	vst.idx.add.f32.msk $0xffff, v16  }
0x24d: {  	v8 =	vadd.f32 v15, v10;
	v10 =	vld.idx.msk [tilespmem:v7+s18+$0x0], $0xffff  }
0x24e: {  	v9 =	vadd.f32 v12, v9  }
0x24f: {  	v8 =	vadd.f32 v11, v8  }
0x250: {  	v9 =	vmul.f32 $1.428571410e+01, v9  }
0x251: {  	v8 =	vmul.f32 $1.428571410e+01, v8  }
0x252: {  	v9 =	vsub.f32 v9, v10  }
0x253: {  	v8 =	vsub.f32 v8, v10  }
0x254: {  	v9 =	vmul.f32 $1.442695020e+00, v9  }
0x255: {  	v8 =	vmul.f32 $1.442695020e+00, v8  }
0x256: {  	(erf) = vpow2.f32 v9  }
0x257: {  	(erf) = vpow2.f32 v8;
	_ =	sdelay $0x7  }
0x258: {  	v8 =	vpop (erf)  }
0x259: {  	v9 =	vpop (erf);
	[tilespmem:v7+s31+$0x0] =	vst.idx.add.f32.msk $0xffff, v8  }
0x25a: {  	s4 =	sadd.s32 @!p0 $0x180, s5;
	s5 =	simm.s32 @!p0 $0x40;
	s6 =	simm.s32 @!p0 $0x1A508;
	[tilespmem:v7+s1+$0x0] =	vst.idx.add.f32.msk $0xffff, v9  }
0x25b: {  	[tilespmem:s6], [sflag:$0x3] =	stream.indirect.gather @!p0 [hbm4b:s3+s5], $0x40, s4, s5, $0xb8;
	[tilespmem:$0x1C508] =	vst v63  }
0x25c: {  	s8 =	simm.s32 $0x0;
	_ =	swait.ge [sflag:s20], $0x1000  }
0x25d: {  	s9 =	simm.s32 $0x2;
	v7 =	vadd.s32 s8, v0;
	[sflag:s20] =	ssyncset.done $0x0  }
0x25e: {  	v10 =	vadd.s32 s9, v0;
	v8 =	vadd.s32 s8, v3;
	vm0 =	vgt.u32 v7, $0x3F;
	[sflag:s20] =	ssyncadd.s32 $0xFFFFF000  }
0x25f: {  	vm13 =	vgt.u32 v10, $0x3F;
	v12 =	vsel vm0, v8, v7;
	v7 =	vadd.s32 s9, v3;
	v9 =	vld [tilespmem:s21+$0x8010]  }
0x260: {  	s10 =	simm.s32 $0x3;
	v11 =	vadd.s32 v1, v12;
	v19 =	vsel vm13, v7, v10;
	v7 =	vld [tilespmem:s21+$0x8030]  }
0x261: {  	v15 =	vadd.s32 s10, v0;
	v14 =	vadd.s32 v4, v12;
	v10 =	vld [tilespmem:s21+$0x8000]  }
0x262: {  	v16 =	vadd.s32 s10, v3;
	vm14 =	vgt.u32 v15, $0x3F;
	v18 =	vadd.s32 v6, v12;
	v8 =	vld [tilespmem:s21+$0x8020];
	s21 =	simm.s32 $0x1  }
0x263: {  	v26 =	vsel vm14, v16, v15;
	v13 =	vadd.s32 v1, v19;
	v21 =	vadd.s32 s21, v0  }
0x264: {  	v51 =	vadd.s32 v4, v19;
	v50 =	vadd.s32 s21, v3;
	vm15 =	vgt.u32 v21, $0x3F  }
0x265: {  	v23 =	vld.idx.msk [tilespmem:v11+s29+$0x0], $0xffff;
	v11 =	vadd.s32 v6, v26;
	v32 =	vsel vm15, v50, v21  }
0x266: {  	v24 =	vld.idx.msk [tilespmem:v14+s29+$0x0], $0xffff;
	v56 =	vadd.s32 v1, v32  }
0x267: {  	v54 =	vld.idx.msk [tilespmem:v18+s29+$0x0], $0xffff;
	v60 =	vadd.s32 v4, v32  }
0x268: {  	v16 =	vld.idx.msk [tilespmem:v13+s29+$0x0], $0xffff;
	v17 =	vadd.s32 v9, v12  }
0x269: {  	v21 =	vld.idx.msk [tilespmem:v51+s29+$0x0], $0xffff  }
0x26a: {  	v27 =	vadd.s32 v9, v19;
	v22 =	vld.idx.msk [tilespmem:v11+s29+$0x0], $0xffff  }
0x26b: {  	v13 =	vadd.s32 v7, v26;
	v33 =	vld.idx.msk [tilespmem:v56+s29+$0x0], $0xffff  }
0x26c: {  	v14 =	vadd.s32 v7, v19;
	v48 =	vld.idx.msk [tilespmem:v60+s29+$0x0], $0xffff  }
0x26d: {  	v25 =	vld.idx.msk [tilespmem:v17+s16+$0x0], $0xffff  }
0x26e: {  	v15 =	vld.idx.msk [tilespmem:v17+s17+$0x0], $0xffff  }
0x26f: {  	v30 =	vadd.s32 v7, v12;
	v28 =	vld.idx.msk [tilespmem:v27+s16+$0x0], $0xffff  }
0x270: {  	v20 =	vld.idx.msk [tilespmem:v13+s17+$0x0], $0xffff  }
0x271: {  	v36 =	vadd.s32 v7, v32;
	v29 =	vld.idx.msk [tilespmem:v14+s17+$0x0], $0xffff  }
0x272: {  	v53 =	vadd.s32 v8, v32;
	v31 =	vld.idx.msk [tilespmem:v14+s16+$0x0], $0xffff  }
0x273: {  	v57 =	vadd.s32 v10, v12;
	v52 =	vld.idx.msk [tilespmem:v13+s16+$0x0], $0xffff  }
0x274: {  	v55 =	vld.idx.msk [tilespmem:v30+s17+$0x0], $0xffff  }
0x275: {  	v30 =	vld.idx.msk [tilespmem:v30+s16+$0x0], $0xffff  }
0x276: {  	v11 =	vadd.s32 v5, v12;
	v18 =	vld.idx.msk [tilespmem:v36+s17+$0x0], $0xffff  }
0x277: {  	v63 =	vadd.s32 v10, v26;
	v58 =	vld.idx.msk [tilespmem:v53+s17+$0x0], $0xffff  }
0x278: {  	v17 =	vadd.s32 v6, v19;
	v46 =	vld.idx.msk [tilespmem:v57+s16+$0x0], $0xffff  }
0x279: {  	v61 =	vadd.s32 v9, v32;
	v39 =	vld.idx.msk [tilespmem:v57+s17+$0x0], $0xffff  }
0x27a: {  	v13 =	vadd.s32 v5, v32;
	v38 =	vld.idx.msk [tilespmem:v53+s16+$0x0], $0xffff  }
0x27b: {  	v14 =	vld.idx.msk [tilespmem:v11+s29+$0x0], $0xffff;
	v11 =	vadd.s32 v10, v32  }
0x27c: {  	v56 =	vld.idx.msk [tilespmem:v63+s16+$0x0], $0xffff  }
0x27d: {  	v17 =	vld.idx.msk [tilespmem:v17+s29+$0x0], $0xffff  }
0x27e: {  	v47 =	vadd.s32 v1, v26;
	v45 =	vadd.s32 v5, v26;
	v50 =	vadd.s32 v8, v12;
	v44 =	vld.idx.msk [tilespmem:v61+s17+$0x0], $0xffff  }
0x27f: {  	v42 =	vadd.s32 v9, v26;
	v43 =	vld.idx.msk [tilespmem:v13+s29+$0x0], $0xffff;
	v49 =	vmul.f32 v15, v24;
	v12 =	vmul.f32 v52, v22  }
0x280: {  	v40 =	vadd.s32 v8, v26;
	v51 =	vmul.f32 v28, v21;
	v52 =	vmul.f32 v30, v54;
	v59 =	vld.idx.msk [tilespmem:v11+s17+$0x0], $0xffff  }
0x281: {  	v28 =	vadd.s32 v6, v32;
	v57 =	vmul.f32 v46, v23;
	v23 =	vmul.f32 v39, v23;
	v62 =	vld.idx.msk [tilespmem:v11+s16+$0x0], $0xffff  }
0x282: {  	v11 =	vmul.f32 v20, v22;
	v20 =	vimm.f32 $0.0e+00;
	v15 =	vmul.f32 v29, v17;
	v29 =	vld.idx.msk [tilespmem:v61+s16+$0x0], $0xffff  }
0x283: {  	v30 =	vld.idx.msk [tilespmem:v47+s29+$0x0], $0xffff;
	v44 =	vmul.f32 v44, v48;
	v22 =	vadd.s32 v10, v19;
	v60 =	vadd.f32 v57, v20  }
0x284: {  	v39 =	vld.idx.msk [tilespmem:v42+s16+$0x0], $0xffff;
	v41 =	vadd.f32 v49, v20;
	v13 =	vmul.f32 v31, v17;
	v31 =	vmul.f32 v55, v54  }
0x285: {  	v55 =	vmul.f32 v25, v24;
	v17 =	vmul.f32 v58, v43;
	v58 =	vld.idx.msk [tilespmem:v63+s17+$0x0], $0xffff;
	v61 =	vadd.s32 v4, v26  }
0x286: {  	v24 =	vadd.f32 v31, v20;
	v31 =	vmul.f32 v59, v33;
	v33 =	vmul.f32 v62, v33;
	v59 =	vld.idx.msk [tilespmem:v50+s16+$0x0], $0xffff  }
0x287: {  	v34 =	vld.idx.msk [tilespmem:v28+s29+$0x0], $0xffff;
	v28 =	vadd.f32 v55, v20;
	v62 =	vadd.f32 v23, v20;
	v63 =	vmul.f32 v29, v48  }
0x288: {  	v23 =	vmul.f32 v38, v43;
	v43 =	vld.idx.msk [tilespmem:v27+s17+$0x0], $0xffff;
	v27 =	vadd.f32 v52, v20;
	v35 =	vadd.f32 v33, v60  }
0x289: {  	v25 =	vadd.s32 v5, v19;
	v38 =	vld.idx.msk [tilespmem:v36+s16+$0x0], $0xffff;
	v37 =	vadd.f32 v31, v62;
	v31 =	vadd.f32 v63, v28  }
0x28a: {  	v33 =	vld.idx.msk [tilespmem:v50+s17+$0x0], $0xffff;
	v29 =	vmul.f32 v56, v30;
	v32 =	vmul.f32 v58, v30;
	v30 =	vadd.s32 v8, v19  }
0x28b: {  	s5 =	simm.s32 $0x4;
	v36 =	vld.idx.msk [tilespmem:v61+s29+$0x0], $0xffff;
	v19 =	vimm.f32 $0.0e+00;
	v28 =	vmul.f32 v59, v14;
	v31 =	vadd.f32 v51, v31  }
.LBB2_9:
0x28c: {  	s6 =	sadd.s32 $0x2, s5  }
0x28d: {  	v26 =	vadd.s32 s5, v0;
	v46 =	vadd.s32 s5, v3;
	s7 =	sadd.s32 $0x3, s5;
	v18 =	vmul.f32 v18, v34;
	v42 =	vld.idx.msk [tilespmem:v42+s17+$0x0], $0xffff;
	s8 =	smov.u32 s5;
	s4 =	sadd.s32 $0x4, s5  }
0x28e: {  	p0 =	slt.u32 s5, $0x3C;
	v48 =	vmul.f32 v38, v34;
	vm0 =	vgt.u32 v26, $0x3F;
	v47 =	vadd.s32 s6, v0;
	v49 =	vld.idx.msk [tilespmem:v40+s17+$0x0], $0xffff  }
0x28f: {  	v46 =	vsel vm0, v46, v26;
	vm0 =	vgt.u32 v47, $0x3F;
	v18 =	vadd.f32 v18, v24;
	v24 =	vld.idx.msk [tilespmem:v45+s29+$0x0], $0xffff  }
0x290: {  	v26 =	vadd.s32 s6, v3;
	v21 =	vmul.f32 v43, v21;
	v38 =	vadd.s32 v1, v46;
	v45 =	vld.idx.msk [tilespmem:v22+s16+$0x0], $0xffff  }
0x291: {  	v20 =	vadd.f32 v28, v20;
	v34 =	vadd.s32 v10, v46;
	v26 =	vsel vm0, v26, v47;
	v22 =	vld.idx.msk [tilespmem:v22+s17+$0x0], $0xffff  }
0x292: {  	v28 =	vadd.s32 s7, v3;
	v41 =	vadd.f32 v44, v41;
	v43 =	vadd.s32 v1, v26;
	v25 =	vld.idx.msk [tilespmem:v25+s29+$0x0], $0xffff  }
0x293: {  	v44 =	vadd.s32 v4, v46;
	v47 =	vadd.s32 s7, v0;
	v42 =	vmul.f32 v42, v36;
	v50 =	vld.idx.msk [tilespmem:v30+s17+$0x0], $0xffff  }
0x294: {  	v14 =	vmul.f32 v33, v14;
	v51 =	vadd.s32 v9, v46;
	vm0 =	vgt.u32 v47, $0x3F;
	v52 =	vld.idx.msk [tilespmem:v30+s16+$0x0], $0xffff  }
0x295: {  	v28 =	vsel vm0, v28, v47;
	v30 =	vadd.s32 v9, v26;
	v47 =	vmul.f32 v49, v24;
	v38 =	vld.idx.msk [tilespmem:v38+s29+$0x0], $0xffff  }
0x296: {  	v53 =	vadd.s32 v6, v28;
	v49 =	vadd.s32 v5, v46;
	v45 =	vmul.f32 v45, v16;
	v40 =	vld.idx.msk [tilespmem:v40+s16+$0x0], $0xffff  }
0x297: {  	v33 =	vadd.s32 v8, v46;
	v15 =	vadd.f32 v15, v18;
	v54 =	vadd.s32 v7, v28;
	v43 =	vld.idx.msk [tilespmem:v43+s29+$0x0], $0xffff  }
0x298: {  	s5 =	sadd.s32 $0x1, s8;
	v18 =	vadd.s32 v6, v26;
	v55 =	vadd.s32 v7, v26;
	v16 =	vmul.f32 v22, v16;
	v44 =	vld.idx.msk [tilespmem:v44+s29+$0x0], $0xffff  }
0x299: {  	v58 =	vadd.s32 s5, v0;
	v57 =	vadd.s32 v6, v46;
	v50 =	vmul.f32 v50, v25;
	v56 =	vld.idx.msk [tilespmem:v51+s16+$0x0], $0xffff  }
0x29a: {  	v27 =	vadd.f32 v48, v27;
	vm0 =	vgt.u32 v58, $0x3F;
	v46 =	vadd.s32 v7, v46;
	v51 =	vld.idx.msk [tilespmem:v51+s17+$0x0], $0xffff  }
0x29b: {  	v48 =	vadd.s32 s5, v3;
	v22 =	vadd.s32 v10, v26;
	v35 =	vadd.f32 v45, v35;
	v53 =	vld.idx.msk [tilespmem:v53+s29+$0x0], $0xffff  }
0x29c: {  	v14 =	vadd.f32 v14, v19;
	v13 =	vadd.f32 v13, v27;
	v19 =	vmul.f32 v39, v36;
	v45 =	vld.idx.msk [tilespmem:v30+s16+$0x0], $0xffff  }
0x29d: {  	v36 =	vadd.f32 v11, v15;
	v16 =	vadd.f32 v16, v37;
	v24 =	vmul.f32 v40, v24;
	v27 =	vld.idx.msk [tilespmem:v54+s17+$0x0], $0xffff  }
0x29e: {  	v21 =	vadd.f32 v21, v41;
	v15 =	vadd.s32 v4, v26;
	v39 =	vadd.f32 v12, v13;
	v37 =	vld.idx.msk [tilespmem:v55+s17+$0x0], $0xffff  }
0x29f: {  	v11 =	vadd.f32 v17, v14;
	v31 =	vadd.f32 v19, v31;
	v13 =	vmul.f32 v52, v25;
	v12 =	vld.idx.msk [tilespmem:v55+s16+$0x0], $0xffff  }
0x2a0: {  	v41 =	vmul.f32 v51, v44;
	v17 =	vld.idx.msk [tilespmem:v18+s29+$0x0], $0xffff;
	v18 =	vadd.f32 v23, v20;
	v23 =	vadd.f32 v32, v16  }
0x2a1: {  	v29 =	vadd.f32 v29, v35;
	v32 =	vsel vm0, v48, v58;
	v16 =	vadd.f32 v50, v11;
	v14 =	vld.idx.msk [tilespmem:v49+s29+$0x0], $0xffff  }
0x2a2: {  	v35 =	vadd.s32 v8, v32;
	v40 =	vadd.s32 v7, v32;
	v48 =	vld.idx.msk [tilespmem:v54+s16+$0x0], $0xffff;
	v13 =	vadd.f32 v13, v18  }
0x2a3: {  	v11 =	vmul.f32 v27, v53;
	v27 =	vadd.f32 v42, v21;
	v19 =	vadd.f32 v47, v16;
	v49 =	vld.idx.msk [tilespmem:v57+s29+$0x0], $0xffff  }
0x2a4: {  	v25 =	vadd.s32 v5, v26;
	v47 =	vadd.s32 v10, v32;
	v42 =	vld.idx.msk [tilespmem:v46+s17+$0x0], $0xffff;
	v20 =	vadd.f32 v24, v13  }
0x2a5: {  	v24 =	vadd.s32 v5, v32;
	v16 =	vmov v43;
	v21 =	vld.idx.msk [tilespmem:v15+s29+$0x0], $0xffff  }
0x2a6: {  	v13 =	vmul.f32 v12, v17;
	v15 =	vmul.f32 v37, v17;
	v43 =	vld.idx.msk [tilespmem:v46+s16+$0x0], $0xffff;
	v46 =	vadd.s32 v1, v32  }
0x2a7: {  	v18 =	vld.idx.msk [tilespmem:v40+s17+$0x0], $0xffff  }
0x2a8: {  	v12 =	vmul.f32 v48, v53;
	v17 =	vld.idx.msk [tilespmem:v35+s17+$0x0], $0xffff  }
0x2a9: {  	v48 =	vadd.s32 v4, v32;
	v37 =	vld.idx.msk [tilespmem:v47+s17+$0x0], $0xffff  }
0x2aa: {  	v42 =	vmul.f32 v42, v49;
	v50 =	vld.idx.msk [tilespmem:v24+s29+$0x0], $0xffff  }
0x2ab: {  	v51 =	vadd.s32 v9, v32;
	v52 =	vmul.f32 v45, v21;
	v46 =	vld.idx.msk [tilespmem:v46+s29+$0x0], $0xffff  }
0x2ac: {  	v49 =	vmul.f32 v43, v49;
	v24 =	vadd.f32 v42, v36;
	v36 =	vld.idx.msk [tilespmem:v47+s16+$0x0], $0xffff  }
0x2ad: {  	v43 =	vadd.s32 v1, v28;
	v42 =	vld.idx.msk [tilespmem:v34+s16+$0x0], $0xffff  }
0x2ae: {  	v45 =	vadd.s32 v10, v28;
	v47 =	vld.idx.msk [tilespmem:v48+s29+$0x0], $0xffff  }
0x2af: {  	v34 =	vld.idx.msk [tilespmem:v34+s17+$0x0], $0xffff  }
0x2b0: {  	v44 =	vmul.f32 v56, v44;
	v17 =	vmul.f32 v17, v50;
	v48 =	vld.idx.msk [tilespmem:v51+s16+$0x0], $0xffff  }
0x2b1: {  	v37 =	vmul.f32 v37, v46;
	v53 =	vld.idx.msk [tilespmem:v35+s16+$0x0], $0xffff  }
0x2b2: {  	v32 =	vadd.s32 v6, v32;
	v35 =	vmul.f32 v36, v46;
	v36 =	vld.idx.msk [tilespmem:v43+s29+$0x0], $0xffff  }
0x2b3: {  	v42 =	vmul.f32 v42, v38;
	v43 =	vld.idx.msk [tilespmem:v45+s16+$0x0], $0xffff  }
0x2b4: {  	v45 =	vld.idx.msk [tilespmem:v45+s17+$0x0], $0xffff  }
0x2b5: {  	v29 =	vadd.f32 v42, v29;
	v34 =	vmul.f32 v34, v38;
	v46 =	vld.idx.msk [tilespmem:v33+s16+$0x0], $0xffff  }
0x2b6: {  	v54 =	vadd.s32 v4, v28;
	v42 =	vadd.s32 v9, v28;
	v48 =	vmul.f32 v48, v47;
	v51 =	vld.idx.msk [tilespmem:v51+s17+$0x0], $0xffff  }
0x2b7: {  	v55 =	vadd.f32 v34, v23;
	v35 =	vadd.f32 v35, v29;
	v23 =	vmul.f32 v53, v50;
	v34 =	vld.idx.msk [tilespmem:v32+s29+$0x0], $0xffff  }
.Ltmp3:
0x2b8: {  	v31 =	vadd.f32 v44, v31;
	v38 =	vld.idx.msk [tilespmem:v40+s16+$0x0], $0xffff;
	(pc) =	sbr.rel @p0 .LBB2_9-.Ltmp3, $4  }
0x2b9: {  	v37 =	vadd.f32 v37, v55;
	v29 =	vmul.f32 v43, v36;
	v40 =	vadd.s32 v8, v28;
	v33 =	vld.idx.msk [tilespmem:v33+s17+$0x0], $0xffff  }
0x2ba: {  	v31 =	vadd.f32 v48, v31;
	v32 =	vmul.f32 v45, v36;
	v45 =	vadd.s32 v5, v28;
	v43 =	vld.idx.msk [tilespmem:v30+s17+$0x0], $0xffff  }
0x2bb: {  	v41 =	vadd.f32 v41, v27;
	v28 =	vmul.f32 v46, v14;
	v30 =	vadd.s32 v8, v26;
	v36 =	vld.idx.msk [tilespmem:v54+s29+$0x0], $0xffff  }
0x2bc: {  	s5 =	smov.u32 s4;
	v27 =	vadd.f32 v49, v39;
	v31 =	vadd.f32 v52, v31;
	v44 =	vmul.f32 v51, v47;
	v39 =	vld.idx.msk [tilespmem:v42+s16+$0x0], $0xffff  }
0x2bd: {  	_ =	sdelay $0x3  }
0x2be: {  	v26 =	vld.idx.msk [tilespmem:v22+s16+$0x0], $0xffff  }
0x2bf: {  	v51 =	vld.idx.msk [tilespmem:v22+s17+$0x0], $0xffff;
	_ =	sdelay $0x1  }
0x2c0: {  	v10 =	vshrl.u32 v10, $0x6;
	_ =	sdelay $0x1  }
0x2c1: {  	v26 =	vmul.f32 v26, v16  }
0x2c2: {  	v52 =	vmul.f32 v51, v16  }
0x2c3: {  	v53 =	vadd.f32 v26, v35  }
0x2c4: {  	v54 =	vld.idx.msk [tilespmem:v10+s18+$0x0], $0xffff;
	v16 =	vadd.f32 v52, v37  }
0x2c5: {  	v22 =	vadd.f32 v29, v53  }
0x2c6: {  	v16 =	vadd.f32 v32, v16  }
0x2c7: {  	v22 =	vmul.f32 $1.428571410e+01, v22  }
0x2c8: {  	v16 =	vmul.f32 $1.428571410e+01, v16  }
0x2c9: {  	v22 =	vsub.f32 v22, v54  }
0x2ca: {  	v16 =	vsub.f32 v16, v54  }
0x2cb: {  	v22 =	vmul.f32 $1.442695020e+00, v22  }
0x2cc: {  	v16 =	vmul.f32 $1.442695020e+00, v16  }
0x2cd: {  	(erf) = vpow2.f32 v22  }
0x2ce: {  	(erf) = vpow2.f32 v16;
	_ =	sdelay $0x1  }
0x2cf: {  	v55 =	vld.idx.msk [tilespmem:v42+s17+$0x0], $0xffff  }
0x2d0: {  	v56 =	vld.idx.msk [tilespmem:v40+s17+$0x0], $0xffff  }
0x2d1: {  	v57 =	vld.idx.msk [tilespmem:v45+s29+$0x0], $0xffff  }
0x2d2: {  	v25 =	vld.idx.msk [tilespmem:v25+s29+$0x0], $0xffff  }
0x2d3: {  	v58 =	vld.idx.msk [tilespmem:v30+s17+$0x0], $0xffff;
	v9 =	vshrl.u32 v9, $0x6  }
0x2d4: {  	v59 =	vld.idx.msk [tilespmem:v30+s16+$0x0], $0xffff  }
0x2d5: {  	v60 =	vld.idx.msk [tilespmem:v40+s16+$0x0], $0xffff;
	v61 =	vpop (erf)  }
0x2d6: {  	v62 =	vadd.f32 v44, v41;
	v21 =	vmul.f32 v43, v21;
	v63 =	vpop (erf);
	[tilespmem:v10+s31+$0x0] =	vst.idx.add.f32.msk $0xffff, v61  }
0x2d7: {  	v43 =	vmul.f32 v39, v36;
	[tilespmem:v10+s1+$0x0] =	vst.idx.add.f32.msk $0xffff, v63  }
0x2d8: {  	v45 =	vadd.f32 v21, v62;
	v44 =	vmul.f32 v55, v36;
	v46 =	vld.idx.msk [tilespmem:v9+s18+$0x0], $0xffff  }
0x2d9: {  	v31 =	vadd.f32 v43, v31  }
0x2da: {  	v10 =	vadd.f32 v44, v45  }
0x2db: {  	v47 =	vmul.f32 $1.428571410e+01, v31  }
0x2dc: {  	v10 =	vmul.f32 $1.428571410e+01, v10  }
0x2dd: {  	v16 =	vsub.f32 v47, v46  }
0x2de: {  	v10 =	vsub.f32 v10, v46  }
0x2df: {  	v16 =	vmul.f32 $1.442695020e+00, v16  }
0x2e0: {  	v10 =	vmul.f32 $1.442695020e+00, v10  }
0x2e1: {  	(erf) = vpow2.f32 v16  }
0x2e2: {  	(erf) = vpow2.f32 v10;
	_ =	sdelay $0x4  }
0x2e3: {  	v48 =	vmul.f32 v33, v14  }
0x2e4: {  	v49 =	vadd.f32 v28, v20;
	v8 =	vshrl.u32 v8, $0x6  }
0x2e5: {  	v10 =	vadd.f32 v48, v19  }
0x2e6: {  	v14 =	vadd.f32 v23, v49;
	v50 =	vmul.f32 v59, v25;
	v51 =	vpop (erf)  }
0x2e7: {  	v52 =	vmul.f32 v58, v25;
	v10 =	vadd.f32 v17, v10;
	v53 =	vpop (erf);
	[tilespmem:v9+s31+$0x0] =	vst.idx.add.f32.msk $0xffff, v51  }
0x2e8: {  	v14 =	vadd.f32 v50, v14;
	v54 =	vmul.f32 v60, v57;
	[tilespmem:v9+s1+$0x0] =	vst.idx.add.f32.msk $0xffff, v53  }
0x2e9: {  	v55 =	vmul.f32 v56, v57;
	v10 =	vadd.f32 v52, v10;
	v56 =	vld.idx.msk [tilespmem:v8+s18+$0x0], $0xffff  }
0x2ea: {  	v14 =	vadd.f32 v54, v14  }
0x2eb: {  	v9 =	vadd.f32 v55, v10  }
0x2ec: {  	v57 =	vmul.f32 $1.428571410e+01, v14  }
0x2ed: {  	v9 =	vmul.f32 $1.428571410e+01, v9  }
0x2ee: {  	v10 =	vsub.f32 v57, v56  }
0x2ef: {  	v9 =	vsub.f32 v9, v56  }
0x2f0: {  	v10 =	vmul.f32 $1.442695020e+00, v10  }
0x2f1: {  	v9 =	vmul.f32 $1.442695020e+00, v9  }
0x2f2: {  	(erf) = vpow2.f32 v10  }
0x2f3: {  	(erf) = vpow2.f32 v9;
	_ =	sdelay $0x5  }
0x2f4: {  	v7 =	vshrl.u32 v7, $0x6;
	v58 =	vmul.f32 v38, v34  }
0x2f5: {  	v59 =	vmul.f32 v18, v34  }
0x2f6: {  	v9 =	vadd.f32 v58, v27;
	v60 =	vpop (erf)  }
0x2f7: {  	v10 =	vadd.f32 v59, v24;
	v61 =	vpop (erf);
	[tilespmem:v8+s31+$0x0] =	vst.idx.add.f32.msk $0xffff, v60  }
0x2f8: {  	v9 =	vadd.f32 v13, v9;
	[tilespmem:v8+s1+$0x0] =	vst.idx.add.f32.msk $0xffff, v61  }
0x2f9: {  	v8 =	vadd.f32 v15, v10;
	v62 =	vld.idx.msk [tilespmem:v7+s18+$0x0], $0xffff  }
0x2fa: {  	v9 =	vadd.f32 v12, v9  }
0x2fb: {  	v8 =	vadd.f32 v11, v8  }
0x2fc: {  	v9 =	vmul.f32 $1.428571410e+01, v9  }
0x2fd: {  	v8 =	vmul.f32 $1.428571410e+01, v8  }
0x2fe: {  	v9 =	vsub.f32 v9, v62  }
0x2ff: {  	v8 =	vsub.f32 v8, v62  }
0x300: {  	v9 =	vmul.f32 $1.442695020e+00, v9  }
0x301: {  	v8 =	vmul.f32 $1.442695020e+00, v8  }
0x302: {  	(erf) = vpow2.f32 v9  }
0x303: {  	(erf) = vpow2.f32 v8;
	_ =	sdelay $0x3  }
0x304: {  	s19 =	sadd.s32 $0x1, s19  }
0x305: {  	p0 =	sne.s32 s19, $0x80  }
.Ltmp4:
0x306: {  	_ = 	snop;
	(pc) =	sbr.rel @p0 .LBB2_2-.Ltmp4, $4  }
0x307: {  	_ = 	snop  }
0x308: {  	v8 =	vpop (erf)  }
0x309: {  	v63 =	vpop (erf);
	[tilespmem:v7+s31+$0x0] =	vst.idx.add.f32.msk $0xffff, v8  }
0x30a: {  	[tilespmem:v7+s1+$0x0] =	vst.idx.add.f32.msk $0xffff, v63  }
0x30b: {  	[hbm4b:s11+s2] =	stream.linear.scatter [tilespmem:s31], [sflag:$0x6], $0x100, $0x38;
	[tilespmem:$0x1C508] =	vst v63  }
0x30c: {  	s26 =	sadd.s32 $0x1, s26;
	_ =	swait.ge [sflag:s14], $0x100  }
0x30d: {  	p0 =	sne.s32 s26, s13;
	[sflag:s14] =	ssyncset.done $0x0  }
.Ltmp5:
0x30e: {  	[sflag:s14] =	ssyncadd.s32 $0xFFFFFF00;
	(pc) =	sbr.rel @p0 .LBB2_1-.Ltmp5, $4  }
0x30f: {  	[hbm4b:s12+s2] =	stream.linear.scatter [tilespmem:s1], [sflag:$0x6], $0x100, $0x38;
	[tilespmem:$0x1C508] =	vst v63  }
0x310: {  	_ =	swait.ge [sflag:s14], $0x100  }
0x311: {  	[sflag:s14] =	ssyncset.done $0x0  }
0x312: {  	[sflag:s14] =	ssyncadd.s32 $0xFFFFFF00  }
0x313: {  	_ =	sfence.sel $0x180000  }
0x314: {  	[bflag:$0x0] =	sbarrier.arrive $0xFFFF  }
0x315: {  	_ =	strace $0x90000047  }
0x316: {  	s0 =	stileid.u32;
	[bflag:$0x2] =	sbarrier.arrive $0xFFFF  }
0x317: {  	p0 =	sne.s32 s0, $0x0;
	s0 =	rddreg [dreg:$0x2]  }
0x318: {  	s0 =	sadd.s32 @!p0 $0x100000, s0  }
0x319: {  	[sflag:s0] =	ssyncadd.tile.s32 @!p0 $0x1;
	_ =	shalt  }
.Lfunc_end2:
_tile_overlayer_lowered:
.L_overlay_start_2:
0x31a: {  	(tag) =	ssettag $0x2  }
0x31b: {  	s0 =	rddreg [dreg:$0x0];
	s2 =	stileid.u32  }
0x31c: {  	s1 =	rddreg [dreg:$0x1];
	p0 =	sne.s32 s2, $0x0  }
0x31d: {  	s3 =	rddreg [dreg:$0x2];
	[bflag:$0x3] =	sbarrier.arrive $0xFFFF;
	s2 =	simm.s32 @!p0 $0x1C06  }
0x31e: {  	[timem:s3], [sflag:s2] =	dma.local @!p0 [hbm:s0], s1  }
0x31f: {  	s0 =	simm.s32 @!p0 $0x6  }
0x320: {  	_ =	swait.ge @!p0 [sflag:s0], s1  }
0x321: {  	s1 =	ssub.s32 @!p0 $0x0, s1;
	[sflag:s0] =	ssyncset.done @!p0 $0x0  }
0x322: {  	[sflag:s0] =	ssyncadd.s32 @!p0 s1  }
0x323: {  	[bflag:$0x3] =	sbarrier.arrive $0xFFFF  }
0x324: {  	_ =	shalt  }

</sc_bundles>
